<compile_context>
chip_gen: v7x
topology: tpu7x:2x2x1
jax: 0.10.2.dev20260603
libtpu: 0.0.44.dev20260713+nightly
codegen_flags: <defaults>
</compile_context>

<pallas_src>
import dataclasses

import jax
import jax.numpy as jnp
from jax.experimental import pallas as pl
from jax.experimental.pallas import tpu as pltpu
from jax.experimental.pallas import tpu_sc as plsc

N = 10000
E = 320000
H = 128
LH = 64
NP = 10240
NC = 2
NS = 16
NW = NC * NS
EPW = E // NW
CD = 2000
CE = 200
SLICE = NP // NS

_f32 = jnp.float32
_i32 = jnp.int32


def _vector_mesh():
    return plsc.VectorSubcoreMesh(core_axis_name="c", subcore_axis_name="s")


def _sc_params():
    cp = pltpu.CompilerParams()
    if "needs_layout_passes" in pltpu.CompilerParams.__dataclass_fields__:
        cp = dataclasses.replace(cp, needs_layout_passes=False)
    return cp


def _deg_body(col_hbm, ea_hbm, out_hbm, colv, eav, degv, tmpv, accv, shared):
    cid = jax.lax.axis_index("c")
    sid = jax.lax.axis_index("s")
    wid = cid * NS + sid

    @pl.loop(0, NP, step=16)
    def _zero(i):
        degv[pl.ds(i, 16)] = jnp.zeros((16,), _f32)

    @pl.loop(0, EPW, step=CD)
    def _chunk(cb):
        base = pl.multiple_of(wid * EPW + cb, 8)
        pltpu.sync_copy(col_hbm.at[pl.ds(base, CD)], colv)
        pltpu.sync_copy(ea_hbm.at[pl.ds(base, CD)], eav)

        @pl.loop(0, CD, step=16)
        def _vec(j):
            idx = colv[pl.ds(j, 16)]
            val = eav[pl.ds(j, 16)]
            plsc.addupdate_scatter(degv, [idx], val)

    pltpu.sync_copy(degv, shared.at[sid])
    plsc.subcore_barrier()

    off = sid * SLICE

    @pl.loop(0, SLICE, step=16)
    def _zacc(i):
        accv[pl.ds(i, 16)] = jnp.zeros((16,), _f32)

    for w in range(NS):
        pltpu.sync_copy(shared.at[w, pl.ds(off, SLICE)], tmpv)

        @pl.loop(0, SLICE, step=16)
        def _acc(j):
            accv[pl.ds(j, 16)] += tmpv[pl.ds(j, 16)]

    pltpu.sync_copy(accv, out_hbm.at[cid, pl.ds(off, SLICE)])


def _deg_call(col, ea):
    kern = pl.kernel(
        _deg_body,
        out_type=jax.ShapeDtypeStruct((NC, NP), _f32),
        mesh=_vector_mesh(),
        compiler_params=_sc_params(),
        scratch_types=[
            pltpu.VMEM((CD,), _i32),
            pltpu.VMEM((CD,), _f32),
            pltpu.VMEM((NP,), _f32),
            pltpu.VMEM((SLICE,), _f32),
            pltpu.VMEM((SLICE,), _f32),
            pltpu.VMEM_SHARED((NS, NP), _f32),
        ],
    )
    return kern(col, ea)


def _edge_body(y_hbm, row_hbm, col_hbm, ea_hbm, out_hbm,
               rowiv, coliv, eav, rowsv, zbuf, oshared, gsem):
    cid = jax.lax.axis_index("c")
    sid = jax.lax.axis_index("s")
    wid = cid * NS + sid

    @pl.loop(0, 128)
    def _zb(i):
        for k in range(H // 16):
            zbuf[i, pl.ds(k * 16, 16)] = jnp.zeros((16,), _f32)

    for k in range(SLICE // 128):
        r0 = sid * SLICE + k * 128
        pltpu.sync_copy(zbuf, oshared.at[pl.ds(r0, 128), :])
    plsc.subcore_barrier()

    @pl.loop(0, EPW, step=CE)
    def _chunk(cb):
        base = pl.multiple_of(wid * EPW + cb, 8)
        pltpu.sync_copy(row_hbm.at[pl.ds(base, CE)], rowiv)
        pltpu.sync_copy(col_hbm.at[pl.ds(base, CE)], coliv)
        pltpu.sync_copy(ea_hbm.at[pl.ds(base, CE)], eav)
        pltpu.async_copy(y_hbm.at[rowiv], rowsv, gsem).wait()

        @pl.loop(0, CE)
        def _scale(e):
            s = plsc.load_gather(eav, [jnp.full((16,), e, _i32)])
            for k in range(H // 16):
                sl = pl.ds(k * 16, 16)
                rowsv[e, sl] = rowsv[e, sl] * s

        pltpu.sync_copy(rowsv, oshared.at[coliv], add=True)

    plsc.subcore_barrier()
    for k in range(SLICE // 128):
        r0 = sid * SLICE + k * 128
        pltpu.sync_copy(oshared.at[pl.ds(r0, 128), :],
                        out_hbm.at[cid, pl.ds(r0, 128), :])


def _edge_call(y, row, col, ea):
    kern = pl.kernel(
        _edge_body,
        out_type=jax.ShapeDtypeStruct((NC, NP, H), _f32),
        mesh=_vector_mesh(),
        compiler_params=_sc_params(),
        scratch_types=[
            pltpu.VMEM((CE,), _i32),
            pltpu.VMEM((CE,), _i32),
            pltpu.VMEM((CE,), _f32),
            pltpu.VMEM((CE, H), _f32),
            pltpu.VMEM((128, H), _f32),
            pltpu.VMEM_SHARED((NP, H), _f32),
            pltpu.SemaphoreType.DMA,
        ],
    )
    return kern(y, row, col, ea)


def _dinv_body(deg_ref, out_ref):
    dd = deg_ref[0:1, :] + deg_ref[1:2, :]
    out_ref[...] = jnp.where(dd > 0, jax.lax.rsqrt(jnp.where(dd > 0, dd, 1.0)), 0.0)


def _dinv_call(deg2):
    return pl.pallas_call(
        _dinv_body,
        out_shape=jax.ShapeDtypeStruct((1, NP), _f32),
    )(deg2)


def _mm_scale_body(x_ref, w_ref, dinv_ref, out_ref):
    xw = jnp.dot(x_ref[...], w_ref[...], preferred_element_type=_f32)
    out_ref[...] = xw * dinv_ref[...]


def _mm_scale_call(x, w, dinv_col):
    return pl.pallas_call(
        _mm_scale_body,
        out_shape=jax.ShapeDtypeStruct((N, H), _f32),
    )(x, w, dinv_col)


def _comb1_body(p0_ref, p1_ref, dinv_ref, b_ref, w_ref, out_ref):
    h = jax.nn.relu(dinv_ref[...] * (p0_ref[...] + p1_ref[...]) + b_ref[...])
    out_ref[...] = jnp.dot(h, w_ref[...], preferred_element_type=_f32) * dinv_ref[...]


def _comb1_call(p0, p1, dinv_col, b1, w2):
    return pl.pallas_call(
        _comb1_body,
        out_shape=jax.ShapeDtypeStruct((N, H), _f32),
    )(p0, p1, dinv_col, b1, w2)


def _comb2_body(p0_ref, p1_ref, dinv_ref, b_ref, wf_ref, wb_ref, bf_ref, bb_ref,
                gxf_ref, gxb_ref):
    h = jax.nn.relu(dinv_ref[...] * (p0_ref[...] + p1_ref[...]) + b_ref[...])
    gxf_ref[...] = jnp.dot(h, wf_ref[...], preferred_element_type=_f32) + bf_ref[...]
    gxb_ref[...] = jnp.dot(h, wb_ref[...], preferred_element_type=_f32) + bb_ref[...]


def _comb2_call(p0, p1, dinv_col, b2, wf, wb, bf, bb):
    return pl.pallas_call(
        _comb2_body,
        out_shape=(jax.ShapeDtypeStruct((N, 4 * LH), _f32),
                   jax.ShapeDtypeStruct((N, 4 * LH), _f32)),
    )(p0, p1, dinv_col, b2, wf, wb, bf, bb)


def _lstm_body(gx_ref, wc_ref, hs_ref):
    wc = wc_ref[...]

    def step(t, carry):
        h, c = carry
        ht = h.reshape(2 * LH, 1)
        z = (jnp.sum(ht * wc, axis=0, keepdims=True)
             + gx_ref[pl.ds(t, 1), :])
        gi = jax.nn.sigmoid(z[:, 0:128])
        gf = jax.nn.sigmoid(z[:, 128:256])
        gg = jnp.tanh(z[:, 256:384])
        go = jax.nn.sigmoid(z[:, 384:512])
        c = gf * c + gi * gg
        h = go * jnp.tanh(c)
        hs_ref[pl.ds(t, 1), 0:LH] = h[:, 0:LH]
        hs_ref[pl.ds(N - 1 - t, 1), LH:2 * LH] = h[:, LH:2 * LH]
        return h, c

    h0 = jnp.zeros((1, 2 * LH), _f32)
    c0 = jnp.zeros((1, 2 * LH), _f32)
    jax.lax.fori_loop(0, N, step, (h0, c0))


def _lstm_call(gxcat, wc):
    return pl.pallas_call(
        _lstm_body,
        out_shape=jax.ShapeDtypeStruct((N, 2 * LH), _f32),
    )(gxcat, wc)


def _head_body(hs_ref, wl_ref, bl_ref, out_ref):
    out_ref[...] = jax.nn.sigmoid(
        jnp.dot(hs_ref[...], wl_ref[...], preferred_element_type=_f32)
        + bl_ref[...])


def _head_call(hs, wl, bl):
    return pl.pallas_call(
        _head_body,
        out_shape=jax.ShapeDtypeStruct((N, 1), _f32),
    )(hs, wl, bl)


def kernel(x, edge_index, edge_attr, W1, b1, W2, b2,
           Wih_f, Whh_f, bih_f, bhh_f, Wih_b, Whh_b, bih_b, bhh_b,
           Wl, bl):
    row = edge_index[0]
    col = edge_index[1]

    deg2 = _deg_call(col, edge_attr)
    dinv_col = _dinv_call(deg2).reshape(NP, 1)[:N]

    y1 = _mm_scale_call(x, W1, dinv_col)
    parts1 = _edge_call(y1, row, col, edge_attr)
    y2 = _comb1_call(parts1[0, :N], parts1[1, :N], dinv_col,
                     b1.reshape(1, H), W2)

    parts2 = _edge_call(y2, row, col, edge_attr)
    bf = (bih_f + bhh_f).reshape(1, 4 * LH)
    bb = (bih_b + bhh_b).reshape(1, 4 * LH)
    gxf, gxb = _comb2_call(parts2[0, :N], parts2[1, :N], dinv_col,
                           b2.reshape(1, H), Wih_f.T, Wih_b.T, bf, bb)

    gxbr = gxb[::-1]
    gxcat = jnp.concatenate(
        [jnp.concatenate([gxf[:, g * LH:(g + 1) * LH],
                          gxbr[:, g * LH:(g + 1) * LH]], axis=1)
         for g in range(4)], axis=1)

    wf = Whh_f.T
    wb = Whh_b.T
    zz = jnp.zeros((LH, LH), _f32)
    top = jnp.concatenate(
        [jnp.concatenate([wf[:, g * LH:(g + 1) * LH], zz], axis=1)
         for g in range(4)], axis=1)
    bot = jnp.concatenate(
        [jnp.concatenate([zz, wb[:, g * LH:(g + 1) * LH]], axis=1)
         for g in range(4)], axis=1)
    wc = jnp.concatenate([top, bot], axis=0)

    hs = _lstm_call(gxcat, wc)
    out = _head_call(hs, Wl, bl.reshape(1, 1))
    return out.T

# --- scband reference (transcript-rebuilt; emitter-appended) ---
"""Pipeline reference for scband-gcn-ranker-net-3169685865284 (READ-ONLY COPY).

The authoritative reference and input builder live on the scoring server;
editing this copy changes nothing except your own understanding.
"""

import jax, jax.numpy as jnp
import numpy as np

N = 10000
E = 320000
D_IN = 128
H = 128
LH = 64  # LSTM hidden per direction (hidden_size // 2)


def setup_inputs(seed: int = 0) -> dict:
    key = jax.random.key(seed)
    ks = jax.random.split(key, 20)
    x = jax.random.normal(ks[0], (N, D_IN), dtype=jnp.float32)
    edge_index = jax.random.randint(ks[1], (2, E), 0, N, dtype=jnp.int32)
    edge_attr = jax.random.uniform(ks[2], (E,), dtype=jnp.float32)
    s = 0.05
    W1 = jax.random.normal(ks[3], (D_IN, H), dtype=jnp.float32) * s
    b1 = jnp.zeros((H,), dtype=jnp.float32)
    W2 = jax.random.normal(ks[4], (H, H), dtype=jnp.float32) * s
    b2 = jnp.zeros((H,), dtype=jnp.float32)
    Wih_f = jax.random.normal(ks[5], (4 * LH, H), dtype=jnp.float32) * s
    Whh_f = jax.random.normal(ks[6], (4 * LH, LH), dtype=jnp.float32) * s
    bih_f = jnp.zeros((4 * LH,), dtype=jnp.float32)
    bhh_f = jnp.zeros((4 * LH,), dtype=jnp.float32)
    Wih_b = jax.random.normal(ks[7], (4 * LH, H), dtype=jnp.float32) * s
    Whh_b = jax.random.normal(ks[8], (4 * LH, LH), dtype=jnp.float32) * s
    bih_b = jnp.zeros((4 * LH,), dtype=jnp.float32)
    bhh_b = jnp.zeros((4 * LH,), dtype=jnp.float32)
    Wl = jax.random.normal(ks[9], (H, 1), dtype=jnp.float32) * s
    bl = jnp.zeros((1,), dtype=jnp.float32)
    return {"x": x, "edge_index": edge_index, "edge_attr": edge_attr,
            "W1": W1, "b1": b1, "W2": W2, "b2": b2,
            "Wih_f": Wih_f, "Whh_f": Whh_f, "bih_f": bih_f, "bhh_f": bhh_f,
            "Wih_b": Wih_b, "Whh_b": Whh_b, "bih_b": bih_b, "bhh_b": bhh_b,
            "Wl": Wl, "bl": bl}


def _gcn_conv(x, edge_index, edge_weight, W, b):
    # PyG GCNConv with add_self_loops=False, normalize=True
    xw = x @ W
    row = edge_index[0]
    col = edge_index[1]
    deg = jnp.zeros((x.shape[0],), dtype=xw.dtype).at[col].add(edge_weight)
    dinv = jnp.where(deg > 0, jax.lax.rsqrt(jnp.where(deg > 0, deg, 1.0)), 0.0)
    norm = dinv[row] * edge_weight * dinv[col]
    out = jnp.zeros_like(xw).at[col].add(xw[row] * norm[:, None])
    return out + b


def _lstm_dir(x_seq, Wih, Whh, bih, bhh, reverse=False):
    if reverse:
        x_seq = x_seq[::-1]
    h0 = jnp.zeros((LH,), dtype=x_seq.dtype)
    c0 = jnp.zeros((LH,), dtype=x_seq.dtype)

    def step(carry, xt):
        h, c = carry
        gates = xt @ Wih.T + h @ Whh.T + bih + bhh
        i, f, g, o = jnp.split(gates, 4)
        i = jax.nn.sigmoid(i)
        f = jax.nn.sigmoid(f)
        g = jnp.tanh(g)
        o = jax.nn.sigmoid(o)
        c = f * c + i * g
        h = o * jnp.tanh(c)
        return (h, c), h

    _, hs = jax.lax.scan(step, (h0, c0), x_seq)
    if reverse:
        hs = hs[::-1]
    return hs


def reference(x, edge_index, edge_attr, W1, b1, W2, b2,
              Wih_f, Whh_f, bih_f, bhh_f, Wih_b, Whh_b, bih_b, bhh_b,
              Wl, bl):
    # conv1 (GcnBlock: GCNConv + ReLU; dropout is identity in eval)
    h = jax.nn.relu(_gcn_conv(x, edge_index, edge_attr, W1, b1))
    # conv2
    h = jax.nn.relu(_gcn_conv(h, edge_index, edge_attr, W2, b2))
    # bidirectional LSTM over the node sequence (batch of 1)
    hf = _lstm_dir(h, Wih_f, Whh_f, bih_f, bhh_f, reverse=False)
    hb = _lstm_dir(h, Wih_b, Whh_b, bih_b, bhh_b, reverse=True)
    h = jnp.concatenate([hf, hb], axis=-1)  # (N, H)
    out = jax.nn.sigmoid(h @ Wl + bl)  # (N, 1)
    return out.T  # (1, N)

if __name__ == "__main__":
    import jax
    _d = setup_inputs()
    print(jax.jit(kernel)(*tuple(_d.values())))

</pallas_src>

<mosaic_0001>
#map = affine_map<(d0, d1) -> (0)>
#map1 = affine_map<(d0, d1) -> (0, 0)>
module attributes {stable_mosaic.version = 14 : i64} {
  func.func @_deg_body(%arg0: i32, %arg1: i32, %arg2: memref<320000xi32, #tpu.memory_space<hbm>>, %arg3: memref<320000xf32, #tpu.memory_space<hbm>>, %arg4: memref<2x10240xf32, #tpu.memory_space<hbm>>, %arg5: memref<2000xi32, #tpu.memory_space<vmem>>, %arg6: memref<2000xf32, #tpu.memory_space<vmem>>, %arg7: memref<10240xf32, #tpu.memory_space<vmem>>, %arg8: memref<640xf32, #tpu.memory_space<vmem>>, %arg9: memref<640xf32, #tpu.memory_space<vmem>>, %arg10: memref<16x10240xf32, #tpu.memory_space<vmem_shared>>) attributes {dimension_semantics = [#tpu.dimension_semantics<core_parallel>, #tpu.dimension_semantics<subcore_parallel>], iteration_bounds = array<i64: 2, 16>, scalar_prefetch = 0 : i64, scratch_operands = 6 : i64, tpu.core_type = #tpu.core_type<sc_vector_subcore>, window_params = [{transform_indices = #map}, {transform_indices = #map}, {transform_indices = #map1}]} {
    %mul3A = arith.constant 16 : i32
    %mul3A_0 = arith.muli %arg0, %mul3A : i32
    %add3A = arith.addi %mul3A_0, %arg1 : i32
    %scan3A = arith.constant 0 : i32
    %scan3A_1 = arith.constant 640 : i32
    %scan3A_2 = arith.addi %scan3A, %scan3A_1 : i32
    %scan3A_3 = arith.constant 1 : i32
    scf.for %scan3A_112 = %scan3A to %scan3A_2 step %scan3A_3  : i32 {
      %mul3A_113 = arith.constant 16 : i32
      %mul3A_114 = arith.muli %scan3A_112, %mul3A_113 : i32
      %add3A_115 = arith.constant 0 : i32
      %add3A_116 = arith.addi %add3A_115, %mul3A_114 : i32
      %broadcast_in_dim3A = arith.constant 0.000000e+00 : f32
      %broadcast_in_dim3A_117 = vector.broadcast %broadcast_in_dim3A : f32 to vector<16xf32>
      %swap3A = arith.index_cast %add3A_116 : i32 to index
      %swap3A_118 = tpu.vector_load %arg7[%swap3A] {strides = array<i32>} : memref<10240xf32, #tpu.memory_space<vmem>>, vector<16xf32>,
      tpu.vector_store %arg7[%swap3A], %broadcast_in_dim3A_117 {strides = array<i32>} : memref<10240xf32, #tpu.memory_space<vmem>>, vector<16xf32>,
    }
    %scan3A_4 = arith.constant 640 : i32
    %scan3A_5 = arith.constant 0 : i32
    %scan3A_6 = arith.constant 5 : i32
    %scan3A_7 = arith.addi %scan3A_5, %scan3A_6 : i32
    %scan3A_8 = arith.constant 1 : i32
    scf.for %scan3A_112 = %scan3A_5 to %scan3A_7 step %scan3A_8  : i32 {
      %mul3A_113 = arith.constant 2000 : i32
      %mul3A_114 = arith.muli %scan3A_112, %mul3A_113 : i32
      %add3A_115 = arith.constant 0 : i32
      %add3A_116 = arith.addi %add3A_115, %mul3A_114 : i32
      %mul3A_117 = arith.constant 10000 : i32
      %mul3A_118 = arith.muli %add3A, %mul3A_117 : i32
      %add3A_119 = arith.addi %mul3A_118, %add3A_116 : i32
      %multiple_of3A = tpu.assume_multiple %add3A_119, 8 : i32
      "tpu.region"() ({
        %run_scoped3A_125 = tpu.sem_alloc : memref<!tpu.dma_semaphore, #tpu.memory_space<semaphore_mem>>
        %dma_start3A = tpu.memref_slice %arg2[%multiple_of3A] : memref<320000xi32, #tpu.memory_space<hbm>> -> memref<2000xi32, #tpu.memory_space<hbm>>
        %dma_start3A_126 = tpu.memref_slice %arg2[%multiple_of3A] : memref<320000xi32, #tpu.memory_space<hbm>> -> memref<2000xi32, #tpu.memory_space<hbm>>
        tpu.enqueue_dma source(%dma_start3A_126 : memref<2000xi32, #tpu.memory_space<hbm>>) target(%arg5 : memref<2000xi32, #tpu.memory_space<vmem>>) target_semaphore(%run_scoped3A_125 : memref<!tpu.dma_semaphore, #tpu.memory_space<semaphore_mem>>)
        %dma_wait3A = tpu.memref_slice %arg2[%multiple_of3A] : memref<320000xi32, #tpu.memory_space<hbm>> -> memref<2000xi32, #tpu.memory_space<hbm>>
        %dma_wait3A_127 = tpu.memref_slice %arg2[%multiple_of3A] : memref<320000xi32, #tpu.memory_space<hbm>> -> memref<2000xi32, #tpu.memory_space<hbm>>
        tpu.wait_dma2 semaphore(%run_scoped3A_125 : memref<!tpu.dma_semaphore, #tpu.memory_space<semaphore_mem>>) src(%dma_wait3A_127 : memref<2000xi32, #tpu.memory_space<hbm>>) dst(%arg5 : memref<2000xi32, #tpu.memory_space<vmem>>)
        tpu.yield
      }) : () -> ()
      "tpu.region"() ({
        %run_scoped3A_125 = tpu.sem_alloc : memref<!tpu.dma_semaphore, #tpu.memory_space<semaphore_mem>>
        %dma_start3A = tpu.memref_slice %arg3[%multiple_of3A] : memref<320000xf32, #tpu.memory_space<hbm>> -> memref<2000xf32, #tpu.memory_space<hbm>>
        %dma_start3A_126 = tpu.memref_slice %arg3[%multiple_of3A] : memref<320000xf32, #tpu.memory_space<hbm>> -> memref<2000xf32, #tpu.memory_space<hbm>>
        tpu.enqueue_dma source(%dma_start3A_126 : memref<2000xf32, #tpu.memory_space<hbm>>) target(%arg6 : memref<2000xf32, #tpu.memory_space<vmem>>) target_semaphore(%run_scoped3A_125 : memref<!tpu.dma_semaphore, #tpu.memory_space<semaphore_mem>>)
        %dma_wait3A = tpu.memref_slice %arg3[%multiple_of3A] : memref<320000xf32, #tpu.memory_space<hbm>> -> memref<2000xf32, #tpu.memory_space<hbm>>
        %dma_wait3A_127 = tpu.memref_slice %arg3[%multiple_of3A] : memref<320000xf32, #tpu.memory_space<hbm>> -> memref<2000xf32, #tpu.memory_space<hbm>>
        tpu.wait_dma2 semaphore(%run_scoped3A_125 : memref<!tpu.dma_semaphore, #tpu.memory_space<semaphore_mem>>) src(%dma_wait3A_127 : memref<2000xf32, #tpu.memory_space<hbm>>) dst(%arg6 : memref<2000xf32, #tpu.memory_space<vmem>>)
        tpu.yield
      }) : () -> ()
      %scan3A_120 = arith.constant 0 : i32
      %scan3A_121 = arith.constant 125 : i32
      %scan3A_122 = arith.addi %scan3A_120, %scan3A_121 : i32
      %scan3A_123 = arith.constant 1 : i32
      scf.for %scan3A_125 = %scan3A_120 to %scan3A_122 step %scan3A_123  : i32 {
        %mul3A_126 = arith.constant 16 : i32
        %mul3A_127 = arith.muli %scan3A_125, %mul3A_126 : i32
        %add3A_128 = arith.constant 0 : i32
        %add3A_129 = arith.addi %add3A_128, %mul3A_127 : i32
        %get3A = arith.index_cast %add3A_129 : i32 to index
        %get3A_130 = tpu.vector_load %arg5[%get3A] {strides = array<i32>} : memref<2000xi32, #tpu.memory_space<vmem>>, vector<16xi32>,
        %get3A_131 = arith.index_cast %add3A_129 : i32 to index
        %get3A_132 = tpu.vector_load %arg6[%get3A_131] {strides = array<i32>} : memref<2000xf32, #tpu.memory_space<vmem>>, vector<16xf32>,
        tpu.vector_store_idx %arg7[%get3A_130], %get3A_132 {add = true} : memref<10240xf32, #tpu.memory_space<vmem>>[vector<16xi32>], vector<16xf32>,
      }
      %scan3A_124 = arith.constant 125 : i32
    }
    %scan3A_9 = arith.constant 5 : i32
    "tpu.region"() ({
      %run_scoped3A_112 = tpu.sem_alloc : memref<!tpu.dma_semaphore, #tpu.memory_space<semaphore_mem>>
      %dma_start3A = arith.constant 0 : i32
      %dma_start3A_113 = tpu.memref_slice %arg10[%arg1, %dma_start3A] : memref<16x10240xf32, #tpu.memory_space<vmem_shared>> -> memref<1x10240xf32, #tpu.memory_space<vmem_shared>>
      %dma_start3A_114 = tpu.memref_squeeze %dma_start3A_113 : memref<1x10240xf32, #tpu.memory_space<vmem_shared>> -> memref<10240xf32, #tpu.memory_space<vmem_shared>>
      %dma_start3A_115 = arith.constant 0 : i32
      %dma_start3A_116 = tpu.memref_slice %arg10[%arg1, %dma_start3A_115] : memref<16x10240xf32, #tpu.memory_space<vmem_shared>> -> memref<1x10240xf32, #tpu.memory_space<vmem_shared>>
      %dma_start3A_117 = tpu.memref_squeeze %dma_start3A_116 : memref<1x10240xf32, #tpu.memory_space<vmem_shared>> -> memref<10240xf32, #tpu.memory_space<vmem_shared>>
      tpu.enqueue_dma source(%arg7 : memref<10240xf32, #tpu.memory_space<vmem>>) target(%dma_start3A_117 : memref<10240xf32, #tpu.memory_space<vmem_shared>>) target_semaphore(%run_scoped3A_112 : memref<!tpu.dma_semaphore, #tpu.memory_space<semaphore_mem>>)
      %dma_wait3A = arith.constant 0 : i32
      %dma_wait3A_118 = tpu.memref_slice %arg10[%arg1, %dma_wait3A] : memref<16x10240xf32, #tpu.memory_space<vmem_shared>> -> memref<1x10240xf32, #tpu.memory_space<vmem_shared>>
      %dma_wait3A_119 = tpu.memref_squeeze %dma_wait3A_118 : memref<1x10240xf32, #tpu.memory_space<vmem_shared>> -> memref<10240xf32, #tpu.memory_space<vmem_shared>>
      %dma_wait3A_120 = arith.constant 0 : i32
      %dma_wait3A_121 = tpu.memref_slice %arg10[%arg1, %dma_wait3A_120] : memref<16x10240xf32, #tpu.memory_space<vmem_shared>> -> memref<1x10240xf32, #tpu.memory_space<vmem_shared>>
      %dma_wait3A_122 = tpu.memref_squeeze %dma_wait3A_121 : memref<1x10240xf32, #tpu.memory_space<vmem_shared>> -> memref<10240xf32, #tpu.memory_space<vmem_shared>>
      tpu.wait_dma2 semaphore(%run_scoped3A_112 : memref<!tpu.dma_semaphore, #tpu.memory_space<semaphore_mem>>) src(%arg7 : memref<10240xf32, #tpu.memory_space<vmem>>) dst(%dma_wait3A_122 : memref<10240xf32, #tpu.memory_space<vmem_shared>>)
      tpu.yield
    }) : () -> ()
    %barrier3A = arith.constant 0 : index
    tpu.barrier barrier_id(%barrier3A)
    %mul3A_10 = arith.constant 640 : i32
    %mul3A_11 = arith.muli %arg1, %mul3A_10 : i32
    %scan3A_12 = arith.constant 0 : i32
    %scan3A_13 = arith.constant 40 : i32
    %scan3A_14 = arith.addi %scan3A_12, %scan3A_13 : i32
    %scan3A_15 = arith.constant 1 : i32
    scf.for %scan3A_112 = %scan3A_12 to %scan3A_14 step %scan3A_15  : i32 {
      %mul3A_113 = arith.constant 16 : i32
      %mul3A_114 = arith.muli %scan3A_112, %mul3A_113 : i32
      %add3A_115 = arith.constant 0 : i32
      %add3A_116 = arith.addi %add3A_115, %mul3A_114 : i32
      %broadcast_in_dim3A = arith.constant 0.000000e+00 : f32
      %broadcast_in_dim3A_117 = vector.broadcast %broadcast_in_dim3A : f32 to vector<16xf32>
      %swap3A = arith.index_cast %add3A_116 : i32 to index
      %swap3A_118 = tpu.vector_load %arg9[%swap3A] {strides = array<i32>} : memref<640xf32, #tpu.memory_space<vmem>>, vector<16xf32>,
      tpu.vector_store %arg9[%swap3A], %broadcast_in_dim3A_117 {strides = array<i32>} : memref<640xf32, #tpu.memory_space<vmem>>, vector<16xf32>,
    }
    %scan3A_16 = arith.constant 40 : i32
    %run_scoped3A = arith.constant 0 : i32
    "tpu.region"() ({
      %run_scoped3A_112 = tpu.sem_alloc : memref<!tpu.dma_semaphore, #tpu.memory_space<semaphore_mem>>
      %dma_start3A = tpu.memref_slice %arg10[%run_scoped3A, %mul3A_11] : memref<16x10240xf32, #tpu.memory_space<vmem_shared>> -> memref<1x640xf32, #tpu.memory_space<vmem_shared>>
      %dma_start3A_113 = tpu.memref_squeeze %dma_start3A : memref<1x640xf32, #tpu.memory_space<vmem_shared>> -> memref<640xf32, #tpu.memory_space<vmem_shared>>
      %dma_start3A_114 = tpu.memref_slice %arg10[%run_scoped3A, %mul3A_11] : memref<16x10240xf32, #tpu.memory_space<vmem_shared>> -> memref<1x640xf32, #tpu.memory_space<vmem_shared>>
      %dma_start3A_115 = tpu.memref_squeeze %dma_start3A_114 : memref<1x640xf32, #tpu.memory_space<vmem_shared>> -> memref<640xf32, #tpu.memory_space<vmem_shared>>
      tpu.enqueue_dma source(%dma_start3A_115 : memref<640xf32, #tpu.memory_space<vmem_shared>>) target(%arg8 : memref<640xf32, #tpu.memory_space<vmem>>) target_semaphore(%run_scoped3A_112 : memref<!tpu.dma_semaphore, #tpu.memory_space<semaphore_mem>>)
      %dma_wait3A = tpu.memref_slice %arg10[%run_scoped3A, %mul3A_11] : memref<16x10240xf32, #tpu.memory_space<vmem_shared>> -> memref<1x640xf32, #tpu.memory_space<vmem_shared>>
      %dma_wait3A_116 = tpu.memref_squeeze %dma_wait3A : memref<1x640xf32, #tpu.memory_space<vmem_shared>> -> memref<640xf32, #tpu.memory_space<vmem_shared>>
      %dma_wait3A_117 = tpu.memref_slice %arg10[%run_scoped3A, %mul3A_11] : memref<16x10240xf32, #tpu.memory_space<vmem_shared>> -> memref<1x640xf32, #tpu.memory_space<vmem_shared>>
      %dma_wait3A_118 = tpu.memref_squeeze %dma_wait3A_117 : memref<1x640xf32, #tpu.memory_space<vmem_shared>> -> memref<640xf32, #tpu.memory_space<vmem_shared>>
      tpu.wait_dma2 semaphore(%run_scoped3A_112 : memref<!tpu.dma_semaphore, #tpu.memory_space<semaphore_mem>>) src(%dma_wait3A_118 : memref<640xf32, #tpu.memory_space<vmem_shared>>) dst(%arg8 : memref<640xf32, #tpu.memory_space<vmem>>)
      tpu.yield
    }) : () -> ()
    %scan3A_17 = arith.constant 0 : i32
    %scan3A_18 = arith.constant 40 : i32
    %scan3A_19 = arith.addi %scan3A_17, %scan3A_18 : i32
    %scan3A_20 = arith.constant 1 : i32
    scf.for %scan3A_112 = %scan3A_17 to %scan3A_19 step %scan3A_20  : i32 {
      %mul3A_113 = arith.constant 16 : i32
      %mul3A_114 = arith.muli %scan3A_112, %mul3A_113 : i32
      %add3A_115 = arith.constant 0 : i32
      %add3A_116 = arith.addi %add3A_115, %mul3A_114 : i32
      %get3A = arith.index_cast %add3A_116 : i32 to index
      %get3A_117 = tpu.vector_load %arg9[%get3A] {strides = array<i32>} : memref<640xf32, #tpu.memory_space<vmem>>, vector<16xf32>,
      %get3A_118 = arith.index_cast %add3A_116 : i32 to index
      %get3A_119 = tpu.vector_load %arg8[%get3A_118] {strides = array<i32>} : memref<640xf32, #tpu.memory_space<vmem>>, vector<16xf32>,
      %add3A_120 = arith.addf %get3A_117, %get3A_119 : vector<16xf32>
      %swap3A = arith.index_cast %add3A_116 : i32 to index
      %swap3A_121 = tpu.vector_load %arg9[%swap3A] {strides = array<i32>} : memref<640xf32, #tpu.memory_space<vmem>>, vector<16xf32>,
      tpu.vector_store %arg9[%swap3A], %add3A_120 {strides = array<i32>} : memref<640xf32, #tpu.memory_space<vmem>>, vector<16xf32>,
    }
    %scan3A_21 = arith.constant 40 : i32
    %run_scoped3A_22 = arith.constant 1 : i32
    "tpu.region"() ({
      %run_scoped3A_112 = tpu.sem_alloc : memref<!tpu.dma_semaphore, #tpu.memory_space<semaphore_mem>>
      %dma_start3A = tpu.memref_slice %arg10[%run_scoped3A_22, %mul3A_11] : memref<16x10240xf32, #tpu.memory_space<vmem_shared>> -> memref<1x640xf32, #tpu.memory_space<vmem_shared>>
      %dma_start3A_113 = tpu.memref_squeeze %dma_start3A : memref<1x640xf32, #tpu.memory_space<vmem_shared>> -> memref<640xf32, #tpu.memory_space<vmem_shared>>
      %dma_start3A_114 = tpu.memref_slice %arg10[%run_scoped3A_22, %mul3A_11] : memref<16x10240xf32, #tpu.memory_space<vmem_shared>> -> memref<1x640xf32, #tpu.memory_space<vmem_shared>>
      %dma_start3A_115 = tpu.memref_squeeze %dma_start3A_114 : memref<1x640xf32, #tpu.memory_space<vmem_shared>> -> memref<640xf32, #tpu.memory_space<vmem_shared>>
      tpu.enqueue_dma source(%dma_start3A_115 : memref<640xf32, #tpu.memory_space<vmem_shared>>) target(%arg8 : memref<640xf32, #tpu.memory_space<vmem>>) target_semaphore(%run_scoped3A_112 : memref<!tpu.dma_semaphore, #tpu.memory_space<semaphore_mem>>)
      %dma_wait3A = tpu.memref_slice %arg10[%run_scoped3A_22, %mul3A_11] : memref<16x10240xf32, #tpu.memory_space<vmem_shared>> -> memref<1x640xf32, #tpu.memory_space<vmem_shared>>
      %dma_wait3A_116 = tpu.memref_squeeze %dma_wait3A : memref<1x640xf32, #tpu.memory_space<vmem_shared>> -> memref<640xf32, #tpu.memory_space<vmem_shared>>
      %dma_wait3A_117 = tpu.memref_slice %arg10[%run_scoped3A_22, %mul3A_11] : memref<16x10240xf32, #tpu.memory_space<vmem_shared>> -> memref<1x640xf32, #tpu.memory_space<vmem_shared>>
      %dma_wait3A_118 = tpu.memref_squeeze %dma_wait3A_117 : memref<1x640xf32, #tpu.memory_space<vmem_shared>> -> memref<640xf32, #tpu.memory_space<vmem_shared>>
      tpu.wait_dma2 semaphore(%run_scoped3A_112 : memref<!tpu.dma_semaphore, #tpu.memory_space<semaphore_mem>>) src(%dma_wait3A_118 : memref<640xf32, #tpu.memory_space<vmem_shared>>) dst(%arg8 : memref<640xf32, #tpu.memory_space<vmem>>)
      tpu.yield
    }) : () -> ()
    %scan3A_23 = arith.constant 0 : i32
    %scan3A_24 = arith.constant 40 : i32
    %scan3A_25 = arith.addi %scan3A_23, %scan3A_24 : i32
    %scan3A_26 = arith.constant 1 : i32
    scf.for %scan3A_112 = %scan3A_23 to %scan3A_25 step %scan3A_26  : i32 {
      %mul3A_113 = arith.constant 16 : i32
      %mul3A_114 = arith.muli %scan3A_112, %mul3A_113 : i32
      %add3A_115 = arith.constant 0 : i32
      %add3A_116 = arith.addi %add3A_115, %mul3A_114 : i32
      %get3A = arith.index_cast %add3A_116 : i32 to index
      %get3A_117 = tpu.vector_load %arg9[%get3A] {strides = array<i32>} : memref<640xf32, #tpu.memory_space<vmem>>, vector<16xf32>,
      %get3A_118 = arith.index_cast %add3A_116 : i32 to index
      %get3A_119 = tpu.vector_load %arg8[%get3A_118] {strides = array<i32>} : memref<640xf32, #tpu.memory_space<vmem>>, vector<16xf32>,
      %add3A_120 = arith.addf %get3A_117, %get3A_119 : vector<16xf32>
      %swap3A = arith.index_cast %add3A_116 : i32 to index
      %swap3A_121 = tpu.vector_load %arg9[%swap3A] {strides = array<i32>} : memref<640xf32, #tpu.memory_space<vmem>>, vector<16xf32>,
      tpu.vector_store %arg9[%swap3A], %add3A_120 {strides = array<i32>} : memref<640xf32, #tpu.memory_space<vmem>>, vector<16xf32>,
    }
    %scan3A_27 = arith.constant 40 : i32
    %run_scoped3A_28 = arith.constant 2 : i32
    "tpu.region"() ({
      %run_scoped3A_112 = tpu.sem_alloc : memref<!tpu.dma_semaphore, #tpu.memory_space<semaphore_mem>>
      %dma_start3A = tpu.memref_slice %arg10[%run_scoped3A_28, %mul3A_11] : memref<16x10240xf32, #tpu.memory_space<vmem_shared>> -> memref<1x640xf32, #tpu.memory_space<vmem_shared>>
      %dma_start3A_113 = tpu.memref_squeeze %dma_start3A : memref<1x640xf32, #tpu.memory_space<vmem_shared>> -> memref<640xf32, #tpu.memory_space<vmem_shared>>
      %dma_start3A_114 = tpu.memref_slice %arg10[%run_scoped3A_28, %mul3A_11] : memref<16x10240xf32, #tpu.memory_space<vmem_shared>> -> memref<1x640xf32, #tpu.memory_space<vmem_shared>>
      %dma_start3A_115 = tpu.memref_squeeze %dma_start3A_114 : memref<1x640xf32, #tpu.memory_space<vmem_shared>> -> memref<640xf32, #tpu.memory_space<vmem_shared>>
      tpu.enqueue_dma source(%dma_start3A_115 : memref<640xf32, #tpu.memory_space<vmem_shared>>) target(%arg8 : memref<640xf32, #tpu.memory_space<vmem>>) target_semaphore(%run_scoped3A_112 : memref<!tpu.dma_semaphore, #tpu.memory_space<semaphore_mem>>)
      %dma_wait3A = tpu.memref_slice %arg10[%run_scoped3A_28, %mul3A_11] : memref<16x10240xf32, #tpu.memory_space<vmem_shared>> -> memref<1x640xf32, #tpu.memory_space<vmem_shared>>
      %dma_wait3A_116 = tpu.memref_squeeze %dma_wait3A : memref<1x640xf32, #tpu.memory_space<vmem_shared>> -> memref<640xf32, #tpu.memory_space<vmem_shared>>
      %dma_wait3A_117 = tpu.memref_slice %arg10[%run_scoped3A_28, %mul3A_11] : memref<16x10240xf32, #tpu.memory_space<vmem_shared>> -> memref<1x640xf32, #tpu.memory_space<vmem_shared>>
      %dma_wait3A_118 = tpu.memref_squeeze %dma_wait3A_117 : memref<1x640xf32, #tpu.memory_space<vmem_shared>> -> memref<640xf32, #tpu.memory_space<vmem_shared>>
      tpu.wait_dma2 semaphore(%run_scoped3A_112 : memref<!tpu.dma_semaphore, #tpu.memory_space<semaphore_mem>>) src(%dma_wait3A_118 : memref<640xf32, #tpu.memory_space<vmem_shared>>) dst(%arg8 : memref<640xf32, #tpu.memory_space<vmem>>)
      tpu.yield
    }) : () -> ()
    %scan3A_29 = arith.constant 0 : i32
    %scan3A_30 = arith.constant 40 : i32
    %scan3A_31 = arith.addi %scan3A_29, %scan3A_30 : i32
    %scan3A_32 = arith.constant 1 : i32
    scf.for %scan3A_112 = %scan3A_29 to %scan3A_31 step %scan3A_32  : i32 {
      %mul3A_113 = arith.constant 16 : i32
      %mul3A_114 = arith.muli %scan3A_112, %mul3A_113 : i32
      %add3A_115 = arith.constant 0 : i32
      %add3A_116 = arith.addi %add3A_115, %mul3A_114 : i32
      %get3A = arith.index_cast %add3A_116 : i32 to index
      %get3A_117 = tpu.vector_load %arg9[%get3A] {strides = array<i32>} : memref<640xf32, #tpu.memory_space<vmem>>, vector<16xf32>,
      %get3A_118 = arith.index_cast %add3A_116 : i32 to index
      %get3A_119 = tpu.vector_load %arg8[%get3A_118] {strides = array<i32>} : memref<640xf32, #tpu.memory_space<vmem>>, vector<16xf32>,
      %add3A_120 = arith.addf %get3A_117, %get3A_119 : vector<16xf32>
      %swap3A = arith.index_cast %add3A_116 : i32 to index
      %swap3A_121 = tpu.vector_load %arg9[%swap3A] {strides = array<i32>} : memref<640xf32, #tpu.memory_space<vmem>>, vector<16xf32>,
      tpu.vector_store %arg9[%swap3A], %add3A_120 {strides = array<i32>} : memref<640xf32, #tpu.memory_space<vmem>>, vector<16xf32>,
    }
    %scan3A_33 = arith.constant 40 : i32
    %run_scoped3A_34 = arith.constant 3 : i32
    "tpu.region"() ({
      %run_scoped3A_112 = tpu.sem_alloc : memref<!tpu.dma_semaphore, #tpu.memory_space<semaphore_mem>>
      %dma_start3A = tpu.memref_slice %arg10[%run_scoped3A_34, %mul3A_11] : memref<16x10240xf32, #tpu.memory_space<vmem_shared>> -> memref<1x640xf32, #tpu.memory_space<vmem_shared>>
      %dma_start3A_113 = tpu.memref_squeeze %dma_start3A : memref<1x640xf32, #tpu.memory_space<vmem_shared>> -> memref<640xf32, #tpu.memory_space<vmem_shared>>
      %dma_start3A_114 = tpu.memref_slice %arg10[%run_scoped3A_34, %mul3A_11] : memref<16x10240xf32, #tpu.memory_space<vmem_shared>> -> memref<1x640xf32, #tpu.memory_space<vmem_shared>>
      %dma_start3A_115 = tpu.memref_squeeze %dma_start3A_114 : memref<1x640xf32, #tpu.memory_space<vmem_shared>> -> memref<640xf32, #tpu.memory_space<vmem_shared>>
      tpu.enqueue_dma source(%dma_start3A_115 : memref<640xf32, #tpu.memory_space<vmem_shared>>) target(%arg8 : memref<640xf32, #tpu.memory_space<vmem>>) target_semaphore(%run_scoped3A_112 : memref<!tpu.dma_semaphore, #tpu.memory_space<semaphore_mem>>)
      %dma_wait3A = tpu.memref_slice %arg10[%run_scoped3A_34, %mul3A_11] : memref<16x10240xf32, #tpu.memory_space<vmem_shared>> -> memref<1x640xf32, #tpu.memory_space<vmem_shared>>
      %dma_wait3A_116 = tpu.memref_squeeze %dma_wait3A : memref<1x640xf32, #tpu.memory_space<vmem_shared>> -> memref<640xf32, #tpu.memory_space<vmem_shared>>
      %dma_wait3A_117 = tpu.memref_slice %arg10[%run_scoped3A_34, %mul3A_11] : memref<16x10240xf32, #tpu.memory_space<vmem_shared>> -> memref<1x640xf32, #tpu.memory_space<vmem_shared>>
      %dma_wait3A_118 = tpu.memref_squeeze %dma_wait3A_117 : memref<1x640xf32, #tpu.memory_space<vmem_shared>> -> memref<640xf32, #tpu.memory_space<vmem_shared>>
      tpu.wait_dma2 semaphore(%run_scoped3A_112 : memref<!tpu.dma_semaphore, #tpu.memory_space<semaphore_mem>>) src(%dma_wait3A_118 : memref<640xf32, #tpu.memory_space<vmem_shared>>) dst(%arg8 : memref<640xf32, #tpu.memory_space<vmem>>)
      tpu.yield
    }) : () -> ()
    %scan3A_35 = arith.constant 0 : i32
    %scan3A_36 = arith.constant 40 : i32
    %scan3A_37 = arith.addi %scan3A_35, %scan3A_36 : i32
    %scan3A_38 = arith.constant 1 : i32
    scf.for %scan3A_112 = %scan3A_35 to %scan3A_37 step %scan3A_38  : i32 {
      %mul3A_113 = arith.constant 16 : i32
      %mul3A_114 = arith.muli %scan3A_112, %mul3A_113 : i32
      %add3A_115 = arith.constant 0 : i32
      %add3A_116 = arith.addi %add3A_115, %mul3A_114 : i32
      %get3A = arith.index_cast %add3A_116 : i32 to index
      %get3A_117 = tpu.vector_load %arg9[%get3A] {strides = array<i32>} : memref<640xf32, #tpu.memory_space<vmem>>, vector<16xf32>,
      %get3A_118 = arith.index_cast %add3A_116 : i32 to index
      %get3A_119 = tpu.vector_load %arg8[%get3A_118] {strides = array<i32>} : memref<640xf32, #tpu.memory_space<vmem>>, vector<16xf32>,
      %add3A_120 = arith.addf %get3A_117, %get3A_119 : vector<16xf32>
      %swap3A = arith.index_cast %add3A_116 : i32 to index
      %swap3A_121 = tpu.vector_load %arg9[%swap3A] {strides = array<i32>} : memref<640xf32, #tpu.memory_space<vmem>>, vector<16xf32>,
      tpu.vector_store %arg9[%swap3A], %add3A_120 {strides = array<i32>} : memref<640xf32, #tpu.memory_space<vmem>>, vector<16xf32>,
    }
    %scan3A_39 = arith.constant 40 : i32
    %run_scoped3A_40 = arith.constant 4 : i32
    "tpu.region"() ({
      %run_scoped3A_112 = tpu.sem_alloc : memref<!tpu.dma_semaphore, #tpu.memory_space<semaphore_mem>>
      %dma_start3A = tpu.memref_slice %arg10[%run_scoped3A_40, %mul3A_11] : memref<16x10240xf32, #tpu.memory_space<vmem_shared>> -> memref<1x640xf32, #tpu.memory_space<vmem_shared>>
      %dma_start3A_113 = tpu.memref_squeeze %dma_start3A : memref<1x640xf32, #tpu.memory_space<vmem_shared>> -> memref<640xf32, #tpu.memory_space<vmem_shared>>
      %dma_start3A_114 = tpu.memref_slice %arg10[%run_scoped3A_40, %mul3A_11] : memref<16x10240xf32, #tpu.memory_space<vmem_shared>> -> memref<1x640xf32, #tpu.memory_space<vmem_shared>>
      %dma_start3A_115 = tpu.memref_squeeze %dma_start3A_114 : memref<1x640xf32, #tpu.memory_space<vmem_shared>> -> memref<640xf32, #tpu.memory_space<vmem_shared>>
      tpu.enqueue_dma source(%dma_start3A_115 : memref<640xf32, #tpu.memory_space<vmem_shared>>) target(%arg8 : memref<640xf32, #tpu.memory_space<vmem>>) target_semaphore(%run_scoped3A_112 : memref<!tpu.dma_semaphore, #tpu.memory_space<semaphore_mem>>)
      %dma_wait3A = tpu.memref_slice %arg10[%run_scoped3A_40, %mul3A_11] : memref<16x10240xf32, #tpu.memory_space<vmem_shared>> -> memref<1x640xf32, #tpu.memory_space<vmem_shared>>
      %dma_wait3A_116 = tpu.memref_squeeze %dma_wait3A : memref<1x640xf32, #tpu.memory_space<vmem_shared>> -> memref<640xf32, #tpu.memory_space<vmem_shared>>
      %dma_wait3A_117 = tpu.memref_slice %arg10[%run_scoped3A_40, %mul3A_11] : memref<16x10240xf32, #tpu.memory_space<vmem_shared>> -> memref<1x640xf32, #tpu.memory_space<vmem_shared>>
      %dma_wait3A_118 = tpu.memref_squeeze %dma_wait3A_117 : memref<1x640xf32, #tpu.memory_space<vmem_shared>> -> memref<640xf32, #tpu.memory_space<vmem_shared>>
      tpu.wait_dma2 semaphore(%run_scoped3A_112 : memref<!tpu.dma_semaphore, #tpu.memory_space<semaphore_mem>>) src(%dma_wait3A_118 : memref<640xf32, #tpu.memory_space<vmem_shared>>) dst(%arg8 : memref<640xf32, #tpu.memory_space<vmem>>)
      tpu.yield
    }) : () -> ()
    %scan3A_41 = arith.constant 0 : i32
    %scan3A_42 = arith.constant 40 : i32
    %scan3A_43 = arith.addi %scan3A_41, %scan3A_42 : i32
    %scan3A_44 = arith.constant 1 : i32
    scf.for %scan3A_112 = %scan3A_41 to %scan3A_43 step %scan3A_44  : i32 {
      %mul3A_113 = arith.constant 16 : i32
      %mul3A_114 = arith.muli %scan3A_112, %mul3A_113 : i32
      %add3A_115 = arith.constant 0 : i32
      %add3A_116 = arith.addi %add3A_115, %mul3A_114 : i32
      %get3A = arith.index_cast %add3A_116 : i32 to index
      %get3A_117 = tpu.vector_load %arg9[%get3A] {strides = array<i32>} : memref<640xf32, #tpu.memory_space<vmem>>, vector<16xf32>,
      %get3A_118 = arith.index_cast %add3A_116 : i32 to index
      %get3A_119 = tpu.vector_load %arg8[%get3A_118] {strides = array<i32>} : memref<640xf32, #tpu.memory_space<vmem>>, vector<16xf32>,
      %add3A_120 = arith.addf %get3A_117, %get3A_119 : vector<16xf32>
      %swap3A = arith.index_cast %add3A_116 : i32 to index
      %swap3A_121 = tpu.vector_load %arg9[%swap3A] {strides = array<i32>} : memref<640xf32, #tpu.memory_space<vmem>>, vector<16xf32>,
      tpu.vector_store %arg9[%swap3A], %add3A_120 {strides = array<i32>} : memref<640xf32, #tpu.memory_space<vmem>>, vector<16xf32>,
    }
    %scan3A_45 = arith.constant 40 : i32
    %run_scoped3A_46 = arith.constant 5 : i32
    "tpu.region"() ({
      %run_scoped3A_112 = tpu.sem_alloc : memref<!tpu.dma_semaphore, #tpu.memory_space<semaphore_mem>>
      %dma_start3A = tpu.memref_slice %arg10[%run_scoped3A_46, %mul3A_11] : memref<16x10240xf32, #tpu.memory_space<vmem_shared>> -> memref<1x640xf32, #tpu.memory_space<vmem_shared>>
      %dma_start3A_113 = tpu.memref_squeeze %dma_start3A : memref<1x640xf32, #tpu.memory_space<vmem_shared>> -> memref<640xf32, #tpu.memory_space<vmem_shared>>
      %dma_start3A_114 = tpu.memref_slice %arg10[%run_scoped3A_46, %mul3A_11] : memref<16x10240xf32, #tpu.memory_space<vmem_shared>> -> memref<1x640xf32, #tpu.memory_space<vmem_shared>>
      %dma_start3A_115 = tpu.memref_squeeze %dma_start3A_114 : memref<1x640xf32, #tpu.memory_space<vmem_shared>> -> memref<640xf32, #tpu.memory_space<vmem_shared>>
      tpu.enqueue_dma source(%dma_start3A_115 : memref<640xf32, #tpu.memory_space<vmem_shared>>) target(%arg8 : memref<640xf32, #tpu.memory_space<vmem>>) target_semaphore(%run_scoped3A_112 : memref<!tpu.dma_semaphore, #tpu.memory_space<semaphore_mem>>)
      %dma_wait3A = tpu.memref_slice %arg10[%run_scoped3A_46, %mul3A_11] : memref<16x10240xf32, #tpu.memory_space<vmem_shared>> -> memref<1x640xf32, #tpu.memory_space<vmem_shared>>
      %dma_wait3A_116 = tpu.memref_squeeze %dma_wait3A : memref<1x640xf32, #tpu.memory_space<vmem_shared>> -> memref<640xf32, #tpu.memory_space<vmem_shared>>
      %dma_wait3A_117 = tpu.memref_slice %arg10[%run_scoped3A_46, %mul3A_11] : memref<16x10240xf32, #tpu.memory_space<vmem_shared>> -> memref<1x640xf32, #tpu.memory_space<vmem_shared>>
      %dma_wait3A_118 = tpu.memref_squeeze %dma_wait3A_117 : memref<1x640xf32, #tpu.memory_space<vmem_shared>> -> memref<640xf32, #tpu.memory_space<vmem_shared>>
      tpu.wait_dma2 semaphore(%run_scoped3A_112 : memref<!tpu.dma_semaphore, #tpu.memory_space<semaphore_mem>>) src(%dma_wait3A_118 : memref<640xf32, #tpu.memory_space<vmem_shared>>) dst(%arg8 : memref<640xf32, #tpu.memory_space<vmem>>)
      tpu.yield
    }) : () -> ()
    %scan3A_47 = arith.constant 0 : i32
    %scan3A_48 = arith.constant 40 : i32
    %scan3A_49 = arith.addi %scan3A_47, %scan3A_48 : i32
    %scan3A_50 = arith.constant 1 : i32
    scf.for %scan3A_112 = %scan3A_47 to %scan3A_49 step %scan3A_50  : i32 {
      %mul3A_113 = arith.constant 16 : i32
      %mul3A_114 = arith.muli %scan3A_112, %mul3A_113 : i32
      %add3A_115 = arith.constant 0 : i32
      %add3A_116 = arith.addi %add3A_115, %mul3A_114 : i32
      %get3A = arith.index_cast %add3A_116 : i32 to index
      %get3A_117 = tpu.vector_load %arg9[%get3A] {strides = array<i32>} : memref<640xf32, #tpu.memory_space<vmem>>, vector<16xf32>,
      %get3A_118 = arith.index_cast %add3A_116 : i32 to index
      %get3A_119 = tpu.vector_load %arg8[%get3A_118] {strides = array<i32>} : memref<640xf32, #tpu.memory_space<vmem>>, vector<16xf32>,
      %add3A_120 = arith.addf %get3A_117, %get3A_119 : vector<16xf32>
      %swap3A = arith.index_cast %add3A_116 : i32 to index
      %swap3A_121 = tpu.vector_load %arg9[%swap3A] {strides = array<i32>} : memref<640xf32, #tpu.memory_space<vmem>>, vector<16xf32>,
      tpu.vector_store %arg9[%swap3A], %add3A_120 {strides = array<i32>} : memref<640xf32, #tpu.memory_space<vmem>>, vector<16xf32>,
    }
    %scan3A_51 = arith.constant 40 : i32
    %run_scoped3A_52 = arith.constant 6 : i32
    "tpu.region"() ({
      %run_scoped3A_112 = tpu.sem_alloc : memref<!tpu.dma_semaphore, #tpu.memory_space<semaphore_mem>>
      %dma_start3A = tpu.memref_slice %arg10[%run_scoped3A_52, %mul3A_11] : memref<16x10240xf32, #tpu.memory_space<vmem_shared>> -> memref<1x640xf32, #tpu.memory_space<vmem_shared>>
      %dma_start3A_113 = tpu.memref_squeeze %dma_start3A : memref<1x640xf32, #tpu.memory_space<vmem_shared>> -> memref<640xf32, #tpu.memory_space<vmem_shared>>
      %dma_start3A_114 = tpu.memref_slice %arg10[%run_scoped3A_52, %mul3A_11] : memref<16x10240xf32, #tpu.memory_space<vmem_shared>> -> memref<1x640xf32, #tpu.memory_space<vmem_shared>>
      %dma_start3A_115 = tpu.memref_squeeze %dma_start3A_114 : memref<1x640xf32, #tpu.memory_space<vmem_shared>> -> memref<640xf32, #tpu.memory_space<vmem_shared>>
      tpu.enqueue_dma source(%dma_start3A_115 : memref<640xf32, #tpu.memory_space<vmem_shared>>) target(%arg8 : memref<640xf32, #tpu.memory_space<vmem>>) target_semaphore(%run_scoped3A_112 : memref<!tpu.dma_semaphore, #tpu.memory_space<semaphore_mem>>)
      %dma_wait3A = tpu.memref_slice %arg10[%run_scoped3A_52, %mul3A_11] : memref<16x10240xf32, #tpu.memory_space<vmem_shared>> -> memref<1x640xf32, #tpu.memory_space<vmem_shared>>
      %dma_wait3A_116 = tpu.memref_squeeze %dma_wait3A : memref<1x640xf32, #tpu.memory_space<vmem_shared>> -> memref<640xf32, #tpu.memory_space<vmem_shared>>
      %dma_wait3A_117 = tpu.memref_slice %arg10[%run_scoped3A_52, %mul3A_11] : memref<16x10240xf32, #tpu.memory_space<vmem_shared>> -> memref<1x640xf32, #tpu.memory_space<vmem_shared>>
      %dma_wait3A_118 = tpu.memref_squeeze %dma_wait3A_117 : memref<1x640xf32, #tpu.memory_space<vmem_shared>> -> memref<640xf32, #tpu.memory_space<vmem_shared>>
      tpu.wait_dma2 semaphore(%run_scoped3A_112 : memref<!tpu.dma_semaphore, #tpu.memory_space<semaphore_mem>>) src(%dma_wait3A_118 : memref<640xf32, #tpu.memory_space<vmem_shared>>) dst(%arg8 : memref<640xf32, #tpu.memory_space<vmem>>)
      tpu.yield
    }) : () -> ()
    %scan3A_53 = arith.constant 0 : i32
    %scan3A_54 = arith.constant 40 : i32
    %scan3A_55 = arith.addi %scan3A_53, %scan3A_54 : i32
    %scan3A_56 = arith.constant 1 : i32
    scf.for %scan3A_112 = %scan3A_53 to %scan3A_55 step %scan3A_56  : i32 {
      %mul3A_113 = arith.constant 16 : i32
      %mul3A_114 = arith.muli %scan3A_112, %mul3A_113 : i32
      %add3A_115 = arith.constant 0 : i32
      %add3A_116 = arith.addi %add3A_115, %mul3A_114 : i32
      %get3A = arith.index_cast %add3A_116 : i32 to index
      %get3A_117 = tpu.vector_load %arg9[%get3A] {strides = array<i32>} : memref<640xf32, #tpu.memory_space<vmem>>, vector<16xf32>,
      %get3A_118 = arith.index_cast %add3A_116 : i32 to index
      %get3A_119 = tpu.vector_load %arg8[%get3A_118] {strides = array<i32>} : memref<640xf32, #tpu.memory_space<vmem>>, vector<16xf32>,
      %add3A_120 = arith.addf %get3A_117, %get3A_119 : vector<16xf32>
      %swap3A = arith.index_cast %add3A_116 : i32 to index
      %swap3A_121 = tpu.vector_load %arg9[%swap3A] {strides = array<i32>} : memref<640xf32, #tpu.memory_space<vmem>>, vector<16xf32>,
      tpu.vector_store %arg9[%swap3A], %add3A_120 {strides = array<i32>} : memref<640xf32, #tpu.memory_space<vmem>>, vector<16xf32>,
    }
    %scan3A_57 = arith.constant 40 : i32
    %run_scoped3A_58 = arith.constant 7 : i32
    "tpu.region"() ({
      %run_scoped3A_112 = tpu.sem_alloc : memref<!tpu.dma_semaphore, #tpu.memory_space<semaphore_mem>>
      %dma_start3A = tpu.memref_slice %arg10[%run_scoped3A_58, %mul3A_11] : memref<16x10240xf32, #tpu.memory_space<vmem_shared>> -> memref<1x640xf32, #tpu.memory_space<vmem_shared>>
      %dma_start3A_113 = tpu.memref_squeeze %dma_start3A : memref<1x640xf32, #tpu.memory_space<vmem_shared>> -> memref<640xf32, #tpu.memory_space<vmem_shared>>
      %dma_start3A_114 = tpu.memref_slice %arg10[%run_scoped3A_58, %mul3A_11] : memref<16x10240xf32, #tpu.memory_space<vmem_shared>> -> memref<1x640xf32, #tpu.memory_space<vmem_shared>>
      %dma_start3A_115 = tpu.memref_squeeze %dma_start3A_114 : memref<1x640xf32, #tpu.memory_space<vmem_shared>> -> memref<640xf32, #tpu.memory_space<vmem_shared>>
      tpu.enqueue_dma source(%dma_start3A_115 : memref<640xf32, #tpu.memory_space<vmem_shared>>) target(%arg8 : memref<640xf32, #tpu.memory_space<vmem>>) target_semaphore(%run_scoped3A_112 : memref<!tpu.dma_semaphore, #tpu.memory_space<semaphore_mem>>)
      %dma_wait3A = tpu.memref_slice %arg10[%run_scoped3A_58, %mul3A_11] : memref<16x10240xf32, #tpu.memory_space<vmem_shared>> -> memref<1x640xf32, #tpu.memory_space<vmem_shared>>
      %dma_wait3A_116 = tpu.memref_squeeze %dma_wait3A : memref<1x640xf32, #tpu.memory_space<vmem_shared>> -> memref<640xf32, #tpu.memory_space<vmem_shared>>
      %dma_wait3A_117 = tpu.memref_slice %arg10[%run_scoped3A_58, %mul3A_11] : memref<16x10240xf32, #tpu.memory_space<vmem_shared>> -> memref<1x640xf32, #tpu.memory_space<vmem_shared>>
      %dma_wait3A_118 = tpu.memref_squeeze %dma_wait3A_117 : memref<1x640xf32, #tpu.memory_space<vmem_shared>> -> memref<640xf32, #tpu.memory_space<vmem_shared>>
      tpu.wait_dma2 semaphore(%run_scoped3A_112 : memref<!tpu.dma_semaphore, #tpu.memory_space<semaphore_mem>>) src(%dma_wait3A_118 : memref<640xf32, #tpu.memory_space<vmem_shared>>) dst(%arg8 : memref<640xf32, #tpu.memory_space<vmem>>)
      tpu.yield
    }) : () -> ()
    %scan3A_59 = arith.constant 0 : i32
    %scan3A_60 = arith.constant 40 : i32
    %scan3A_61 = arith.addi %scan3A_59, %scan3A_60 : i32
    %scan3A_62 = arith.constant 1 : i32
    scf.for %scan3A_112 = %scan3A_59 to %scan3A_61 step %scan3A_62  : i32 {
      %mul3A_113 = arith.constant 16 : i32
      %mul3A_114 = arith.muli %scan3A_112, %mul3A_113 : i32
      %add3A_115 = arith.constant 0 : i32
      %add3A_116 = arith.addi %add3A_115, %mul3A_114 : i32
      %get3A = arith.index_cast %add3A_116 : i32 to index
      %get3A_117 = tpu.vector_load %arg9[%get3A] {strides = array<i32>} : memref<640xf32, #tpu.memory_space<vmem>>, vector<16xf32>,
      %get3A_118 = arith.index_cast %add3A_116 : i32 to index
      %get3A_119 = tpu.vector_load %arg8[%get3A_118] {strides = array<i32>} : memref<640xf32, #tpu.memory_space<vmem>>, vector<16xf32>,
      %add3A_120 = arith.addf %get3A_117, %get3A_119 : vector<16xf32>
      %swap3A = arith.index_cast %add3A_116 : i32 to index
      %swap3A_121 = tpu.vector_load %arg9[%swap3A] {strides = array<i32>} : memref<640xf32, #tpu.memory_space<vmem>>, vector<16xf32>,
      tpu.vector_store %arg9[%swap3A], %add3A_120 {strides = array<i32>} : memref<640xf32, #tpu.memory_space<vmem>>, vector<16xf32>,
    }
    %scan3A_63 = arith.constant 40 : i32
    %run_scoped3A_64 = arith.constant 8 : i32
    "tpu.region"() ({
      %run_scoped3A_112 = tpu.sem_alloc : memref<!tpu.dma_semaphore, #tpu.memory_space<semaphore_mem>>
      %dma_start3A = tpu.memref_slice %arg10[%run_scoped3A_64, %mul3A_11] : memref<16x10240xf32, #tpu.memory_space<vmem_shared>> -> memref<1x640xf32, #tpu.memory_space<vmem_shared>>
      %dma_start3A_113 = tpu.memref_squeeze %dma_start3A : memref<1x640xf32, #tpu.memory_space<vmem_shared>> -> memref<640xf32, #tpu.memory_space<vmem_shared>>
      %dma_start3A_114 = tpu.memref_slice %arg10[%run_scoped3A_64, %mul3A_11] : memref<16x10240xf32, #tpu.memory_space<vmem_shared>> -> memref<1x640xf32, #tpu.memory_space<vmem_shared>>
      %dma_start3A_115 = tpu.memref_squeeze %dma_start3A_114 : memref<1x640xf32, #tpu.memory_space<vmem_shared>> -> memref<640xf32, #tpu.memory_space<vmem_shared>>
      tpu.enqueue_dma source(%dma_start3A_115 : memref<640xf32, #tpu.memory_space<vmem_shared>>) target(%arg8 : memref<640xf32, #tpu.memory_space<vmem>>) target_semaphore(%run_scoped3A_112 : memref<!tpu.dma_semaphore, #tpu.memory_space<semaphore_mem>>)
      %dma_wait3A = tpu.memref_slice %arg10[%run_scoped3A_64, %mul3A_11] : memref<16x10240xf32, #tpu.memory_space<vmem_shared>> -> memref<1x640xf32, #tpu.memory_space<vmem_shared>>
      %dma_wait3A_116 = tpu.memref_squeeze %dma_wait3A : memref<1x640xf32, #tpu.memory_space<vmem_shared>> -> memref<640xf32, #tpu.memory_space<vmem_shared>>
      %dma_wait3A_117 = tpu.memref_slice %arg10[%run_scoped3A_64, %mul3A_11] : memref<16x10240xf32, #tpu.memory_space<vmem_shared>> -> memref<1x640xf32, #tpu.memory_space<vmem_shared>>
      %dma_wait3A_118 = tpu.memref_squeeze %dma_wait3A_117 : memref<1x640xf32, #tpu.memory_space<vmem_shared>> -> memref<640xf32, #tpu.memory_space<vmem_shared>>
      tpu.wait_dma2 semaphore(%run_scoped3A_112 : memref<!tpu.dma_semaphore, #tpu.memory_space<semaphore_mem>>) src(%dma_wait3A_118 : memref<640xf32, #tpu.memory_space<vmem_shared>>) dst(%arg8 : memref<640xf32, #tpu.memory_space<vmem>>)
      tpu.yield
    }) : () -> ()
    %scan3A_65 = arith.constant 0 : i32
    %scan3A_66 = arith.constant 40 : i32
    %scan3A_67 = arith.addi %scan3A_65, %scan3A_66 : i32
    %scan3A_68 = arith.constant 1 : i32
    scf.for %scan3A_112 = %scan3A_65 to %scan3A_67 step %scan3A_68  : i32 {
      %mul3A_113 = arith.constant 16 : i32
      %mul3A_114 = arith.muli %scan3A_112, %mul3A_113 : i32
      %add3A_115 = arith.constant 0 : i32
      %add3A_116 = arith.addi %add3A_115, %mul3A_114 : i32
      %get3A = arith.index_cast %add3A_116 : i32 to index
      %get3A_117 = tpu.vector_load %arg9[%get3A] {strides = array<i32>} : memref<640xf32, #tpu.memory_space<vmem>>, vector<16xf32>,
      %get3A_118 = arith.index_cast %add3A_116 : i32 to index
      %get3A_119 = tpu.vector_load %arg8[%get3A_118] {strides = array<i32>} : memref<640xf32, #tpu.memory_space<vmem>>, vector<16xf32>,
      %add3A_120 = arith.addf %get3A_117, %get3A_119 : vector<16xf32>
      %swap3A = arith.index_cast %add3A_116 : i32 to index
      %swap3A_121 = tpu.vector_load %arg9[%swap3A] {strides = array<i32>} : memref<640xf32, #tpu.memory_space<vmem>>, vector<16xf32>,
      tpu.vector_store %arg9[%swap3A], %add3A_120 {strides = array<i32>} : memref<640xf32, #tpu.memory_space<vmem>>, vector<16xf32>,
    }
    %scan3A_69 = arith.constant 40 : i32
    %run_scoped3A_70 = arith.constant 9 : i32
    "tpu.region"() ({
      %run_scoped3A_112 = tpu.sem_alloc : memref<!tpu.dma_semaphore, #tpu.memory_space<semaphore_mem>>
      %dma_start3A = tpu.memref_slice %arg10[%run_scoped3A_70, %mul3A_11] : memref<16x10240xf32, #tpu.memory_space<vmem_shared>> -> memref<1x640xf32, #tpu.memory_space<vmem_shared>>
      %dma_start3A_113 = tpu.memref_squeeze %dma_start3A : memref<1x640xf32, #tpu.memory_space<vmem_shared>> -> memref<640xf32, #tpu.memory_space<vmem_shared>>
      %dma_start3A_114 = tpu.memref_slice %arg10[%run_scoped3A_70, %mul3A_11] : memref<16x10240xf32, #tpu.memory_space<vmem_shared>> -> memref<1x640xf32, #tpu.memory_space<vmem_shared>>
      %dma_start3A_115 = tpu.memref_squeeze %dma_start3A_114 : memref<1x640xf32, #tpu.memory_space<vmem_shared>> -> memref<640xf32, #tpu.memory_space<vmem_shared>>
      tpu.enqueue_dma source(%dma_start3A_115 : memref<640xf32, #tpu.memory_space<vmem_shared>>) target(%arg8 : memref<640xf32, #tpu.memory_space<vmem>>) target_semaphore(%run_scoped3A_112 : memref<!tpu.dma_semaphore, #tpu.memory_space<semaphore_mem>>)
      %dma_wait3A = tpu.memref_slice %arg10[%run_scoped3A_70, %mul3A_11] : memref<16x10240xf32, #tpu.memory_space<vmem_shared>> -> memref<1x640xf32, #tpu.memory_space<vmem_shared>>
      %dma_wait3A_116 = tpu.memref_squeeze %dma_wait3A : memref<1x640xf32, #tpu.memory_space<vmem_shared>> -> memref<640xf32, #tpu.memory_space<vmem_shared>>
      %dma_wait3A_117 = tpu.memref_slice %arg10[%run_scoped3A_70, %mul3A_11] : memref<16x10240xf32, #tpu.memory_space<vmem_shared>> -> memref<1x640xf32, #tpu.memory_space<vmem_shared>>
      %dma_wait3A_118 = tpu.memref_squeeze %dma_wait3A_117 : memref<1x640xf32, #tpu.memory_space<vmem_shared>> -> memref<640xf32, #tpu.memory_space<vmem_shared>>
      tpu.wait_dma2 semaphore(%run_scoped3A_112 : memref<!tpu.dma_semaphore, #tpu.memory_space<semaphore_mem>>) src(%dma_wait3A_118 : memref<640xf32, #tpu.memory_space<vmem_shared>>) dst(%arg8 : memref<640xf32, #tpu.memory_space<vmem>>)
      tpu.yield
    }) : () -> ()
    %scan3A_71 = arith.constant 0 : i32
    %scan3A_72 = arith.constant 40 : i32
    %scan3A_73 = arith.addi %scan3A_71, %scan3A_72 : i32
    %scan3A_74 = arith.constant 1 : i32
    scf.for %scan3A_112 = %scan3A_71 to %scan3A_73 step %scan3A_74  : i32 {
      %mul3A_113 = arith.constant 16 : i32
      %mul3A_114 = arith.muli %scan3A_112, %mul3A_113 : i32
      %add3A_115 = arith.constant 0 : i32
      %add3A_116 = arith.addi %add3A_115, %mul3A_114 : i32
      %get3A = arith.index_cast %add3A_116 : i32 to index
      %get3A_117 = tpu.vector_load %arg9[%get3A] {strides = array<i32>} : memref<640xf32, #tpu.memory_space<vmem>>, vector<16xf32>,
      %get3A_118 = arith.index_cast %add3A_116 : i32 to index
      %get3A_119 = tpu.vector_load %arg8[%get3A_118] {strides = array<i32>} : memref<640xf32, #tpu.memory_space<vmem>>, vector<16xf32>,
      %add3A_120 = arith.addf %get3A_117, %get3A_119 : vector<16xf32>
      %swap3A = arith.index_cast %add3A_116 : i32 to index
      %swap3A_121 = tpu.vector_load %arg9[%swap3A] {strides = array<i32>} : memref<640xf32, #tpu.memory_space<vmem>>, vector<16xf32>,
      tpu.vector_store %arg9[%swap3A], %add3A_120 {strides = array<i32>} : memref<640xf32, #tpu.memory_space<vmem>>, vector<16xf32>,
    }
    %scan3A_75 = arith.constant 40 : i32
    %run_scoped3A_76 = arith.constant 10 : i32
    "tpu.region"() ({
      %run_scoped3A_112 = tpu.sem_alloc : memref<!tpu.dma_semaphore, #tpu.memory_space<semaphore_mem>>
      %dma_start3A = tpu.memref_slice %arg10[%run_scoped3A_76, %mul3A_11] : memref<16x10240xf32, #tpu.memory_space<vmem_shared>> -> memref<1x640xf32, #tpu.memory_space<vmem_shared>>
      %dma_start3A_113 = tpu.memref_squeeze %dma_start3A : memref<1x640xf32, #tpu.memory_space<vmem_shared>> -> memref<640xf32, #tpu.memory_space<vmem_shared>>
      %dma_start3A_114 = tpu.memref_slice %arg10[%run_scoped3A_76, %mul3A_11] : memref<16x10240xf32, #tpu.memory_space<vmem_shared>> -> memref<1x640xf32, #tpu.memory_space<vmem_shared>>
      %dma_start3A_115 = tpu.memref_squeeze %dma_start3A_114 : memref<1x640xf32, #tpu.memory_space<vmem_shared>> -> memref<640xf32, #tpu.memory_space<vmem_shared>>
      tpu.enqueue_dma source(%dma_start3A_115 : memref<640xf32, #tpu.memory_space<vmem_shared>>) target(%arg8 : memref<640xf32, #tpu.memory_space<vmem>>) target_semaphore(%run_scoped3A_112 : memref<!tpu.dma_semaphore, #tpu.memory_space<semaphore_mem>>)
      %dma_wait3A = tpu.memref_slice %arg10[%run_scoped3A_76, %mul3A_11] : memref<16x10240xf32, #tpu.memory_space<vmem_shared>> -> memref<1x640xf32, #tpu.memory_space<vmem_shared>>
      %dma_wait3A_116 = tpu.memref_squeeze %dma_wait3A : memref<1x640xf32, #tpu.memory_space<vmem_shared>> -> memref<640xf32, #tpu.memory_space<vmem_shared>>
      %dma_wait3A_117 = tpu.memref_slice %arg10[%run_scoped3A_76, %mul3A_11] : memref<16x10240xf32, #tpu.memory_space<vmem_shared>> -> memref<1x640xf32, #tpu.memory_space<vmem_shared>>
      %dma_wait3A_118 = tpu.memref_squeeze %dma_wait3A_117 : memref<1x640xf32, #tpu.memory_space<vmem_shared>> -> memref<640xf32, #tpu.memory_space<vmem_shared>>
      tpu.wait_dma2 semaphore(%run_scoped3A_112 : memref<!tpu.dma_semaphore, #tpu.memory_space<semaphore_mem>>) src(%dma_wait3A_118 : memref<640xf32, #tpu.memory_space<vmem_shared>>) dst(%arg8 : memref<640xf32, #tpu.memory_space<vmem>>)
      tpu.yield
    }) : () -> ()
    %scan3A_77 = arith.constant 0 : i32
    %scan3A_78 = arith.constant 40 : i32
    %scan3A_79 = arith.addi %scan3A_77, %scan3A_78 : i32
    %scan3A_80 = arith.constant 1 : i32
    scf.for %scan3A_112 = %scan3A_77 to %scan3A_79 step %scan3A_80  : i32 {
      %mul3A_113 = arith.constant 16 : i32
      %mul3A_114 = arith.muli %scan3A_112, %mul3A_113 : i32
      %add3A_115 = arith.constant 0 : i32
      %add3A_116 = arith.addi %add3A_115, %mul3A_114 : i32
      %get3A = arith.index_cast %add3A_116 : i32 to index
      %get3A_117 = tpu.vector_load %arg9[%get3A] {strides = array<i32>} : memref<640xf32, #tpu.memory_space<vmem>>, vector<16xf32>,
      %get3A_118 = arith.index_cast %add3A_116 : i32 to index
      %get3A_119 = tpu.vector_load %arg8[%get3A_118] {strides = array<i32>} : memref<640xf32, #tpu.memory_space<vmem>>, vector<16xf32>,
      %add3A_120 = arith.addf %get3A_117, %get3A_119 : vector<16xf32>
      %swap3A = arith.index_cast %add3A_116 : i32 to index
      %swap3A_121 = tpu.vector_load %arg9[%swap3A] {strides = array<i32>} : memref<640xf32, #tpu.memory_space<vmem>>, vector<16xf32>,
      tpu.vector_store %arg9[%swap3A], %add3A_120 {strides = array<i32>} : memref<640xf32, #tpu.memory_space<vmem>>, vector<16xf32>,
    }
    %scan3A_81 = arith.constant 40 : i32
    %run_scoped3A_82 = arith.constant 11 : i32
    "tpu.region"() ({
      %run_scoped3A_112 = tpu.sem_alloc : memref<!tpu.dma_semaphore, #tpu.memory_space<semaphore_mem>>
      %dma_start3A = tpu.memref_slice %arg10[%run_scoped3A_82, %mul3A_11] : memref<16x10240xf32, #tpu.memory_space<vmem_shared>> -> memref<1x640xf32, #tpu.memory_space<vmem_shared>>
      %dma_start3A_113 = tpu.memref_squeeze %dma_start3A : memref<1x640xf32, #tpu.memory_space<vmem_shared>> -> memref<640xf32, #tpu.memory_space<vmem_shared>>
      %dma_start3A_114 = tpu.memref_slice %arg10[%run_scoped3A_82, %mul3A_11] : memref<16x10240xf32, #tpu.memory_space<vmem_shared>> -> memref<1x640xf32, #tpu.memory_space<vmem_shared>>
      %dma_start3A_115 = tpu.memref_squeeze %dma_start3A_114 : memref<1x640xf32, #tpu.memory_space<vmem_shared>> -> memref<640xf32, #tpu.memory_space<vmem_shared>>
      tpu.enqueue_dma source(%dma_start3A_115 : memref<640xf32, #tpu.memory_space<vmem_shared>>) target(%arg8 : memref<640xf32, #tpu.memory_space<vmem>>) target_semaphore(%run_scoped3A_112 : memref<!tpu.dma_semaphore, #tpu.memory_space<semaphore_mem>>)
      %dma_wait3A = tpu.memref_slice %arg10[%run_scoped3A_82, %mul3A_11] : memref<16x10240xf32, #tpu.memory_space<vmem_shared>> -> memref<1x640xf32, #tpu.memory_space<vmem_shared>>
      %dma_wait3A_116 = tpu.memref_squeeze %dma_wait3A : memref<1x640xf32, #tpu.memory_space<vmem_shared>> -> memref<640xf32, #tpu.memory_space<vmem_shared>>
      %dma_wait3A_117 = tpu.memref_slice %arg10[%run_scoped3A_82, %mul3A_11] : memref<16x10240xf32, #tpu.memory_space<vmem_shared>> -> memref<1x640xf32, #tpu.memory_space<vmem_shared>>
      %dma_wait3A_118 = tpu.memref_squeeze %dma_wait3A_117 : memref<1x640xf32, #tpu.memory_space<vmem_shared>> -> memref<640xf32, #tpu.memory_space<vmem_shared>>
      tpu.wait_dma2 semaphore(%run_scoped3A_112 : memref<!tpu.dma_semaphore, #tpu.memory_space<semaphore_mem>>) src(%dma_wait3A_118 : memref<640xf32, #tpu.memory_space<vmem_shared>>) dst(%arg8 : memref<640xf32, #tpu.memory_space<vmem>>)
      tpu.yield
    }) : () -> ()
    %scan3A_83 = arith.constant 0 : i32
    %scan3A_84 = arith.constant 40 : i32
    %scan3A_85 = arith.addi %scan3A_83, %scan3A_84 : i32
    %scan3A_86 = arith.constant 1 : i32
    scf.for %scan3A_112 = %scan3A_83 to %scan3A_85 step %scan3A_86  : i32 {
      %mul3A_113 = arith.constant 16 : i32
      %mul3A_114 = arith.muli %scan3A_112, %mul3A_113 : i32
      %add3A_115 = arith.constant 0 : i32
      %add3A_116 = arith.addi %add3A_115, %mul3A_114 : i32
      %get3A = arith.index_cast %add3A_116 : i32 to index
      %get3A_117 = tpu.vector_load %arg9[%get3A] {strides = array<i32>} : memref<640xf32, #tpu.memory_space<vmem>>, vector<16xf32>,
      %get3A_118 = arith.index_cast %add3A_116 : i32 to index
      %get3A_119 = tpu.vector_load %arg8[%get3A_118] {strides = array<i32>} : memref<640xf32, #tpu.memory_space<vmem>>, vector<16xf32>,
      %add3A_120 = arith.addf %get3A_117, %get3A_119 : vector<16xf32>
      %swap3A = arith.index_cast %add3A_116 : i32 to index
      %swap3A_121 = tpu.vector_load %arg9[%swap3A] {strides = array<i32>} : memref<640xf32, #tpu.memory_space<vmem>>, vector<16xf32>,
      tpu.vector_store %arg9[%swap3A], %add3A_120 {strides = array<i32>} : memref<640xf32, #tpu.memory_space<vmem>>, vector<16xf32>,
    }
    %scan3A_87 = arith.constant 40 : i32
    %run_scoped3A_88 = arith.constant 12 : i32
    "tpu.region"() ({
      %run_scoped3A_112 = tpu.sem_alloc : memref<!tpu.dma_semaphore, #tpu.memory_space<semaphore_mem>>
      %dma_start3A = tpu.memref_slice %arg10[%run_scoped3A_88, %mul3A_11] : memref<16x10240xf32, #tpu.memory_space<vmem_shared>> -> memref<1x640xf32, #tpu.memory_space<vmem_shared>>
      %dma_start3A_113 = tpu.memref_squeeze %dma_start3A : memref<1x640xf32, #tpu.memory_space<vmem_shared>> -> memref<640xf32, #tpu.memory_space<vmem_shared>>
      %dma_start3A_114 = tpu.memref_slice %arg10[%run_scoped3A_88, %mul3A_11] : memref<16x10240xf32, #tpu.memory_space<vmem_shared>> -> memref<1x640xf32, #tpu.memory_space<vmem_shared>>
      %dma_start3A_115 = tpu.memref_squeeze %dma_start3A_114 : memref<1x640xf32, #tpu.memory_space<vmem_shared>> -> memref<640xf32, #tpu.memory_space<vmem_shared>>
      tpu.enqueue_dma source(%dma_start3A_115 : memref<640xf32, #tpu.memory_space<vmem_shared>>) target(%arg8 : memref<640xf32, #tpu.memory_space<vmem>>) target_semaphore(%run_scoped3A_112 : memref<!tpu.dma_semaphore, #tpu.memory_space<semaphore_mem>>)
      %dma_wait3A = tpu.memref_slice %arg10[%run_scoped3A_88, %mul3A_11] : memref<16x10240xf32, #tpu.memory_space<vmem_shared>> -> memref<1x640xf32, #tpu.memory_space<vmem_shared>>
      %dma_wait3A_116 = tpu.memref_squeeze %dma_wait3A : memref<1x640xf32, #tpu.memory_space<vmem_shared>> -> memref<640xf32, #tpu.memory_space<vmem_shared>>
      %dma_wait3A_117 = tpu.memref_slice %arg10[%run_scoped3A_88, %mul3A_11] : memref<16x10240xf32, #tpu.memory_space<vmem_shared>> -> memref<1x640xf32, #tpu.memory_space<vmem_shared>>
      %dma_wait3A_118 = tpu.memref_squeeze %dma_wait3A_117 : memref<1x640xf32, #tpu.memory_space<vmem_shared>> -> memref<640xf32, #tpu.memory_space<vmem_shared>>
      tpu.wait_dma2 semaphore(%run_scoped3A_112 : memref<!tpu.dma_semaphore, #tpu.memory_space<semaphore_mem>>) src(%dma_wait3A_118 : memref<640xf32, #tpu.memory_space<vmem_shared>>) dst(%arg8 : memref<640xf32, #tpu.memory_space<vmem>>)
      tpu.yield
    }) : () -> ()
    %scan3A_89 = arith.constant 0 : i32
    %scan3A_90 = arith.constant 40 : i32
    %scan3A_91 = arith.addi %scan3A_89, %scan3A_90 : i32
    %scan3A_92 = arith.constant 1 : i32
    scf.for %scan3A_112 = %scan3A_89 to %scan3A_91 step %scan3A_92  : i32 {
      %mul3A_113 = arith.constant 16 : i32
      %mul3A_114 = arith.muli %scan3A_112, %mul3A_113 : i32
      %add3A_115 = arith.constant 0 : i32
      %add3A_116 = arith.addi %add3A_115, %mul3A_114 : i32
      %get3A = arith.index_cast %add3A_116 : i32 to index
      %get3A_117 = tpu.vector_load %arg9[%get3A] {strides = array<i32>} : memref<640xf32, #tpu.memory_space<vmem>>, vector<16xf32>,
      %get3A_118 = arith.index_cast %add3A_116 : i32 to index
      %get3A_119 = tpu.vector_load %arg8[%get3A_118] {strides = array<i32>} : memref<640xf32, #tpu.memory_space<vmem>>, vector<16xf32>,
      %add3A_120 = arith.addf %get3A_117, %get3A_119 : vector<16xf32>
      %swap3A = arith.index_cast %add3A_116 : i32 to index
      %swap3A_121 = tpu.vector_load %arg9[%swap3A] {strides = array<i32>} : memref<640xf32, #tpu.memory_space<vmem>>, vector<16xf32>,
      tpu.vector_store %arg9[%swap3A], %add3A_120 {strides = array<i32>} : memref<640xf32, #tpu.memory_space<vmem>>, vector<16xf32>,
    }
    %scan3A_93 = arith.constant 40 : i32
    %run_scoped3A_94 = arith.constant 13 : i32
    "tpu.region"() ({
      %run_scoped3A_112 = tpu.sem_alloc : memref<!tpu.dma_semaphore, #tpu.memory_space<semaphore_mem>>
      %dma_start3A = tpu.memref_slice %arg10[%run_scoped3A_94, %mul3A_11] : memref<16x10240xf32, #tpu.memory_space<vmem_shared>> -> memref<1x640xf32, #tpu.memory_space<vmem_shared>>
      %dma_start3A_113 = tpu.memref_squeeze %dma_start3A : memref<1x640xf32, #tpu.memory_space<vmem_shared>> -> memref<640xf32, #tpu.memory_space<vmem_shared>>
      %dma_start3A_114 = tpu.memref_slice %arg10[%run_scoped3A_94, %mul3A_11] : memref<16x10240xf32, #tpu.memory_space<vmem_shared>> -> memref<1x640xf32, #tpu.memory_space<vmem_shared>>
      %dma_start3A_115 = tpu.memref_squeeze %dma_start3A_114 : memref<1x640xf32, #tpu.memory_space<vmem_shared>> -> memref<640xf32, #tpu.memory_space<vmem_shared>>
      tpu.enqueue_dma source(%dma_start3A_115 : memref<640xf32, #tpu.memory_space<vmem_shared>>) target(%arg8 : memref<640xf32, #tpu.memory_space<vmem>>) target_semaphore(%run_scoped3A_112 : memref<!tpu.dma_semaphore, #tpu.memory_space<semaphore_mem>>)
      %dma_wait3A = tpu.memref_slice %arg10[%run_scoped3A_94, %mul3A_11] : memref<16x10240xf32, #tpu.memory_space<vmem_shared>> -> memref<1x640xf32, #tpu.memory_space<vmem_shared>>
      %dma_wait3A_116 = tpu.memref_squeeze %dma_wait3A : memref<1x640xf32, #tpu.memory_space<vmem_shared>> -> memref<640xf32, #tpu.memory_space<vmem_shared>>
      %dma_wait3A_117 = tpu.memref_slice %arg10[%run_scoped3A_94, %mul3A_11] : memref<16x10240xf32, #tpu.memory_space<vmem_shared>> -> memref<1x640xf32, #tpu.memory_space<vmem_shared>>
      %dma_wait3A_118 = tpu.memref_squeeze %dma_wait3A_117 : memref<1x640xf32, #tpu.memory_space<vmem_shared>> -> memref<640xf32, #tpu.memory_space<vmem_shared>>
      tpu.wait_dma2 semaphore(%run_scoped3A_112 : memref<!tpu.dma_semaphore, #tpu.memory_space<semaphore_mem>>) src(%dma_wait3A_118 : memref<640xf32, #tpu.memory_space<vmem_shared>>) dst(%arg8 : memref<640xf32, #tpu.memory_space<vmem>>)
      tpu.yield
    }) : () -> ()
    %scan3A_95 = arith.constant 0 : i32
    %scan3A_96 = arith.constant 40 : i32
    %scan3A_97 = arith.addi %scan3A_95, %scan3A_96 : i32
    %scan3A_98 = arith.constant 1 : i32
    scf.for %scan3A_112 = %scan3A_95 to %scan3A_97 step %scan3A_98  : i32 {
      %mul3A_113 = arith.constant 16 : i32
      %mul3A_114 = arith.muli %scan3A_112, %mul3A_113 : i32
      %add3A_115 = arith.constant 0 : i32
      %add3A_116 = arith.addi %add3A_115, %mul3A_114 : i32
      %get3A = arith.index_cast %add3A_116 : i32 to index
      %get3A_117 = tpu.vector_load %arg9[%get3A] {strides = array<i32>} : memref<640xf32, #tpu.memory_space<vmem>>, vector<16xf32>,
      %get3A_118 = arith.index_cast %add3A_116 : i32 to index
      %get3A_119 = tpu.vector_load %arg8[%get3A_118] {strides = array<i32>} : memref<640xf32, #tpu.memory_space<vmem>>, vector<16xf32>,
      %add3A_120 = arith.addf %get3A_117, %get3A_119 : vector<16xf32>
      %swap3A = arith.index_cast %add3A_116 : i32 to index
      %swap3A_121 = tpu.vector_load %arg9[%swap3A] {strides = array<i32>} : memref<640xf32, #tpu.memory_space<vmem>>, vector<16xf32>,
      tpu.vector_store %arg9[%swap3A], %add3A_120 {strides = array<i32>} : memref<640xf32, #tpu.memory_space<vmem>>, vector<16xf32>,
    }
    %scan3A_99 = arith.constant 40 : i32
    %run_scoped3A_100 = arith.constant 14 : i32
    "tpu.region"() ({
      %run_scoped3A_112 = tpu.sem_alloc : memref<!tpu.dma_semaphore, #tpu.memory_space<semaphore_mem>>
      %dma_start3A = tpu.memref_slice %arg10[%run_scoped3A_100, %mul3A_11] : memref<16x10240xf32, #tpu.memory_space<vmem_shared>> -> memref<1x640xf32, #tpu.memory_space<vmem_shared>>
      %dma_start3A_113 = tpu.memref_squeeze %dma_start3A : memref<1x640xf32, #tpu.memory_space<vmem_shared>> -> memref<640xf32, #tpu.memory_space<vmem_shared>>
      %dma_start3A_114 = tpu.memref_slice %arg10[%run_scoped3A_100, %mul3A_11] : memref<16x10240xf32, #tpu.memory_space<vmem_shared>> -> memref<1x640xf32, #tpu.memory_space<vmem_shared>>
      %dma_start3A_115 = tpu.memref_squeeze %dma_start3A_114 : memref<1x640xf32, #tpu.memory_space<vmem_shared>> -> memref<640xf32, #tpu.memory_space<vmem_shared>>
      tpu.enqueue_dma source(%dma_start3A_115 : memref<640xf32, #tpu.memory_space<vmem_shared>>) target(%arg8 : memref<640xf32, #tpu.memory_space<vmem>>) target_semaphore(%run_scoped3A_112 : memref<!tpu.dma_semaphore, #tpu.memory_space<semaphore_mem>>)
      %dma_wait3A = tpu.memref_slice %arg10[%run_scoped3A_100, %mul3A_11] : memref<16x10240xf32, #tpu.memory_space<vmem_shared>> -> memref<1x640xf32, #tpu.memory_space<vmem_shared>>
      %dma_wait3A_116 = tpu.memref_squeeze %dma_wait3A : memref<1x640xf32, #tpu.memory_space<vmem_shared>> -> memref<640xf32, #tpu.memory_space<vmem_shared>>
      %dma_wait3A_117 = tpu.memref_slice %arg10[%run_scoped3A_100, %mul3A_11] : memref<16x10240xf32, #tpu.memory_space<vmem_shared>> -> memref<1x640xf32, #tpu.memory_space<vmem_shared>>
      %dma_wait3A_118 = tpu.memref_squeeze %dma_wait3A_117 : memref<1x640xf32, #tpu.memory_space<vmem_shared>> -> memref<640xf32, #tpu.memory_space<vmem_shared>>
      tpu.wait_dma2 semaphore(%run_scoped3A_112 : memref<!tpu.dma_semaphore, #tpu.memory_space<semaphore_mem>>) src(%dma_wait3A_118 : memref<640xf32, #tpu.memory_space<vmem_shared>>) dst(%arg8 : memref<640xf32, #tpu.memory_space<vmem>>)
      tpu.yield
    }) : () -> ()
    %scan3A_101 = arith.constant 0 : i32
    %scan3A_102 = arith.constant 40 : i32
    %scan3A_103 = arith.addi %scan3A_101, %scan3A_102 : i32
    %scan3A_104 = arith.constant 1 : i32
    scf.for %scan3A_112 = %scan3A_101 to %scan3A_103 step %scan3A_104  : i32 {
      %mul3A_113 = arith.constant 16 : i32
      %mul3A_114 = arith.muli %scan3A_112, %mul3A_113 : i32
      %add3A_115 = arith.constant 0 : i32
      %add3A_116 = arith.addi %add3A_115, %mul3A_114 : i32
      %get3A = arith.index_cast %add3A_116 : i32 to index
      %get3A_117 = tpu.vector_load %arg9[%get3A] {strides = array<i32>} : memref<640xf32, #tpu.memory_space<vmem>>, vector<16xf32>,
      %get3A_118 = arith.index_cast %add3A_116 : i32 to index
      %get3A_119 = tpu.vector_load %arg8[%get3A_118] {strides = array<i32>} : memref<640xf32, #tpu.memory_space<vmem>>, vector<16xf32>,
      %add3A_120 = arith.addf %get3A_117, %get3A_119 : vector<16xf32>
      %swap3A = arith.index_cast %add3A_116 : i32 to index
      %swap3A_121 = tpu.vector_load %arg9[%swap3A] {strides = array<i32>} : memref<640xf32, #tpu.memory_space<vmem>>, vector<16xf32>,
      tpu.vector_store %arg9[%swap3A], %add3A_120 {strides = array<i32>} : memref<640xf32, #tpu.memory_space<vmem>>, vector<16xf32>,
    }
    %scan3A_105 = arith.constant 40 : i32
    %run_scoped3A_106 = arith.constant 15 : i32
    "tpu.region"() ({
      %run_scoped3A_112 = tpu.sem_alloc : memref<!tpu.dma_semaphore, #tpu.memory_space<semaphore_mem>>
      %dma_start3A = tpu.memref_slice %arg10[%run_scoped3A_106, %mul3A_11] : memref<16x10240xf32, #tpu.memory_space<vmem_shared>> -> memref<1x640xf32, #tpu.memory_space<vmem_shared>>
      %dma_start3A_113 = tpu.memref_squeeze %dma_start3A : memref<1x640xf32, #tpu.memory_space<vmem_shared>> -> memref<640xf32, #tpu.memory_space<vmem_shared>>
      %dma_start3A_114 = tpu.memref_slice %arg10[%run_scoped3A_106, %mul3A_11] : memref<16x10240xf32, #tpu.memory_space<vmem_shared>> -> memref<1x640xf32, #tpu.memory_space<vmem_shared>>
      %dma_start3A_115 = tpu.memref_squeeze %dma_start3A_114 : memref<1x640xf32, #tpu.memory_space<vmem_shared>> -> memref<640xf32, #tpu.memory_space<vmem_shared>>
      tpu.enqueue_dma source(%dma_start3A_115 : memref<640xf32, #tpu.memory_space<vmem_shared>>) target(%arg8 : memref<640xf32, #tpu.memory_space<vmem>>) target_semaphore(%run_scoped3A_112 : memref<!tpu.dma_semaphore, #tpu.memory_space<semaphore_mem>>)
      %dma_wait3A = tpu.memref_slice %arg10[%run_scoped3A_106, %mul3A_11] : memref<16x10240xf32, #tpu.memory_space<vmem_shared>> -> memref<1x640xf32, #tpu.memory_space<vmem_shared>>
      %dma_wait3A_116 = tpu.memref_squeeze %dma_wait3A : memref<1x640xf32, #tpu.memory_space<vmem_shared>> -> memref<640xf32, #tpu.memory_space<vmem_shared>>
      %dma_wait3A_117 = tpu.memref_slice %arg10[%run_scoped3A_106, %mul3A_11] : memref<16x10240xf32, #tpu.memory_space<vmem_shared>> -> memref<1x640xf32, #tpu.memory_space<vmem_shared>>
      %dma_wait3A_118 = tpu.memref_squeeze %dma_wait3A_117 : memref<1x640xf32, #tpu.memory_space<vmem_shared>> -> memref<640xf32, #tpu.memory_space<vmem_shared>>
      tpu.wait_dma2 semaphore(%run_scoped3A_112 : memref<!tpu.dma_semaphore, #tpu.memory_space<semaphore_mem>>) src(%dma_wait3A_118 : memref<640xf32, #tpu.memory_space<vmem_shared>>) dst(%arg8 : memref<640xf32, #tpu.memory_space<vmem>>)
      tpu.yield
    }) : () -> ()
    %scan3A_107 = arith.constant 0 : i32
    %scan3A_108 = arith.constant 40 : i32
    %scan3A_109 = arith.addi %scan3A_107, %scan3A_108 : i32
    %scan3A_110 = arith.constant 1 : i32
    scf.for %scan3A_112 = %scan3A_107 to %scan3A_109 step %scan3A_110  : i32 {
      %mul3A_113 = arith.constant 16 : i32
      %mul3A_114 = arith.muli %scan3A_112, %mul3A_113 : i32
      %add3A_115 = arith.constant 0 : i32
      %add3A_116 = arith.addi %add3A_115, %mul3A_114 : i32
      %get3A = arith.index_cast %add3A_116 : i32 to index
      %get3A_117 = tpu.vector_load %arg9[%get3A] {strides = array<i32>} : memref<640xf32, #tpu.memory_space<vmem>>, vector<16xf32>,
      %get3A_118 = arith.index_cast %add3A_116 : i32 to index
      %get3A_119 = tpu.vector_load %arg8[%get3A_118] {strides = array<i32>} : memref<640xf32, #tpu.memory_space<vmem>>, vector<16xf32>,
      %add3A_120 = arith.addf %get3A_117, %get3A_119 : vector<16xf32>
      %swap3A = arith.index_cast %add3A_116 : i32 to index
      %swap3A_121 = tpu.vector_load %arg9[%swap3A] {strides = array<i32>} : memref<640xf32, #tpu.memory_space<vmem>>, vector<16xf32>,
      tpu.vector_store %arg9[%swap3A], %add3A_120 {strides = array<i32>} : memref<640xf32, #tpu.memory_space<vmem>>, vector<16xf32>,
    }
    %scan3A_111 = arith.constant 40 : i32
    "tpu.region"() ({
      %run_scoped3A_112 = tpu.sem_alloc : memref<!tpu.dma_semaphore, #tpu.memory_space<semaphore_mem>>
      %dma_start3A = tpu.memref_slice %arg4[%arg0, %mul3A_11] : memref<2x10240xf32, #tpu.memory_space<hbm>> -> memref<1x640xf32, #tpu.memory_space<hbm>>
      %dma_start3A_113 = tpu.memref_squeeze %dma_start3A : memref<1x640xf32, #tpu.memory_space<hbm>> -> memref<640xf32, #tpu.memory_space<hbm>>
      %dma_start3A_114 = tpu.memref_slice %arg4[%arg0, %mul3A_11] : memref<2x10240xf32, #tpu.memory_space<hbm>> -> memref<1x640xf32, #tpu.memory_space<hbm>>
      %dma_start3A_115 = tpu.memref_squeeze %dma_start3A_114 : memref<1x640xf32, #tpu.memory_space<hbm>> -> memref<640xf32, #tpu.memory_space<hbm>>
      tpu.enqueue_dma source(%arg9 : memref<640xf32, #tpu.memory_space<vmem>>) target(%dma_start3A_115 : memref<640xf32, #tpu.memory_space<hbm>>) target_semaphore(%run_scoped3A_112 : memref<!tpu.dma_semaphore, #tpu.memory_space<semaphore_mem>>)
      %dma_wait3A = tpu.memref_slice %arg4[%arg0, %mul3A_11] : memref<2x10240xf32, #tpu.memory_space<hbm>> -> memref<1x640xf32, #tpu.memory_space<hbm>>
      %dma_wait3A_116 = tpu.memref_squeeze %dma_wait3A : memref<1x640xf32, #tpu.memory_space<hbm>> -> memref<640xf32, #tpu.memory_space<hbm>>
      %dma_wait3A_117 = tpu.memref_slice %arg4[%arg0, %mul3A_11] : memref<2x10240xf32, #tpu.memory_space<hbm>> -> memref<1x640xf32, #tpu.memory_space<hbm>>
      %dma_wait3A_118 = tpu.memref_squeeze %dma_wait3A_117 : memref<1x640xf32, #tpu.memory_space<hbm>> -> memref<640xf32, #tpu.memory_space<hbm>>
      tpu.wait_dma2 semaphore(%run_scoped3A_112 : memref<!tpu.dma_semaphore, #tpu.memory_space<semaphore_mem>>) src(%arg9 : memref<640xf32, #tpu.memory_space<vmem>>) dst(%dma_wait3A_118 : memref<640xf32, #tpu.memory_space<hbm>>)
      tpu.yield
    }) : () -> ()
    return
  }
}

#map = affine_map<(d0, d1) -> (0, 0)>
#map1 = affine_map<(d0, d1) -> (0)>
#map2 = affine_map<(d0, d1) -> (0, 0, 0)>
module attributes {stable_mosaic.version = 14 : i64} {
  func.func @_edge_body(%arg0: i32, %arg1: i32, %arg2: memref<10000x128xf32, #tpu.memory_space<hbm>>, %arg3: memref<320000xi32, #tpu.memory_space<hbm>>, %arg4: memref<320000xi32, #tpu.memory_space<hbm>>, %arg5: memref<320000xf32, #tpu.memory_space<hbm>>, %arg6: memref<2x10240x128xf32, #tpu.memory_space<hbm>>, %arg7: memref<200xi32, #tpu.memory_space<vmem>>, %arg8: memref<200xi32, #tpu.memory_space<vmem>>, %arg9: memref<200xf32, #tpu.memory_space<vmem>>, %arg10: memref<200x128xf32, #tpu.memory_space<vmem>>, %arg11: memref<128x128xf32, #tpu.memory_space<vmem>>, %arg12: memref<10240x128xf32, #tpu.memory_space<vmem_shared>>, %arg13: memref<!tpu.dma_semaphore, #tpu.memory_space<semaphore_mem>>) attributes {dimension_semantics = [#tpu.dimension_semantics<core_parallel>, #tpu.dimension_semantics<subcore_parallel>], iteration_bounds = array<i64: 2, 16>, scalar_prefetch = 0 : i64, scratch_operands = 7 : i64, tpu.core_type = #tpu.core_type<sc_vector_subcore>, window_params = [{transform_indices = #map}, {transform_indices = #map1}, {transform_indices = #map1}, {transform_indices = #map1}, {transform_indices = #map2}]} {
    %mul3A = arith.constant 16 : i32
    %mul3A_0 = arith.muli %arg0, %mul3A : i32
    %add3A = arith.addi %mul3A_0, %arg1 : i32
    %scan3A = arith.constant 0 : i32
    %scan3A_1 = arith.constant 128 : i32
    %scan3A_2 = arith.addi %scan3A, %scan3A_1 : i32
    %scan3A_3 = arith.constant 1 : i32
    scf.for %scan3A_51 = %scan3A to %scan3A_2 step %scan3A_3  : i32 {
      %mul3A_52 = arith.constant 1 : i32
      %mul3A_53 = arith.muli %scan3A_51, %mul3A_52 : i32
      %add3A_54 = arith.constant 0 : i32
      %add3A_55 = arith.addi %add3A_54, %mul3A_53 : i32
      %broadcast_in_dim3A = arith.constant 0.000000e+00 : f32
      %broadcast_in_dim3A_56 = vector.broadcast %broadcast_in_dim3A : f32 to vector<16xf32>
      %swap3A = arith.index_cast %add3A_55 : i32 to index
      %swap3A_57 = arith.constant 0 : index
      %swap3A_58 = tpu.vector_load %arg11[%swap3A, %swap3A_57] {strides = array<i32>} : memref<128x128xf32, #tpu.memory_space<vmem>>, vector<16xf32>,
      tpu.vector_store %arg11[%swap3A, %swap3A_57], %broadcast_in_dim3A_56 {strides = array<i32>} : memref<128x128xf32, #tpu.memory_space<vmem>>, vector<16xf32>,
      %broadcast_in_dim3A_59 = arith.constant 0.000000e+00 : f32
      %broadcast_in_dim3A_60 = vector.broadcast %broadcast_in_dim3A_59 : f32 to vector<16xf32>
      %swap3A_61 = arith.index_cast %add3A_55 : i32 to index
      %swap3A_62 = arith.constant 16 : index
      %swap3A_63 = tpu.vector_load %arg11[%swap3A_61, %swap3A_62] {strides = array<i32>} : memref<128x128xf32, #tpu.memory_space<vmem>>, vector<16xf32>,
      tpu.vector_store %arg11[%swap3A_61, %swap3A_62], %broadcast_in_dim3A_60 {strides = array<i32>} : memref<128x128xf32, #tpu.memory_space<vmem>>, vector<16xf32>,
      %broadcast_in_dim3A_64 = arith.constant 0.000000e+00 : f32
      %broadcast_in_dim3A_65 = vector.broadcast %broadcast_in_dim3A_64 : f32 to vector<16xf32>
      %swap3A_66 = arith.index_cast %add3A_55 : i32 to index
      %swap3A_67 = arith.constant 32 : index
      %swap3A_68 = tpu.vector_load %arg11[%swap3A_66, %swap3A_67] {strides = array<i32>} : memref<128x128xf32, #tpu.memory_space<vmem>>, vector<16xf32>,
      tpu.vector_store %arg11[%swap3A_66, %swap3A_67], %broadcast_in_dim3A_65 {strides = array<i32>} : memref<128x128xf32, #tpu.memory_space<vmem>>, vector<16xf32>,
      %broadcast_in_dim3A_69 = arith.constant 0.000000e+00 : f32
      %broadcast_in_dim3A_70 = vector.broadcast %broadcast_in_dim3A_69 : f32 to vector<16xf32>
      %swap3A_71 = arith.index_cast %add3A_55 : i32 to index
      %swap3A_72 = arith.constant 48 : index
      %swap3A_73 = tpu.vector_load %arg11[%swap3A_71, %swap3A_72] {strides = array<i32>} : memref<128x128xf32, #tpu.memory_space<vmem>>, vector<16xf32>,
      tpu.vector_store %arg11[%swap3A_71, %swap3A_72], %broadcast_in_dim3A_70 {strides = array<i32>} : memref<128x128xf32, #tpu.memory_space<vmem>>, vector<16xf32>,
      %broadcast_in_dim3A_74 = arith.constant 0.000000e+00 : f32
      %broadcast_in_dim3A_75 = vector.broadcast %broadcast_in_dim3A_74 : f32 to vector<16xf32>
      %swap3A_76 = arith.index_cast %add3A_55 : i32 to index
      %swap3A_77 = arith.constant 64 : index
      %swap3A_78 = tpu.vector_load %arg11[%swap3A_76, %swap3A_77] {strides = array<i32>} : memref<128x128xf32, #tpu.memory_space<vmem>>, vector<16xf32>,
      tpu.vector_store %arg11[%swap3A_76, %swap3A_77], %broadcast_in_dim3A_75 {strides = array<i32>} : memref<128x128xf32, #tpu.memory_space<vmem>>, vector<16xf32>,
      %broadcast_in_dim3A_79 = arith.constant 0.000000e+00 : f32
      %broadcast_in_dim3A_80 = vector.broadcast %broadcast_in_dim3A_79 : f32 to vector<16xf32>
      %swap3A_81 = arith.index_cast %add3A_55 : i32 to index
      %swap3A_82 = arith.constant 80 : index
      %swap3A_83 = tpu.vector_load %arg11[%swap3A_81, %swap3A_82] {strides = array<i32>} : memref<128x128xf32, #tpu.memory_space<vmem>>, vector<16xf32>,
      tpu.vector_store %arg11[%swap3A_81, %swap3A_82], %broadcast_in_dim3A_80 {strides = array<i32>} : memref<128x128xf32, #tpu.memory_space<vmem>>, vector<16xf32>,
      %broadcast_in_dim3A_84 = arith.constant 0.000000e+00 : f32
      %broadcast_in_dim3A_85 = vector.broadcast %broadcast_in_dim3A_84 : f32 to vector<16xf32>
      %swap3A_86 = arith.index_cast %add3A_55 : i32 to index
      %swap3A_87 = arith.constant 96 : index
      %swap3A_88 = tpu.vector_load %arg11[%swap3A_86, %swap3A_87] {strides = array<i32>} : memref<128x128xf32, #tpu.memory_space<vmem>>, vector<16xf32>,
      tpu.vector_store %arg11[%swap3A_86, %swap3A_87], %broadcast_in_dim3A_85 {strides = array<i32>} : memref<128x128xf32, #tpu.memory_space<vmem>>, vector<16xf32>,
      %broadcast_in_dim3A_89 = arith.constant 0.000000e+00 : f32
      %broadcast_in_dim3A_90 = vector.broadcast %broadcast_in_dim3A_89 : f32 to vector<16xf32>
      %swap3A_91 = arith.index_cast %add3A_55 : i32 to index
      %swap3A_92 = arith.constant 112 : index
      %swap3A_93 = tpu.vector_load %arg11[%swap3A_91, %swap3A_92] {strides = array<i32>} : memref<128x128xf32, #tpu.memory_space<vmem>>, vector<16xf32>,
      tpu.vector_store %arg11[%swap3A_91, %swap3A_92], %broadcast_in_dim3A_90 {strides = array<i32>} : memref<128x128xf32, #tpu.memory_space<vmem>>, vector<16xf32>,
    }
    %scan3A_4 = arith.constant 128 : i32
    %mul3A_5 = arith.constant 640 : i32
    %mul3A_6 = arith.muli %arg1, %mul3A_5 : i32
    %add3A_7 = arith.constant 0 : i32
    %add3A_8 = arith.addi %mul3A_6, %add3A_7 : i32
    "tpu.region"() ({
      %run_scoped3A = tpu.sem_alloc : memref<!tpu.dma_semaphore, #tpu.memory_space<semaphore_mem>>
      %dma_start3A = arith.constant 0 : i32
      %dma_start3A_51 = tpu.memref_slice %arg12[%add3A_8, %dma_start3A] : memref<10240x128xf32, #tpu.memory_space<vmem_shared>> -> memref<128x128xf32, #tpu.memory_space<vmem_shared>>
      %dma_start3A_52 = arith.constant 0 : i32
      %dma_start3A_53 = tpu.memref_slice %arg12[%add3A_8, %dma_start3A_52] : memref<10240x128xf32, #tpu.memory_space<vmem_shared>> -> memref<128x128xf32, #tpu.memory_space<vmem_shared>>
      tpu.enqueue_dma source(%arg11 : memref<128x128xf32, #tpu.memory_space<vmem>>) target(%dma_start3A_53 : memref<128x128xf32, #tpu.memory_space<vmem_shared>>) target_semaphore(%run_scoped3A : memref<!tpu.dma_semaphore, #tpu.memory_space<semaphore_mem>>)
      %dma_wait3A = arith.constant 0 : i32
      %dma_wait3A_54 = tpu.memref_slice %arg12[%add3A_8, %dma_wait3A] : memref<10240x128xf32, #tpu.memory_space<vmem_shared>> -> memref<128x128xf32, #tpu.memory_space<vmem_shared>>
      %dma_wait3A_55 = arith.constant 0 : i32
      %dma_wait3A_56 = tpu.memref_slice %arg12[%add3A_8, %dma_wait3A_55] : memref<10240x128xf32, #tpu.memory_space<vmem_shared>> -> memref<128x128xf32, #tpu.memory_space<vmem_shared>>
      tpu.wait_dma2 semaphore(%run_scoped3A : memref<!tpu.dma_semaphore, #tpu.memory_space<semaphore_mem>>) src(%arg11 : memref<128x128xf32, #tpu.memory_space<vmem>>) dst(%dma_wait3A_56 : memref<128x128xf32, #tpu.memory_space<vmem_shared>>)
      tpu.yield
    }) : () -> ()
    %mul3A_9 = arith.constant 640 : i32
    %mul3A_10 = arith.muli %arg1, %mul3A_9 : i32
    %add3A_11 = arith.constant 128 : i32
    %add3A_12 = arith.addi %mul3A_10, %add3A_11 : i32
    "tpu.region"() ({
      %run_scoped3A = tpu.sem_alloc : memref<!tpu.dma_semaphore, #tpu.memory_space<semaphore_mem>>
      %dma_start3A = arith.constant 0 : i32
      %dma_start3A_51 = tpu.memref_slice %arg12[%add3A_12, %dma_start3A] : memref<10240x128xf32, #tpu.memory_space<vmem_shared>> -> memref<128x128xf32, #tpu.memory_space<vmem_shared>>
      %dma_start3A_52 = arith.constant 0 : i32
      %dma_start3A_53 = tpu.memref_slice %arg12[%add3A_12, %dma_start3A_52] : memref<10240x128xf32, #tpu.memory_space<vmem_shared>> -> memref<128x128xf32, #tpu.memory_space<vmem_shared>>
      tpu.enqueue_dma source(%arg11 : memref<128x128xf32, #tpu.memory_space<vmem>>) target(%dma_start3A_53 : memref<128x128xf32, #tpu.memory_space<vmem_shared>>) target_semaphore(%run_scoped3A : memref<!tpu.dma_semaphore, #tpu.memory_space<semaphore_mem>>)
      %dma_wait3A = arith.constant 0 : i32
      %dma_wait3A_54 = tpu.memref_slice %arg12[%add3A_12, %dma_wait3A] : memref<10240x128xf32, #tpu.memory_space<vmem_shared>> -> memref<128x128xf32, #tpu.memory_space<vmem_shared>>
      %dma_wait3A_55 = arith.constant 0 : i32
      %dma_wait3A_56 = tpu.memref_slice %arg12[%add3A_12, %dma_wait3A_55] : memref<10240x128xf32, #tpu.memory_space<vmem_shared>> -> memref<128x128xf32, #tpu.memory_space<vmem_shared>>
      tpu.wait_dma2 semaphore(%run_scoped3A : memref<!tpu.dma_semaphore, #tpu.memory_space<semaphore_mem>>) src(%arg11 : memref<128x128xf32, #tpu.memory_space<vmem>>) dst(%dma_wait3A_56 : memref<128x128xf32, #tpu.memory_space<vmem_shared>>)
      tpu.yield
    }) : () -> ()
    %mul3A_13 = arith.constant 640 : i32
    %mul3A_14 = arith.muli %arg1, %mul3A_13 : i32
    %add3A_15 = arith.constant 256 : i32
    %add3A_16 = arith.addi %mul3A_14, %add3A_15 : i32
    "tpu.region"() ({
      %run_scoped3A = tpu.sem_alloc : memref<!tpu.dma_semaphore, #tpu.memory_space<semaphore_mem>>
      %dma_start3A = arith.constant 0 : i32
      %dma_start3A_51 = tpu.memref_slice %arg12[%add3A_16, %dma_start3A] : memref<10240x128xf32, #tpu.memory_space<vmem_shared>> -> memref<128x128xf32, #tpu.memory_space<vmem_shared>>
      %dma_start3A_52 = arith.constant 0 : i32
      %dma_start3A_53 = tpu.memref_slice %arg12[%add3A_16, %dma_start3A_52] : memref<10240x128xf32, #tpu.memory_space<vmem_shared>> -> memref<128x128xf32, #tpu.memory_space<vmem_shared>>
      tpu.enqueue_dma source(%arg11 : memref<128x128xf32, #tpu.memory_space<vmem>>) target(%dma_start3A_53 : memref<128x128xf32, #tpu.memory_space<vmem_shared>>) target_semaphore(%run_scoped3A : memref<!tpu.dma_semaphore, #tpu.memory_space<semaphore_mem>>)
      %dma_wait3A = arith.constant 0 : i32
      %dma_wait3A_54 = tpu.memref_slice %arg12[%add3A_16, %dma_wait3A] : memref<10240x128xf32, #tpu.memory_space<vmem_shared>> -> memref<128x128xf32, #tpu.memory_space<vmem_shared>>
      %dma_wait3A_55 = arith.constant 0 : i32
      %dma_wait3A_56 = tpu.memref_slice %arg12[%add3A_16, %dma_wait3A_55] : memref<10240x128xf32, #tpu.memory_space<vmem_shared>> -> memref<128x128xf32, #tpu.memory_space<vmem_shared>>
      tpu.wait_dma2 semaphore(%run_scoped3A : memref<!tpu.dma_semaphore, #tpu.memory_space<semaphore_mem>>) src(%arg11 : memref<128x128xf32, #tpu.memory_space<vmem>>) dst(%dma_wait3A_56 : memref<128x128xf32, #tpu.memory_space<vmem_shared>>)
      tpu.yield
    }) : () -> ()
    %mul3A_17 = arith.constant 640 : i32
    %mul3A_18 = arith.muli %arg1, %mul3A_17 : i32
    %add3A_19 = arith.constant 384 : i32
    %add3A_20 = arith.addi %mul3A_18, %add3A_19 : i32
    "tpu.region"() ({
      %run_scoped3A = tpu.sem_alloc : memref<!tpu.dma_semaphore, #tpu.memory_space<semaphore_mem>>
      %dma_start3A = arith.constant 0 : i32
      %dma_start3A_51 = tpu.memref_slice %arg12[%add3A_20, %dma_start3A] : memref<10240x128xf32, #tpu.memory_space<vmem_shared>> -> memref<128x128xf32, #tpu.memory_space<vmem_shared>>
      %dma_start3A_52 = arith.constant 0 : i32
      %dma_start3A_53 = tpu.memref_slice %arg12[%add3A_20, %dma_start3A_52] : memref<10240x128xf32, #tpu.memory_space<vmem_shared>> -> memref<128x128xf32, #tpu.memory_space<vmem_shared>>
      tpu.enqueue_dma source(%arg11 : memref<128x128xf32, #tpu.memory_space<vmem>>) target(%dma_start3A_53 : memref<128x128xf32, #tpu.memory_space<vmem_shared>>) target_semaphore(%run_scoped3A : memref<!tpu.dma_semaphore, #tpu.memory_space<semaphore_mem>>)
      %dma_wait3A = arith.constant 0 : i32
      %dma_wait3A_54 = tpu.memref_slice %arg12[%add3A_20, %dma_wait3A] : memref<10240x128xf32, #tpu.memory_space<vmem_shared>> -> memref<128x128xf32, #tpu.memory_space<vmem_shared>>
      %dma_wait3A_55 = arith.constant 0 : i32
      %dma_wait3A_56 = tpu.memref_slice %arg12[%add3A_20, %dma_wait3A_55] : memref<10240x128xf32, #tpu.memory_space<vmem_shared>> -> memref<128x128xf32, #tpu.memory_space<vmem_shared>>
      tpu.wait_dma2 semaphore(%run_scoped3A : memref<!tpu.dma_semaphore, #tpu.memory_space<semaphore_mem>>) src(%arg11 : memref<128x128xf32, #tpu.memory_space<vmem>>) dst(%dma_wait3A_56 : memref<128x128xf32, #tpu.memory_space<vmem_shared>>)
      tpu.yield
    }) : () -> ()
    %mul3A_21 = arith.constant 640 : i32
    %mul3A_22 = arith.muli %arg1, %mul3A_21 : i32
    %add3A_23 = arith.constant 512 : i32
    %add3A_24 = arith.addi %mul3A_22, %add3A_23 : i32
    "tpu.region"() ({
      %run_scoped3A = tpu.sem_alloc : memref<!tpu.dma_semaphore, #tpu.memory_space<semaphore_mem>>
      %dma_start3A = arith.constant 0 : i32
      %dma_start3A_51 = tpu.memref_slice %arg12[%add3A_24, %dma_start3A] : memref<10240x128xf32, #tpu.memory_space<vmem_shared>> -> memref<128x128xf32, #tpu.memory_space<vmem_shared>>
      %dma_start3A_52 = arith.constant 0 : i32
      %dma_start3A_53 = tpu.memref_slice %arg12[%add3A_24, %dma_start3A_52] : memref<10240x128xf32, #tpu.memory_space<vmem_shared>> -> memref<128x128xf32, #tpu.memory_space<vmem_shared>>
      tpu.enqueue_dma source(%arg11 : memref<128x128xf32, #tpu.memory_space<vmem>>) target(%dma_start3A_53 : memref<128x128xf32, #tpu.memory_space<vmem_shared>>) target_semaphore(%run_scoped3A : memref<!tpu.dma_semaphore, #tpu.memory_space<semaphore_mem>>)
      %dma_wait3A = arith.constant 0 : i32
      %dma_wait3A_54 = tpu.memref_slice %arg12[%add3A_24, %dma_wait3A] : memref<10240x128xf32, #tpu.memory_space<vmem_shared>> -> memref<128x128xf32, #tpu.memory_space<vmem_shared>>
      %dma_wait3A_55 = arith.constant 0 : i32
      %dma_wait3A_56 = tpu.memref_slice %arg12[%add3A_24, %dma_wait3A_55] : memref<10240x128xf32, #tpu.memory_space<vmem_shared>> -> memref<128x128xf32, #tpu.memory_space<vmem_shared>>
      tpu.wait_dma2 semaphore(%run_scoped3A : memref<!tpu.dma_semaphore, #tpu.memory_space<semaphore_mem>>) src(%arg11 : memref<128x128xf32, #tpu.memory_space<vmem>>) dst(%dma_wait3A_56 : memref<128x128xf32, #tpu.memory_space<vmem_shared>>)
      tpu.yield
    }) : () -> ()
    %barrier3A = arith.constant 0 : index
    tpu.barrier barrier_id(%barrier3A)
    %scan3A_25 = arith.constant 0 : i32
    %scan3A_26 = arith.constant 50 : i32
    %scan3A_27 = arith.addi %scan3A_25, %scan3A_26 : i32
    %scan3A_28 = arith.constant 1 : i32
    scf.for %scan3A_51 = %scan3A_25 to %scan3A_27 step %scan3A_28  : i32 {
      %mul3A_52 = arith.constant 200 : i32
      %mul3A_53 = arith.muli %scan3A_51, %mul3A_52 : i32
      %add3A_54 = arith.constant 0 : i32
      %add3A_55 = arith.addi %add3A_54, %mul3A_53 : i32
      %mul3A_56 = arith.constant 10000 : i32
      %mul3A_57 = arith.muli %add3A, %mul3A_56 : i32
      %add3A_58 = arith.addi %mul3A_57, %add3A_55 : i32
      %multiple_of3A = tpu.assume_multiple %add3A_58, 8 : i32
      "tpu.region"() ({
        %run_scoped3A = tpu.sem_alloc : memref<!tpu.dma_semaphore, #tpu.memory_space<semaphore_mem>>
        %dma_start3A_68 = tpu.memref_slice %arg3[%multiple_of3A] : memref<320000xi32, #tpu.memory_space<hbm>> -> memref<200xi32, #tpu.memory_space<hbm>>
        %dma_start3A_69 = tpu.memref_slice %arg3[%multiple_of3A] : memref<320000xi32, #tpu.memory_space<hbm>> -> memref<200xi32, #tpu.memory_space<hbm>>
        tpu.enqueue_dma source(%dma_start3A_69 : memref<200xi32, #tpu.memory_space<hbm>>) target(%arg7 : memref<200xi32, #tpu.memory_space<vmem>>) target_semaphore(%run_scoped3A : memref<!tpu.dma_semaphore, #tpu.memory_space<semaphore_mem>>)
        %dma_wait3A_70 = tpu.memref_slice %arg3[%multiple_of3A] : memref<320000xi32, #tpu.memory_space<hbm>> -> memref<200xi32, #tpu.memory_space<hbm>>
        %dma_wait3A_71 = tpu.memref_slice %arg3[%multiple_of3A] : memref<320000xi32, #tpu.memory_space<hbm>> -> memref<200xi32, #tpu.memory_space<hbm>>
        tpu.wait_dma2 semaphore(%run_scoped3A : memref<!tpu.dma_semaphore, #tpu.memory_space<semaphore_mem>>) src(%dma_wait3A_71 : memref<200xi32, #tpu.memory_space<hbm>>) dst(%arg7 : memref<200xi32, #tpu.memory_space<vmem>>)
        tpu.yield
      }) : () -> ()
      "tpu.region"() ({
        %run_scoped3A = tpu.sem_alloc : memref<!tpu.dma_semaphore, #tpu.memory_space<semaphore_mem>>
        %dma_start3A_68 = tpu.memref_slice %arg4[%multiple_of3A] : memref<320000xi32, #tpu.memory_space<hbm>> -> memref<200xi32, #tpu.memory_space<hbm>>
        %dma_start3A_69 = tpu.memref_slice %arg4[%multiple_of3A] : memref<320000xi32, #tpu.memory_space<hbm>> -> memref<200xi32, #tpu.memory_space<hbm>>
        tpu.enqueue_dma source(%dma_start3A_69 : memref<200xi32, #tpu.memory_space<hbm>>) target(%arg8 : memref<200xi32, #tpu.memory_space<vmem>>) target_semaphore(%run_scoped3A : memref<!tpu.dma_semaphore, #tpu.memory_space<semaphore_mem>>)
        %dma_wait3A_70 = tpu.memref_slice %arg4[%multiple_of3A] : memref<320000xi32, #tpu.memory_space<hbm>> -> memref<200xi32, #tpu.memory_space<hbm>>
        %dma_wait3A_71 = tpu.memref_slice %arg4[%multiple_of3A] : memref<320000xi32, #tpu.memory_space<hbm>> -> memref<200xi32, #tpu.memory_space<hbm>>
        tpu.wait_dma2 semaphore(%run_scoped3A : memref<!tpu.dma_semaphore, #tpu.memory_space<semaphore_mem>>) src(%dma_wait3A_71 : memref<200xi32, #tpu.memory_space<hbm>>) dst(%arg8 : memref<200xi32, #tpu.memory_space<vmem>>)
        tpu.yield
      }) : () -> ()
      "tpu.region"() ({
        %run_scoped3A = tpu.sem_alloc : memref<!tpu.dma_semaphore, #tpu.memory_space<semaphore_mem>>
        %dma_start3A_68 = tpu.memref_slice %arg5[%multiple_of3A] : memref<320000xf32, #tpu.memory_space<hbm>> -> memref<200xf32, #tpu.memory_space<hbm>>
        %dma_start3A_69 = tpu.memref_slice %arg5[%multiple_of3A] : memref<320000xf32, #tpu.memory_space<hbm>> -> memref<200xf32, #tpu.memory_space<hbm>>
        tpu.enqueue_dma source(%dma_start3A_69 : memref<200xf32, #tpu.memory_space<hbm>>) target(%arg9 : memref<200xf32, #tpu.memory_space<vmem>>) target_semaphore(%run_scoped3A : memref<!tpu.dma_semaphore, #tpu.memory_space<semaphore_mem>>)
        %dma_wait3A_70 = tpu.memref_slice %arg5[%multiple_of3A] : memref<320000xf32, #tpu.memory_space<hbm>> -> memref<200xf32, #tpu.memory_space<hbm>>
        %dma_wait3A_71 = tpu.memref_slice %arg5[%multiple_of3A] : memref<320000xf32, #tpu.memory_space<hbm>> -> memref<200xf32, #tpu.memory_space<hbm>>
        tpu.wait_dma2 semaphore(%run_scoped3A : memref<!tpu.dma_semaphore, #tpu.memory_space<semaphore_mem>>) src(%dma_wait3A_71 : memref<200xf32, #tpu.memory_space<hbm>>) dst(%arg9 : memref<200xf32, #tpu.memory_space<vmem>>)
        tpu.yield
      }) : () -> ()
      %dma_start3A = arith.constant 0 : i32
      %dma_start3A_59 = arith.constant 0 : i32
      %dma_start3A_60 = tpu.memref_slice %arg2[%dma_start3A, %dma_start3A_59] : memref<10000x128xf32, #tpu.memory_space<hbm>> -> memref<10000x128xf32, #tpu.memory_space<hbm>>
      tpu.enqueue_indirect_dma source(%dma_start3A_60 : memref<10000x128xf32, #tpu.memory_space<hbm>>) target(%arg10 : memref<200x128xf32, #tpu.memory_space<vmem>>) offsets(%arg7 : memref<200xi32, #tpu.memory_space<vmem>>) semaphore(%arg13 : memref<!tpu.dma_semaphore, #tpu.memory_space<semaphore_mem>>)
      %dma_wait3A = arith.constant 0 : i32
      %dma_wait3A_61 = arith.constant 0 : i32
      %dma_wait3A_62 = tpu.memref_slice %arg2[%dma_wait3A, %dma_wait3A_61] : memref<10000x128xf32, #tpu.memory_space<hbm>> -> memref<10000x128xf32, #tpu.memory_space<hbm>>
      tpu.wait_indirect_dma semaphore(%arg13 : memref<!tpu.dma_semaphore, #tpu.memory_space<semaphore_mem>>) src(%dma_wait3A_62 : memref<10000x128xf32, #tpu.memory_space<hbm>>) dst(%arg10 : memref<200x128xf32, #tpu.memory_space<vmem>>)
      %scan3A_63 = arith.constant 0 : i32
      %scan3A_64 = arith.constant 200 : i32
      %scan3A_65 = arith.addi %scan3A_63, %scan3A_64 : i32
      %scan3A_66 = arith.constant 1 : i32
      scf.for %scan3A_68 = %scan3A_63 to %scan3A_65 step %scan3A_66  : i32 {
        %mul3A_69 = arith.constant 1 : i32
        %mul3A_70 = arith.muli %scan3A_68, %mul3A_69 : i32
        %add3A_71 = arith.constant 0 : i32
        %add3A_72 = arith.addi %add3A_71, %mul3A_70 : i32
        %broadcast_in_dim3A = vector.broadcast %add3A_72 : i32 to vector<16xi32>
        %gather3A = tpu.vector_load_idx %arg9[%broadcast_in_dim3A] : memref<200xf32, #tpu.memory_space<vmem>>[vector<16xi32>], vector<16xf32>,
        %get3A = arith.index_cast %add3A_72 : i32 to index
        %get3A_73 = arith.constant 0 : index
        %get3A_74 = tpu.vector_load %arg10[%get3A, %get3A_73] {strides = array<i32>} : memref<200x128xf32, #tpu.memory_space<vmem>>, vector<16xf32>,
        %mul3A_75 = arith.mulf %get3A_74, %gather3A : vector<16xf32>
        %swap3A = arith.index_cast %add3A_72 : i32 to index
        %swap3A_76 = arith.constant 0 : index
        %swap3A_77 = tpu.vector_load %arg10[%swap3A, %swap3A_76] {strides = array<i32>} : memref<200x128xf32, #tpu.memory_space<vmem>>, vector<16xf32>,
        tpu.vector_store %arg10[%swap3A, %swap3A_76], %mul3A_75 {strides = array<i32>} : memref<200x128xf32, #tpu.memory_space<vmem>>, vector<16xf32>,
        %get3A_78 = arith.index_cast %add3A_72 : i32 to index
        %get3A_79 = arith.constant 16 : index
        %get3A_80 = tpu.vector_load %arg10[%get3A_78, %get3A_79] {strides = array<i32>} : memref<200x128xf32, #tpu.memory_space<vmem>>, vector<16xf32>,
        %mul3A_81 = arith.mulf %get3A_80, %gather3A : vector<16xf32>
        %swap3A_82 = arith.index_cast %add3A_72 : i32 to index
        %swap3A_83 = arith.constant 16 : index
        %swap3A_84 = tpu.vector_load %arg10[%swap3A_82, %swap3A_83] {strides = array<i32>} : memref<200x128xf32, #tpu.memory_space<vmem>>, vector<16xf32>,
        tpu.vector_store %arg10[%swap3A_82, %swap3A_83], %mul3A_81 {strides = array<i32>} : memref<200x128xf32, #tpu.memory_space<vmem>>, vector<16xf32>,
        %get3A_85 = arith.index_cast %add3A_72 : i32 to index
        %get3A_86 = arith.constant 32 : index
        %get3A_87 = tpu.vector_load %arg10[%get3A_85, %get3A_86] {strides = array<i32>} : memref<200x128xf32, #tpu.memory_space<vmem>>, vector<16xf32>,
        %mul3A_88 = arith.mulf %get3A_87, %gather3A : vector<16xf32>
        %swap3A_89 = arith.index_cast %add3A_72 : i32 to index
        %swap3A_90 = arith.constant 32 : index
        %swap3A_91 = tpu.vector_load %arg10[%swap3A_89, %swap3A_90] {strides = array<i32>} : memref<200x128xf32, #tpu.memory_space<vmem>>, vector<16xf32>,
        tpu.vector_store %arg10[%swap3A_89, %swap3A_90], %mul3A_88 {strides = array<i32>} : memref<200x128xf32, #tpu.memory_space<vmem>>, vector<16xf32>,
        %get3A_92 = arith.index_cast %add3A_72 : i32 to index
        %get3A_93 = arith.constant 48 : index
        %get3A_94 = tpu.vector_load %arg10[%get3A_92, %get3A_93] {strides = array<i32>} : memref<200x128xf32, #tpu.memory_space<vmem>>, vector<16xf32>,
        %mul3A_95 = arith.mulf %get3A_94, %gather3A : vector<16xf32>
        %swap3A_96 = arith.index_cast %add3A_72 : i32 to index
        %swap3A_97 = arith.constant 48 : index
        %swap3A_98 = tpu.vector_load %arg10[%swap3A_96, %swap3A_97] {strides = array<i32>} : memref<200x128xf32, #tpu.memory_space<vmem>>, vector<16xf32>,
        tpu.vector_store %arg10[%swap3A_96, %swap3A_97], %mul3A_95 {strides = array<i32>} : memref<200x128xf32, #tpu.memory_space<vmem>>, vector<16xf32>,
        %get3A_99 = arith.index_cast %add3A_72 : i32 to index
        %get3A_100 = arith.constant 64 : index
        %get3A_101 = tpu.vector_load %arg10[%get3A_99, %get3A_100] {strides = array<i32>} : memref<200x128xf32, #tpu.memory_space<vmem>>, vector<16xf32>,
        %mul3A_102 = arith.mulf %get3A_101, %gather3A : vector<16xf32>
        %swap3A_103 = arith.index_cast %add3A_72 : i32 to index
        %swap3A_104 = arith.constant 64 : index
        %swap3A_105 = tpu.vector_load %arg10[%swap3A_103, %swap3A_104] {strides = array<i32>} : memref<200x128xf32, #tpu.memory_space<vmem>>, vector<16xf32>,
        tpu.vector_store %arg10[%swap3A_103, %swap3A_104], %mul3A_102 {strides = array<i32>} : memref<200x128xf32, #tpu.memory_space<vmem>>, vector<16xf32>,
        %get3A_106 = arith.index_cast %add3A_72 : i32 to index
        %get3A_107 = arith.constant 80 : index
        %get3A_108 = tpu.vector_load %arg10[%get3A_106, %get3A_107] {strides = array<i32>} : memref<200x128xf32, #tpu.memory_space<vmem>>, vector<16xf32>,
        %mul3A_109 = arith.mulf %get3A_108, %gather3A : vector<16xf32>
        %swap3A_110 = arith.index_cast %add3A_72 : i32 to index
        %swap3A_111 = arith.constant 80 : index
        %swap3A_112 = tpu.vector_load %arg10[%swap3A_110, %swap3A_111] {strides = array<i32>} : memref<200x128xf32, #tpu.memory_space<vmem>>, vector<16xf32>,
        tpu.vector_store %arg10[%swap3A_110, %swap3A_111], %mul3A_109 {strides = array<i32>} : memref<200x128xf32, #tpu.memory_space<vmem>>, vector<16xf32>,
        %get3A_113 = arith.index_cast %add3A_72 : i32 to index
        %get3A_114 = arith.constant 96 : index
        %get3A_115 = tpu.vector_load %arg10[%get3A_113, %get3A_114] {strides = array<i32>} : memref<200x128xf32, #tpu.memory_space<vmem>>, vector<16xf32>,
        %mul3A_116 = arith.mulf %get3A_115, %gather3A : vector<16xf32>
        %swap3A_117 = arith.index_cast %add3A_72 : i32 to index
        %swap3A_118 = arith.constant 96 : index
        %swap3A_119 = tpu.vector_load %arg10[%swap3A_117, %swap3A_118] {strides = array<i32>} : memref<200x128xf32, #tpu.memory_space<vmem>>, vector<16xf32>,
        tpu.vector_store %arg10[%swap3A_117, %swap3A_118], %mul3A_116 {strides = array<i32>} : memref<200x128xf32, #tpu.memory_space<vmem>>, vector<16xf32>,
        %get3A_120 = arith.index_cast %add3A_72 : i32 to index
        %get3A_121 = arith.constant 112 : index
        %get3A_122 = tpu.vector_load %arg10[%get3A_120, %get3A_121] {strides = array<i32>} : memref<200x128xf32, #tpu.memory_space<vmem>>, vector<16xf32>,
        %mul3A_123 = arith.mulf %get3A_122, %gather3A : vector<16xf32>
        %swap3A_124 = arith.index_cast %add3A_72 : i32 to index
        %swap3A_125 = arith.constant 112 : index
        %swap3A_126 = tpu.vector_load %arg10[%swap3A_124, %swap3A_125] {strides = array<i32>} : memref<200x128xf32, #tpu.memory_space<vmem>>, vector<16xf32>,
        tpu.vector_store %arg10[%swap3A_124, %swap3A_125], %mul3A_123 {strides = array<i32>} : memref<200x128xf32, #tpu.memory_space<vmem>>, vector<16xf32>,
      }
      %scan3A_67 = arith.constant 200 : i32
      "tpu.region"() ({
        %run_scoped3A = tpu.sem_alloc : memref<!tpu.dma_semaphore, #tpu.memory_space<semaphore_mem>>
        %dma_start3A_68 = arith.constant 0 : i32
        %dma_start3A_69 = arith.constant 0 : i32
        %dma_start3A_70 = tpu.memref_slice %arg12[%dma_start3A_68, %dma_start3A_69] : memref<10240x128xf32, #tpu.memory_space<vmem_shared>> -> memref<10240x128xf32, #tpu.memory_space<vmem_shared>>
        tpu.enqueue_indirect_dma source(%arg10 : memref<200x128xf32, #tpu.memory_space<vmem>>) target(%dma_start3A_70 : memref<10240x128xf32, #tpu.memory_space<vmem_shared>>) offsets(%arg8 : memref<200xi32, #tpu.memory_space<vmem>>) semaphore(%run_scoped3A : memref<!tpu.dma_semaphore, #tpu.memory_space<semaphore_mem>>) {add = true}
        %dma_wait3A_71 = arith.constant 0 : i32
        %dma_wait3A_72 = arith.constant 0 : i32
        %dma_wait3A_73 = tpu.memref_slice %arg12[%dma_wait3A_71, %dma_wait3A_72] : memref<10240x128xf32, #tpu.memory_space<vmem_shared>> -> memref<10240x128xf32, #tpu.memory_space<vmem_shared>>
        tpu.wait_indirect_dma semaphore(%run_scoped3A : memref<!tpu.dma_semaphore, #tpu.memory_space<semaphore_mem>>) src(%arg10 : memref<200x128xf32, #tpu.memory_space<vmem>>) dst(%dma_wait3A_73 : memref<10240x128xf32, #tpu.memory_space<vmem_shared>>)
        tpu.yield
      }) : () -> ()
    }
    %scan3A_29 = arith.constant 50 : i32
    %barrier3A_30 = arith.constant 0 : index
    tpu.barrier barrier_id(%barrier3A_30)
    %mul3A_31 = arith.constant 640 : i32
    %mul3A_32 = arith.muli %arg1, %mul3A_31 : i32
    %add3A_33 = arith.constant 0 : i32
    %add3A_34 = arith.addi %mul3A_32, %add3A_33 : i32
    "tpu.region"() ({
      %run_scoped3A = tpu.sem_alloc : memref<!tpu.dma_semaphore, #tpu.memory_space<semaphore_mem>>
      %dma_start3A = arith.constant 0 : i32
      %dma_start3A_51 = tpu.memref_slice %arg6[%arg0, %add3A_34, %dma_start3A] : memref<2x10240x128xf32, #tpu.memory_space<hbm>> -> memref<1x128x128xf32, #tpu.memory_space<hbm>>
      %dma_start3A_52 = tpu.memref_squeeze %dma_start3A_51 : memref<1x128x128xf32, #tpu.memory_space<hbm>> -> memref<128x128xf32, #tpu.memory_space<hbm>>
      %dma_start3A_53 = arith.constant 0 : i32
      %dma_start3A_54 = tpu.memref_slice %arg12[%add3A_34, %dma_start3A_53] : memref<10240x128xf32, #tpu.memory_space<vmem_shared>> -> memref<128x128xf32, #tpu.memory_space<vmem_shared>>
      tpu.enqueue_dma source(%dma_start3A_54 : memref<128x128xf32, #tpu.memory_space<vmem_shared>>) target(%dma_start3A_52 : memref<128x128xf32, #tpu.memory_space<hbm>>) target_semaphore(%run_scoped3A : memref<!tpu.dma_semaphore, #tpu.memory_space<semaphore_mem>>)
      %dma_wait3A = arith.constant 0 : i32
      %dma_wait3A_55 = tpu.memref_slice %arg6[%arg0, %add3A_34, %dma_wait3A] : memref<2x10240x128xf32, #tpu.memory_space<hbm>> -> memref<1x128x128xf32, #tpu.memory_space<hbm>>
      %dma_wait3A_56 = tpu.memref_squeeze %dma_wait3A_55 : memref<1x128x128xf32, #tpu.memory_space<hbm>> -> memref<128x128xf32, #tpu.memory_space<hbm>>
      %dma_wait3A_57 = arith.constant 0 : i32
      %dma_wait3A_58 = tpu.memref_slice %arg12[%add3A_34, %dma_wait3A_57] : memref<10240x128xf32, #tpu.memory_space<vmem_shared>> -> memref<128x128xf32, #tpu.memory_space<vmem_shared>>
      tpu.wait_dma2 semaphore(%run_scoped3A : memref<!tpu.dma_semaphore, #tpu.memory_space<semaphore_mem>>) src(%dma_wait3A_58 : memref<128x128xf32, #tpu.memory_space<vmem_shared>>) dst(%dma_wait3A_56 : memref<128x128xf32, #tpu.memory_space<hbm>>)
      tpu.yield
    }) : () -> ()
    %mul3A_35 = arith.constant 640 : i32
    %mul3A_36 = arith.muli %arg1, %mul3A_35 : i32
    %add3A_37 = arith.constant 128 : i32
    %add3A_38 = arith.addi %mul3A_36, %add3A_37 : i32
    "tpu.region"() ({
      %run_scoped3A = tpu.sem_alloc : memref<!tpu.dma_semaphore, #tpu.memory_space<semaphore_mem>>
      %dma_start3A = arith.constant 0 : i32
      %dma_start3A_51 = tpu.memref_slice %arg6[%arg0, %add3A_38, %dma_start3A] : memref<2x10240x128xf32, #tpu.memory_space<hbm>> -> memref<1x128x128xf32, #tpu.memory_space<hbm>>
      %dma_start3A_52 = tpu.memref_squeeze %dma_start3A_51 : memref<1x128x128xf32, #tpu.memory_space<hbm>> -> memref<128x128xf32, #tpu.memory_space<hbm>>
      %dma_start3A_53 = arith.constant 0 : i32
      %dma_start3A_54 = tpu.memref_slice %arg12[%add3A_38, %dma_start3A_53] : memref<10240x128xf32, #tpu.memory_space<vmem_shared>> -> memref<128x128xf32, #tpu.memory_space<vmem_shared>>
      tpu.enqueue_dma source(%dma_start3A_54 : memref<128x128xf32, #tpu.memory_space<vmem_shared>>) target(%dma_start3A_52 : memref<128x128xf32, #tpu.memory_space<hbm>>) target_semaphore(%run_scoped3A : memref<!tpu.dma_semaphore, #tpu.memory_space<semaphore_mem>>)
      %dma_wait3A = arith.constant 0 : i32
      %dma_wait3A_55 = tpu.memref_slice %arg6[%arg0, %add3A_38, %dma_wait3A] : memref<2x10240x128xf32, #tpu.memory_space<hbm>> -> memref<1x128x128xf32, #tpu.memory_space<hbm>>
      %dma_wait3A_56 = tpu.memref_squeeze %dma_wait3A_55 : memref<1x128x128xf32, #tpu.memory_space<hbm>> -> memref<128x128xf32, #tpu.memory_space<hbm>>
      %dma_wait3A_57 = arith.constant 0 : i32
      %dma_wait3A_58 = tpu.memref_slice %arg12[%add3A_38, %dma_wait3A_57] : memref<10240x128xf32, #tpu.memory_space<vmem_shared>> -> memref<128x128xf32, #tpu.memory_space<vmem_shared>>
      tpu.wait_dma2 semaphore(%run_scoped3A : memref<!tpu.dma_semaphore, #tpu.memory_space<semaphore_mem>>) src(%dma_wait3A_58 : memref<128x128xf32, #tpu.memory_space<vmem_shared>>) dst(%dma_wait3A_56 : memref<128x128xf32, #tpu.memory_space<hbm>>)
      tpu.yield
    }) : () -> ()
    %mul3A_39 = arith.constant 640 : i32
    %mul3A_40 = arith.muli %arg1, %mul3A_39 : i32
    %add3A_41 = arith.constant 256 : i32
    %add3A_42 = arith.addi %mul3A_40, %add3A_41 : i32
    "tpu.region"() ({
      %run_scoped3A = tpu.sem_alloc : memref<!tpu.dma_semaphore, #tpu.memory_space<semaphore_mem>>
      %dma_start3A = arith.constant 0 : i32
      %dma_start3A_51 = tpu.memref_slice %arg6[%arg0, %add3A_42, %dma_start3A] : memref<2x10240x128xf32, #tpu.memory_space<hbm>> -> memref<1x128x128xf32, #tpu.memory_space<hbm>>
      %dma_start3A_52 = tpu.memref_squeeze %dma_start3A_51 : memref<1x128x128xf32, #tpu.memory_space<hbm>> -> memref<128x128xf32, #tpu.memory_space<hbm>>
      %dma_start3A_53 = arith.constant 0 : i32
      %dma_start3A_54 = tpu.memref_slice %arg12[%add3A_42, %dma_start3A_53] : memref<10240x128xf32, #tpu.memory_space<vmem_shared>> -> memref<128x128xf32, #tpu.memory_space<vmem_shared>>
      tpu.enqueue_dma source(%dma_start3A_54 : memref<128x128xf32, #tpu.memory_space<vmem_shared>>) target(%dma_start3A_52 : memref<128x128xf32, #tpu.memory_space<hbm>>) target_semaphore(%run_scoped3A : memref<!tpu.dma_semaphore, #tpu.memory_space<semaphore_mem>>)
      %dma_wait3A = arith.constant 0 : i32
      %dma_wait3A_55 = tpu.memref_slice %arg6[%arg0, %add3A_42, %dma_wait3A] : memref<2x10240x128xf32, #tpu.memory_space<hbm>> -> memref<1x128x128xf32, #tpu.memory_space<hbm>>
      %dma_wait3A_56 = tpu.memref_squeeze %dma_wait3A_55 : memref<1x128x128xf32, #tpu.memory_space<hbm>> -> memref<128x128xf32, #tpu.memory_space<hbm>>
      %dma_wait3A_57 = arith.constant 0 : i32
      %dma_wait3A_58 = tpu.memref_slice %arg12[%add3A_42, %dma_wait3A_57] : memref<10240x128xf32, #tpu.memory_space<vmem_shared>> -> memref<128x128xf32, #tpu.memory_space<vmem_shared>>
      tpu.wait_dma2 semaphore(%run_scoped3A : memref<!tpu.dma_semaphore, #tpu.memory_space<semaphore_mem>>) src(%dma_wait3A_58 : memref<128x128xf32, #tpu.memory_space<vmem_shared>>) dst(%dma_wait3A_56 : memref<128x128xf32, #tpu.memory_space<hbm>>)
      tpu.yield
    }) : () -> ()
    %mul3A_43 = arith.constant 640 : i32
    %mul3A_44 = arith.muli %arg1, %mul3A_43 : i32
    %add3A_45 = arith.constant 384 : i32
    %add3A_46 = arith.addi %mul3A_44, %add3A_45 : i32
    "tpu.region"() ({
      %run_scoped3A = tpu.sem_alloc : memref<!tpu.dma_semaphore, #tpu.memory_space<semaphore_mem>>
      %dma_start3A = arith.constant 0 : i32
      %dma_start3A_51 = tpu.memref_slice %arg6[%arg0, %add3A_46, %dma_start3A] : memref<2x10240x128xf32, #tpu.memory_space<hbm>> -> memref<1x128x128xf32, #tpu.memory_space<hbm>>
      %dma_start3A_52 = tpu.memref_squeeze %dma_start3A_51 : memref<1x128x128xf32, #tpu.memory_space<hbm>> -> memref<128x128xf32, #tpu.memory_space<hbm>>
      %dma_start3A_53 = arith.constant 0 : i32
      %dma_start3A_54 = tpu.memref_slice %arg12[%add3A_46, %dma_start3A_53] : memref<10240x128xf32, #tpu.memory_space<vmem_shared>> -> memref<128x128xf32, #tpu.memory_space<vmem_shared>>
      tpu.enqueue_dma source(%dma_start3A_54 : memref<128x128xf32, #tpu.memory_space<vmem_shared>>) target(%dma_start3A_52 : memref<128x128xf32, #tpu.memory_space<hbm>>) target_semaphore(%run_scoped3A : memref<!tpu.dma_semaphore, #tpu.memory_space<semaphore_mem>>)
      %dma_wait3A = arith.constant 0 : i32
      %dma_wait3A_55 = tpu.memref_slice %arg6[%arg0, %add3A_46, %dma_wait3A] : memref<2x10240x128xf32, #tpu.memory_space<hbm>> -> memref<1x128x128xf32, #tpu.memory_space<hbm>>
      %dma_wait3A_56 = tpu.memref_squeeze %dma_wait3A_55 : memref<1x128x128xf32, #tpu.memory_space<hbm>> -> memref<128x128xf32, #tpu.memory_space<hbm>>
      %dma_wait3A_57 = arith.constant 0 : i32
      %dma_wait3A_58 = tpu.memref_slice %arg12[%add3A_46, %dma_wait3A_57] : memref<10240x128xf32, #tpu.memory_space<vmem_shared>> -> memref<128x128xf32, #tpu.memory_space<vmem_shared>>
      tpu.wait_dma2 semaphore(%run_scoped3A : memref<!tpu.dma_semaphore, #tpu.memory_space<semaphore_mem>>) src(%dma_wait3A_58 : memref<128x128xf32, #tpu.memory_space<vmem_shared>>) dst(%dma_wait3A_56 : memref<128x128xf32, #tpu.memory_space<hbm>>)
      tpu.yield
    }) : () -> ()
    %mul3A_47 = arith.constant 640 : i32
    %mul3A_48 = arith.muli %arg1, %mul3A_47 : i32
    %add3A_49 = arith.constant 512 : i32
    %add3A_50 = arith.addi %mul3A_48, %add3A_49 : i32
    "tpu.region"() ({
      %run_scoped3A = tpu.sem_alloc : memref<!tpu.dma_semaphore, #tpu.memory_space<semaphore_mem>>
      %dma_start3A = arith.constant 0 : i32
      %dma_start3A_51 = tpu.memref_slice %arg6[%arg0, %add3A_50, %dma_start3A] : memref<2x10240x128xf32, #tpu.memory_space<hbm>> -> memref<1x128x128xf32, #tpu.memory_space<hbm>>
      %dma_start3A_52 = tpu.memref_squeeze %dma_start3A_51 : memref<1x128x128xf32, #tpu.memory_space<hbm>> -> memref<128x128xf32, #tpu.memory_space<hbm>>
      %dma_start3A_53 = arith.constant 0 : i32
      %dma_start3A_54 = tpu.memref_slice %arg12[%add3A_50, %dma_start3A_53] : memref<10240x128xf32, #tpu.memory_space<vmem_shared>> -> memref<128x128xf32, #tpu.memory_space<vmem_shared>>
      tpu.enqueue_dma source(%dma_start3A_54 : memref<128x128xf32, #tpu.memory_space<vmem_shared>>) target(%dma_start3A_52 : memref<128x128xf32, #tpu.memory_space<hbm>>) target_semaphore(%run_scoped3A : memref<!tpu.dma_semaphore, #tpu.memory_space<semaphore_mem>>)
      %dma_wait3A = arith.constant 0 : i32
      %dma_wait3A_55 = tpu.memref_slice %arg6[%arg0, %add3A_50, %dma_wait3A] : memref<2x10240x128xf32, #tpu.memory_space<hbm>> -> memref<1x128x128xf32, #tpu.memory_space<hbm>>
      %dma_wait3A_56 = tpu.memref_squeeze %dma_wait3A_55 : memref<1x128x128xf32, #tpu.memory_space<hbm>> -> memref<128x128xf32, #tpu.memory_space<hbm>>
      %dma_wait3A_57 = arith.constant 0 : i32
      %dma_wait3A_58 = tpu.memref_slice %arg12[%add3A_50, %dma_wait3A_57] : memref<10240x128xf32, #tpu.memory_space<vmem_shared>> -> memref<128x128xf32, #tpu.memory_space<vmem_shared>>
      tpu.wait_dma2 semaphore(%run_scoped3A : memref<!tpu.dma_semaphore, #tpu.memory_space<semaphore_mem>>) src(%dma_wait3A_58 : memref<128x128xf32, #tpu.memory_space<vmem_shared>>) dst(%dma_wait3A_56 : memref<128x128xf32, #tpu.memory_space<hbm>>)
      tpu.yield
    }) : () -> ()
    return
  }
}

#map = affine_map<(d0, d1) -> (0, 0)>
#map1 = affine_map<(d0, d1) -> (0)>
#map2 = affine_map<(d0, d1) -> (0, 0, 0)>
module attributes {stable_mosaic.version = 14 : i64} {
  func.func @_edge_body(%arg0: i32, %arg1: i32, %arg2: memref<10000x128xf32, #tpu.memory_space<hbm>>, %arg3: memref<320000xi32, #tpu.memory_space<hbm>>, %arg4: memref<320000xi32, #tpu.memory_space<hbm>>, %arg5: memref<320000xf32, #tpu.memory_space<hbm>>, %arg6: memref<2x10240x128xf32, #tpu.memory_space<hbm>>, %arg7: memref<200xi32, #tpu.memory_space<vmem>>, %arg8: memref<200xi32, #tpu.memory_space<vmem>>, %arg9: memref<200xf32, #tpu.memory_space<vmem>>, %arg10: memref<200x128xf32, #tpu.memory_space<vmem>>, %arg11: memref<128x128xf32, #tpu.memory_space<vmem>>, %arg12: memref<10240x128xf32, #tpu.memory_space<vmem_shared>>, %arg13: memref<!tpu.dma_semaphore, #tpu.memory_space<semaphore_mem>>) attributes {dimension_semantics = [#tpu.dimension_semantics<core_parallel>, #tpu.dimension_semantics<subcore_parallel>], iteration_bounds = array<i64: 2, 16>, scalar_prefetch = 0 : i64, scratch_operands = 7 : i64, tpu.core_type = #tpu.core_type<sc_vector_subcore>, window_params = [{transform_indices = #map}, {transform_indices = #map1}, {transform_indices = #map1}, {transform_indices = #map1}, {transform_indices = #map2}]} {
    %mul3A = arith.constant 16 : i32
    %mul3A_0 = arith.muli %arg0, %mul3A : i32
    %add3A = arith.addi %mul3A_0, %arg1 : i32
    %scan3A = arith.constant 0 : i32
    %scan3A_1 = arith.constant 128 : i32
    %scan3A_2 = arith.addi %scan3A, %scan3A_1 : i32
    %scan3A_3 = arith.constant 1 : i32
    scf.for %scan3A_51 = %scan3A to %scan3A_2 step %scan3A_3  : i32 {
      %mul3A_52 = arith.constant 1 : i32
      %mul3A_53 = arith.muli %scan3A_51, %mul3A_52 : i32
      %add3A_54 = arith.constant 0 : i32
      %add3A_55 = arith.addi %add3A_54, %mul3A_53 : i32
      %broadcast_in_dim3A = arith.constant 0.000000e+00 : f32
      %broadcast_in_dim3A_56 = vector.broadcast %broadcast_in_dim3A : f32 to vector<16xf32>
      %swap3A = arith.index_cast %add3A_55 : i32 to index
      %swap3A_57 = arith.constant 0 : index
      %swap3A_58 = tpu.vector_load %arg11[%swap3A, %swap3A_57] {strides = array<i32>} : memref<128x128xf32, #tpu.memory_space<vmem>>, vector<16xf32>,
      tpu.vector_store %arg11[%swap3A, %swap3A_57], %broadcast_in_dim3A_56 {strides = array<i32>} : memref<128x128xf32, #tpu.memory_space<vmem>>, vector<16xf32>,
      %broadcast_in_dim3A_59 = arith.constant 0.000000e+00 : f32
      %broadcast_in_dim3A_60 = vector.broadcast %broadcast_in_dim3A_59 : f32 to vector<16xf32>
      %swap3A_61 = arith.index_cast %add3A_55 : i32 to index
      %swap3A_62 = arith.constant 16 : index
      %swap3A_63 = tpu.vector_load %arg11[%swap3A_61, %swap3A_62] {strides = array<i32>} : memref<128x128xf32, #tpu.memory_space<vmem>>, vector<16xf32>,
      tpu.vector_store %arg11[%swap3A_61, %swap3A_62], %broadcast_in_dim3A_60 {strides = array<i32>} : memref<128x128xf32, #tpu.memory_space<vmem>>, vector<16xf32>,
      %broadcast_in_dim3A_64 = arith.constant 0.000000e+00 : f32
      %broadcast_in_dim3A_65 = vector.broadcast %broadcast_in_dim3A_64 : f32 to vector<16xf32>
      %swap3A_66 = arith.index_cast %add3A_55 : i32 to index
      %swap3A_67 = arith.constant 32 : index
      %swap3A_68 = tpu.vector_load %arg11[%swap3A_66, %swap3A_67] {strides = array<i32>} : memref<128x128xf32, #tpu.memory_space<vmem>>, vector<16xf32>,
      tpu.vector_store %arg11[%swap3A_66, %swap3A_67], %broadcast_in_dim3A_65 {strides = array<i32>} : memref<128x128xf32, #tpu.memory_space<vmem>>, vector<16xf32>,
      %broadcast_in_dim3A_69 = arith.constant 0.000000e+00 : f32
      %broadcast_in_dim3A_70 = vector.broadcast %broadcast_in_dim3A_69 : f32 to vector<16xf32>
      %swap3A_71 = arith.index_cast %add3A_55 : i32 to index
      %swap3A_72 = arith.constant 48 : index
      %swap3A_73 = tpu.vector_load %arg11[%swap3A_71, %swap3A_72] {strides = array<i32>} : memref<128x128xf32, #tpu.memory_space<vmem>>, vector<16xf32>,
      tpu.vector_store %arg11[%swap3A_71, %swap3A_72], %broadcast_in_dim3A_70 {strides = array<i32>} : memref<128x128xf32, #tpu.memory_space<vmem>>, vector<16xf32>,
      %broadcast_in_dim3A_74 = arith.constant 0.000000e+00 : f32
      %broadcast_in_dim3A_75 = vector.broadcast %broadcast_in_dim3A_74 : f32 to vector<16xf32>
      %swap3A_76 = arith.index_cast %add3A_55 : i32 to index
      %swap3A_77 = arith.constant 64 : index
      %swap3A_78 = tpu.vector_load %arg11[%swap3A_76, %swap3A_77] {strides = array<i32>} : memref<128x128xf32, #tpu.memory_space<vmem>>, vector<16xf32>,
      tpu.vector_store %arg11[%swap3A_76, %swap3A_77], %broadcast_in_dim3A_75 {strides = array<i32>} : memref<128x128xf32, #tpu.memory_space<vmem>>, vector<16xf32>,
      %broadcast_in_dim3A_79 = arith.constant 0.000000e+00 : f32
      %broadcast_in_dim3A_80 = vector.broadcast %broadcast_in_dim3A_79 : f32 to vector<16xf32>
      %swap3A_81 = arith.index_cast %add3A_55 : i32 to index
      %swap3A_82 = arith.constant 80 : index
      %swap3A_83 = tpu.vector_load %arg11[%swap3A_81, %swap3A_82] {strides = array<i32>} : memref<128x128xf32, #tpu.memory_space<vmem>>, vector<16xf32>,
      tpu.vector_store %arg11[%swap3A_81, %swap3A_82], %broadcast_in_dim3A_80 {strides = array<i32>} : memref<128x128xf32, #tpu.memory_space<vmem>>, vector<16xf32>,
      %broadcast_in_dim3A_84 = arith.constant 0.000000e+00 : f32
      %broadcast_in_dim3A_85 = vector.broadcast %broadcast_in_dim3A_84 : f32 to vector<16xf32>
      %swap3A_86 = arith.index_cast %add3A_55 : i32 to index
      %swap3A_87 = arith.constant 96 : index
      %swap3A_88 = tpu.vector_load %arg11[%swap3A_86, %swap3A_87] {strides = array<i32>} : memref<128x128xf32, #tpu.memory_space<vmem>>, vector<16xf32>,
      tpu.vector_store %arg11[%swap3A_86, %swap3A_87], %broadcast_in_dim3A_85 {strides = array<i32>} : memref<128x128xf32, #tpu.memory_space<vmem>>, vector<16xf32>,
      %broadcast_in_dim3A_89 = arith.constant 0.000000e+00 : f32
      %broadcast_in_dim3A_90 = vector.broadcast %broadcast_in_dim3A_89 : f32 to vector<16xf32>
      %swap3A_91 = arith.index_cast %add3A_55 : i32 to index
      %swap3A_92 = arith.constant 112 : index
      %swap3A_93 = tpu.vector_load %arg11[%swap3A_91, %swap3A_92] {strides = array<i32>} : memref<128x128xf32, #tpu.memory_space<vmem>>, vector<16xf32>,
      tpu.vector_store %arg11[%swap3A_91, %swap3A_92], %broadcast_in_dim3A_90 {strides = array<i32>} : memref<128x128xf32, #tpu.memory_space<vmem>>, vector<16xf32>,
    }
    %scan3A_4 = arith.constant 128 : i32
    %mul3A_5 = arith.constant 640 : i32
    %mul3A_6 = arith.muli %arg1, %mul3A_5 : i32
    %add3A_7 = arith.constant 0 : i32
    %add3A_8 = arith.addi %mul3A_6, %add3A_7 : i32
    "tpu.region"() ({
      %run_scoped3A = tpu.sem_alloc : memref<!tpu.dma_semaphore, #tpu.memory_space<semaphore_mem>>
      %dma_start3A = arith.constant 0 : i32
      %dma_start3A_51 = tpu.memref_slice %arg12[%add3A_8, %dma_start3A] : memref<10240x128xf32, #tpu.memory_space<vmem_shared>> -> memref<128x128xf32, #tpu.memory_space<vmem_shared>>
      %dma_start3A_52 = arith.constant 0 : i32
      %dma_start3A_53 = tpu.memref_slice %arg12[%add3A_8, %dma_start3A_52] : memref<10240x128xf32, #tpu.memory_space<vmem_shared>> -> memref<128x128xf32, #tpu.memory_space<vmem_shared>>
      tpu.enqueue_dma source(%arg11 : memref<128x128xf32, #tpu.memory_space<vmem>>) target(%dma_start3A_53 : memref<128x128xf32, #tpu.memory_space<vmem_shared>>) target_semaphore(%run_scoped3A : memref<!tpu.dma_semaphore, #tpu.memory_space<semaphore_mem>>)
      %dma_wait3A = arith.constant 0 : i32
      %dma_wait3A_54 = tpu.memref_slice %arg12[%add3A_8, %dma_wait3A] : memref<10240x128xf32, #tpu.memory_space<vmem_shared>> -> memref<128x128xf32, #tpu.memory_space<vmem_shared>>
      %dma_wait3A_55 = arith.constant 0 : i32
      %dma_wait3A_56 = tpu.memref_slice %arg12[%add3A_8, %dma_wait3A_55] : memref<10240x128xf32, #tpu.memory_space<vmem_shared>> -> memref<128x128xf32, #tpu.memory_space<vmem_shared>>
      tpu.wait_dma2 semaphore(%run_scoped3A : memref<!tpu.dma_semaphore, #tpu.memory_space<semaphore_mem>>) src(%arg11 : memref<128x128xf32, #tpu.memory_space<vmem>>) dst(%dma_wait3A_56 : memref<128x128xf32, #tpu.memory_space<vmem_shared>>)
      tpu.yield
    }) : () -> ()
    %mul3A_9 = arith.constant 640 : i32
    %mul3A_10 = arith.muli %arg1, %mul3A_9 : i32
    %add3A_11 = arith.constant 128 : i32
    %add3A_12 = arith.addi %mul3A_10, %add3A_11 : i32
    "tpu.region"() ({
      %run_scoped3A = tpu.sem_alloc : memref<!tpu.dma_semaphore, #tpu.memory_space<semaphore_mem>>
      %dma_start3A = arith.constant 0 : i32
      %dma_start3A_51 = tpu.memref_slice %arg12[%add3A_12, %dma_start3A] : memref<10240x128xf32, #tpu.memory_space<vmem_shared>> -> memref<128x128xf32, #tpu.memory_space<vmem_shared>>
      %dma_start3A_52 = arith.constant 0 : i32
      %dma_start3A_53 = tpu.memref_slice %arg12[%add3A_12, %dma_start3A_52] : memref<10240x128xf32, #tpu.memory_space<vmem_shared>> -> memref<128x128xf32, #tpu.memory_space<vmem_shared>>
      tpu.enqueue_dma source(%arg11 : memref<128x128xf32, #tpu.memory_space<vmem>>) target(%dma_start3A_53 : memref<128x128xf32, #tpu.memory_space<vmem_shared>>) target_semaphore(%run_scoped3A : memref<!tpu.dma_semaphore, #tpu.memory_space<semaphore_mem>>)
      %dma_wait3A = arith.constant 0 : i32
      %dma_wait3A_54 = tpu.memref_slice %arg12[%add3A_12, %dma_wait3A] : memref<10240x128xf32, #tpu.memory_space<vmem_shared>> -> memref<128x128xf32, #tpu.memory_space<vmem_shared>>
      %dma_wait3A_55 = arith.constant 0 : i32
      %dma_wait3A_56 = tpu.memref_slice %arg12[%add3A_12, %dma_wait3A_55] : memref<10240x128xf32, #tpu.memory_space<vmem_shared>> -> memref<128x128xf32, #tpu.memory_space<vmem_shared>>
      tpu.wait_dma2 semaphore(%run_scoped3A : memref<!tpu.dma_semaphore, #tpu.memory_space<semaphore_mem>>) src(%arg11 : memref<128x128xf32, #tpu.memory_space<vmem>>) dst(%dma_wait3A_56 : memref<128x128xf32, #tpu.memory_space<vmem_shared>>)
      tpu.yield
    }) : () -> ()
    %mul3A_13 = arith.constant 640 : i32
    %mul3A_14 = arith.muli %arg1, %mul3A_13 : i32
    %add3A_15 = arith.constant 256 : i32
    %add3A_16 = arith.addi %mul3A_14, %add3A_15 : i32
    "tpu.region"() ({
      %run_scoped3A = tpu.sem_alloc : memref<!tpu.dma_semaphore, #tpu.memory_space<semaphore_mem>>
      %dma_start3A = arith.constant 0 : i32
      %dma_start3A_51 = tpu.memref_slice %arg12[%add3A_16, %dma_start3A] : memref<10240x128xf32, #tpu.memory_space<vmem_shared>> -> memref<128x128xf32, #tpu.memory_space<vmem_shared>>
      %dma_start3A_52 = arith.constant 0 : i32
      %dma_start3A_53 = tpu.memref_slice %arg12[%add3A_16, %dma_start3A_52] : memref<10240x128xf32, #tpu.memory_space<vmem_shared>> -> memref<128x128xf32, #tpu.memory_space<vmem_shared>>
      tpu.enqueue_dma source(%arg11 : memref<128x128xf32, #tpu.memory_space<vmem>>) target(%dma_start3A_53 : memref<128x128xf32, #tpu.memory_space<vmem_shared>>) target_semaphore(%run_scoped3A : memref<!tpu.dma_semaphore, #tpu.memory_space<semaphore_mem>>)
      %dma_wait3A = arith.constant 0 : i32
      %dma_wait3A_54 = tpu.memref_slice %arg12[%add3A_16, %dma_wait3A] : memref<10240x128xf32, #tpu.memory_space<vmem_shared>> -> memref<128x128xf32, #tpu.memory_space<vmem_shared>>
      %dma_wait3A_55 = arith.constant 0 : i32
      %dma_wait3A_56 = tpu.memref_slice %arg12[%add3A_16, %dma_wait3A_55] : memref<10240x128xf32, #tpu.memory_space<vmem_shared>> -> memref<128x128xf32, #tpu.memory_space<vmem_shared>>
      tpu.wait_dma2 semaphore(%run_scoped3A : memref<!tpu.dma_semaphore, #tpu.memory_space<semaphore_mem>>) src(%arg11 : memref<128x128xf32, #tpu.memory_space<vmem>>) dst(%dma_wait3A_56 : memref<128x128xf32, #tpu.memory_space<vmem_shared>>)
      tpu.yield
    }) : () -> ()
    %mul3A_17 = arith.constant 640 : i32
    %mul3A_18 = arith.muli %arg1, %mul3A_17 : i32
    %add3A_19 = arith.constant 384 : i32
    %add3A_20 = arith.addi %mul3A_18, %add3A_19 : i32
    "tpu.region"() ({
      %run_scoped3A = tpu.sem_alloc : memref<!tpu.dma_semaphore, #tpu.memory_space<semaphore_mem>>
      %dma_start3A = arith.constant 0 : i32
      %dma_start3A_51 = tpu.memref_slice %arg12[%add3A_20, %dma_start3A] : memref<10240x128xf32, #tpu.memory_space<vmem_shared>> -> memref<128x128xf32, #tpu.memory_space<vmem_shared>>
      %dma_start3A_52 = arith.constant 0 : i32
      %dma_start3A_53 = tpu.memref_slice %arg12[%add3A_20, %dma_start3A_52] : memref<10240x128xf32, #tpu.memory_space<vmem_shared>> -> memref<128x128xf32, #tpu.memory_space<vmem_shared>>
      tpu.enqueue_dma source(%arg11 : memref<128x128xf32, #tpu.memory_space<vmem>>) target(%dma_start3A_53 : memref<128x128xf32, #tpu.memory_space<vmem_shared>>) target_semaphore(%run_scoped3A : memref<!tpu.dma_semaphore, #tpu.memory_space<semaphore_mem>>)
      %dma_wait3A = arith.constant 0 : i32
      %dma_wait3A_54 = tpu.memref_slice %arg12[%add3A_20, %dma_wait3A] : memref<10240x128xf32, #tpu.memory_space<vmem_shared>> -> memref<128x128xf32, #tpu.memory_space<vmem_shared>>
      %dma_wait3A_55 = arith.constant 0 : i32
      %dma_wait3A_56 = tpu.memref_slice %arg12[%add3A_20, %dma_wait3A_55] : memref<10240x128xf32, #tpu.memory_space<vmem_shared>> -> memref<128x128xf32, #tpu.memory_space<vmem_shared>>
      tpu.wait_dma2 semaphore(%run_scoped3A : memref<!tpu.dma_semaphore, #tpu.memory_space<semaphore_mem>>) src(%arg11 : memref<128x128xf32, #tpu.memory_space<vmem>>) dst(%dma_wait3A_56 : memref<128x128xf32, #tpu.memory_space<vmem_shared>>)
      tpu.yield
    }) : () -> ()
    %mul3A_21 = arith.constant 640 : i32
    %mul3A_22 = arith.muli %arg1, %mul3A_21 : i32
    %add3A_23 = arith.constant 512 : i32
    %add3A_24 = arith.addi %mul3A_22, %add3A_23 : i32
    "tpu.region"() ({
      %run_scoped3A = tpu.sem_alloc : memref<!tpu.dma_semaphore, #tpu.memory_space<semaphore_mem>>
      %dma_start3A = arith.constant 0 : i32
      %dma_start3A_51 = tpu.memref_slice %arg12[%add3A_24, %dma_start3A] : memref<10240x128xf32, #tpu.memory_space<vmem_shared>> -> memref<128x128xf32, #tpu.memory_space<vmem_shared>>
      %dma_start3A_52 = arith.constant 0 : i32
      %dma_start3A_53 = tpu.memref_slice %arg12[%add3A_24, %dma_start3A_52] : memref<10240x128xf32, #tpu.memory_space<vmem_shared>> -> memref<128x128xf32, #tpu.memory_space<vmem_shared>>
      tpu.enqueue_dma source(%arg11 : memref<128x128xf32, #tpu.memory_space<vmem>>) target(%dma_start3A_53 : memref<128x128xf32, #tpu.memory_space<vmem_shared>>) target_semaphore(%run_scoped3A : memref<!tpu.dma_semaphore, #tpu.memory_space<semaphore_mem>>)
      %dma_wait3A = arith.constant 0 : i32
      %dma_wait3A_54 = tpu.memref_slice %arg12[%add3A_24, %dma_wait3A] : memref<10240x128xf32, #tpu.memory_space<vmem_shared>> -> memref<128x128xf32, #tpu.memory_space<vmem_shared>>
      %dma_wait3A_55 = arith.constant 0 : i32
      %dma_wait3A_56 = tpu.memref_slice %arg12[%add3A_24, %dma_wait3A_55] : memref<10240x128xf32, #tpu.memory_space<vmem_shared>> -> memref<128x128xf32, #tpu.memory_space<vmem_shared>>
      tpu.wait_dma2 semaphore(%run_scoped3A : memref<!tpu.dma_semaphore, #tpu.memory_space<semaphore_mem>>) src(%arg11 : memref<128x128xf32, #tpu.memory_space<vmem>>) dst(%dma_wait3A_56 : memref<128x128xf32, #tpu.memory_space<vmem_shared>>)
      tpu.yield
    }) : () -> ()
    %barrier3A = arith.constant 0 : index
    tpu.barrier barrier_id(%barrier3A)
    %scan3A_25 = arith.constant 0 : i32
    %scan3A_26 = arith.constant 50 : i32
    %scan3A_27 = arith.addi %scan3A_25, %scan3A_26 : i32
    %scan3A_28 = arith.constant 1 : i32
    scf.for %scan3A_51 = %scan3A_25 to %scan3A_27 step %scan3A_28  : i32 {
      %mul3A_52 = arith.constant 200 : i32
      %mul3A_53 = arith.muli %scan3A_51, %mul3A_52 : i32
      %add3A_54 = arith.constant 0 : i32
      %add3A_55 = arith.addi %add3A_54, %mul3A_53 : i32
      %mul3A_56 = arith.constant 10000 : i32
      %mul3A_57 = arith.muli %add3A, %mul3A_56 : i32
      %add3A_58 = arith.addi %mul3A_57, %add3A_55 : i32
      %multiple_of3A = tpu.assume_multiple %add3A_58, 8 : i32
      "tpu.region"() ({
        %run_scoped3A = tpu.sem_alloc : memref<!tpu.dma_semaphore, #tpu.memory_space<semaphore_mem>>
        %dma_start3A_68 = tpu.memref_slice %arg3[%multiple_of3A] : memref<320000xi32, #tpu.memory_space<hbm>> -> memref<200xi32, #tpu.memory_space<hbm>>
        %dma_start3A_69 = tpu.memref_slice %arg3[%multiple_of3A] : memref<320000xi32, #tpu.memory_space<hbm>> -> memref<200xi32, #tpu.memory_space<hbm>>
        tpu.enqueue_dma source(%dma_start3A_69 : memref<200xi32, #tpu.memory_space<hbm>>) target(%arg7 : memref<200xi32, #tpu.memory_space<vmem>>) target_semaphore(%run_scoped3A : memref<!tpu.dma_semaphore, #tpu.memory_space<semaphore_mem>>)
        %dma_wait3A_70 = tpu.memref_slice %arg3[%multiple_of3A] : memref<320000xi32, #tpu.memory_space<hbm>> -> memref<200xi32, #tpu.memory_space<hbm>>
        %dma_wait3A_71 = tpu.memref_slice %arg3[%multiple_of3A] : memref<320000xi32, #tpu.memory_space<hbm>> -> memref<200xi32, #tpu.memory_space<hbm>>
        tpu.wait_dma2 semaphore(%run_scoped3A : memref<!tpu.dma_semaphore, #tpu.memory_space<semaphore_mem>>) src(%dma_wait3A_71 : memref<200xi32, #tpu.memory_space<hbm>>) dst(%arg7 : memref<200xi32, #tpu.memory_space<vmem>>)
        tpu.yield
      }) : () -> ()
      "tpu.region"() ({
        %run_scoped3A = tpu.sem_alloc : memref<!tpu.dma_semaphore, #tpu.memory_space<semaphore_mem>>
        %dma_start3A_68 = tpu.memref_slice %arg4[%multiple_of3A] : memref<320000xi32, #tpu.memory_space<hbm>> -> memref<200xi32, #tpu.memory_space<hbm>>
        %dma_start3A_69 = tpu.memref_slice %arg4[%multiple_of3A] : memref<320000xi32, #tpu.memory_space<hbm>> -> memref<200xi32, #tpu.memory_space<hbm>>
        tpu.enqueue_dma source(%dma_start3A_69 : memref<200xi32, #tpu.memory_space<hbm>>) target(%arg8 : memref<200xi32, #tpu.memory_space<vmem>>) target_semaphore(%run_scoped3A : memref<!tpu.dma_semaphore, #tpu.memory_space<semaphore_mem>>)
        %dma_wait3A_70 = tpu.memref_slice %arg4[%multiple_of3A] : memref<320000xi32, #tpu.memory_space<hbm>> -> memref<200xi32, #tpu.memory_space<hbm>>
        %dma_wait3A_71 = tpu.memref_slice %arg4[%multiple_of3A] : memref<320000xi32, #tpu.memory_space<hbm>> -> memref<200xi32, #tpu.memory_space<hbm>>
        tpu.wait_dma2 semaphore(%run_scoped3A : memref<!tpu.dma_semaphore, #tpu.memory_space<semaphore_mem>>) src(%dma_wait3A_71 : memref<200xi32, #tpu.memory_space<hbm>>) dst(%arg8 : memref<200xi32, #tpu.memory_space<vmem>>)
        tpu.yield
      }) : () -> ()
      "tpu.region"() ({
        %run_scoped3A = tpu.sem_alloc : memref<!tpu.dma_semaphore, #tpu.memory_space<semaphore_mem>>
        %dma_start3A_68 = tpu.memref_slice %arg5[%multiple_of3A] : memref<320000xf32, #tpu.memory_space<hbm>> -> memref<200xf32, #tpu.memory_space<hbm>>
        %dma_start3A_69 = tpu.memref_slice %arg5[%multiple_of3A] : memref<320000xf32, #tpu.memory_space<hbm>> -> memref<200xf32, #tpu.memory_space<hbm>>
        tpu.enqueue_dma source(%dma_start3A_69 : memref<200xf32, #tpu.memory_space<hbm>>) target(%arg9 : memref<200xf32, #tpu.memory_space<vmem>>) target_semaphore(%run_scoped3A : memref<!tpu.dma_semaphore, #tpu.memory_space<semaphore_mem>>)
        %dma_wait3A_70 = tpu.memref_slice %arg5[%multiple_of3A] : memref<320000xf32, #tpu.memory_space<hbm>> -> memref<200xf32, #tpu.memory_space<hbm>>
        %dma_wait3A_71 = tpu.memref_slice %arg5[%multiple_of3A] : memref<320000xf32, #tpu.memory_space<hbm>> -> memref<200xf32, #tpu.memory_space<hbm>>
        tpu.wait_dma2 semaphore(%run_scoped3A : memref<!tpu.dma_semaphore, #tpu.memory_space<semaphore_mem>>) src(%dma_wait3A_71 : memref<200xf32, #tpu.memory_space<hbm>>) dst(%arg9 : memref<200xf32, #tpu.memory_space<vmem>>)
        tpu.yield
      }) : () -> ()
      %dma_start3A = arith.constant 0 : i32
      %dma_start3A_59 = arith.constant 0 : i32
      %dma_start3A_60 = tpu.memref_slice %arg2[%dma_start3A, %dma_start3A_59] : memref<10000x128xf32, #tpu.memory_space<hbm>> -> memref<10000x128xf32, #tpu.memory_space<hbm>>
      tpu.enqueue_indirect_dma source(%dma_start3A_60 : memref<10000x128xf32, #tpu.memory_space<hbm>>) target(%arg10 : memref<200x128xf32, #tpu.memory_space<vmem>>) offsets(%arg7 : memref<200xi32, #tpu.memory_space<vmem>>) semaphore(%arg13 : memref<!tpu.dma_semaphore, #tpu.memory_space<semaphore_mem>>)
      %dma_wait3A = arith.constant 0 : i32
      %dma_wait3A_61 = arith.constant 0 : i32
      %dma_wait3A_62 = tpu.memref_slice %arg2[%dma_wait3A, %dma_wait3A_61] : memref<10000x128xf32, #tpu.memory_space<hbm>> -> memref<10000x128xf32, #tpu.memory_space<hbm>>
      tpu.wait_indirect_dma semaphore(%arg13 : memref<!tpu.dma_semaphore, #tpu.memory_space<semaphore_mem>>) src(%dma_wait3A_62 : memref<10000x128xf32, #tpu.memory_space<hbm>>) dst(%arg10 : memref<200x128xf32, #tpu.memory_space<vmem>>)
      %scan3A_63 = arith.constant 0 : i32
      %scan3A_64 = arith.constant 200 : i32
      %scan3A_65 = arith.addi %scan3A_63, %scan3A_64 : i32
      %scan3A_66 = arith.constant 1 : i32
      scf.for %scan3A_68 = %scan3A_63 to %scan3A_65 step %scan3A_66  : i32 {
        %mul3A_69 = arith.constant 1 : i32
        %mul3A_70 = arith.muli %scan3A_68, %mul3A_69 : i32
        %add3A_71 = arith.constant 0 : i32
        %add3A_72 = arith.addi %add3A_71, %mul3A_70 : i32
        %broadcast_in_dim3A = vector.broadcast %add3A_72 : i32 to vector<16xi32>
        %gather3A = tpu.vector_load_idx %arg9[%broadcast_in_dim3A] : memref<200xf32, #tpu.memory_space<vmem>>[vector<16xi32>], vector<16xf32>,
        %get3A = arith.index_cast %add3A_72 : i32 to index
        %get3A_73 = arith.constant 0 : index
        %get3A_74 = tpu.vector_load %arg10[%get3A, %get3A_73] {strides = array<i32>} : memref<200x128xf32, #tpu.memory_space<vmem>>, vector<16xf32>,
        %mul3A_75 = arith.mulf %get3A_74, %gather3A : vector<16xf32>
        %swap3A = arith.index_cast %add3A_72 : i32 to index
        %swap3A_76 = arith.constant 0 : index
        %swap3A_77 = tpu.vector_load %arg10[%swap3A, %swap3A_76] {strides = array<i32>} : memref<200x128xf32, #tpu.memory_space<vmem>>, vector<16xf32>,
        tpu.vector_store %arg10[%swap3A, %swap3A_76], %mul3A_75 {strides = array<i32>} : memref<200x128xf32, #tpu.memory_space<vmem>>, vector<16xf32>,
        %get3A_78 = arith.index_cast %add3A_72 : i32 to index
        %get3A_79 = arith.constant 16 : index
        %get3A_80 = tpu.vector_load %arg10[%get3A_78, %get3A_79] {strides = array<i32>} : memref<200x128xf32, #tpu.memory_space<vmem>>, vector<16xf32>,
        %mul3A_81 = arith.mulf %get3A_80, %gather3A : vector<16xf32>
        %swap3A_82 = arith.index_cast %add3A_72 : i32 to index
        %swap3A_83 = arith.constant 16 : index
        %swap3A_84 = tpu.vector_load %arg10[%swap3A_82, %swap3A_83] {strides = array<i32>} : memref<200x128xf32, #tpu.memory_space<vmem>>, vector<16xf32>,
        tpu.vector_store %arg10[%swap3A_82, %swap3A_83], %mul3A_81 {strides = array<i32>} : memref<200x128xf32, #tpu.memory_space<vmem>>, vector<16xf32>,
        %get3A_85 = arith.index_cast %add3A_72 : i32 to index
        %get3A_86 = arith.constant 32 : index
        %get3A_87 = tpu.vector_load %arg10[%get3A_85, %get3A_86] {strides = array<i32>} : memref<200x128xf32, #tpu.memory_space<vmem>>, vector<16xf32>,
        %mul3A_88 = arith.mulf %get3A_87, %gather3A : vector<16xf32>
        %swap3A_89 = arith.index_cast %add3A_72 : i32 to index
        %swap3A_90 = arith.constant 32 : index
        %swap3A_91 = tpu.vector_load %arg10[%swap3A_89, %swap3A_90] {strides = array<i32>} : memref<200x128xf32, #tpu.memory_space<vmem>>, vector<16xf32>,
        tpu.vector_store %arg10[%swap3A_89, %swap3A_90], %mul3A_88 {strides = array<i32>} : memref<200x128xf32, #tpu.memory_space<vmem>>, vector<16xf32>,
        %get3A_92 = arith.index_cast %add3A_72 : i32 to index
        %get3A_93 = arith.constant 48 : index
        %get3A_94 = tpu.vector_load %arg10[%get3A_92, %get3A_93] {strides = array<i32>} : memref<200x128xf32, #tpu.memory_space<vmem>>, vector<16xf32>,
        %mul3A_95 = arith.mulf %get3A_94, %gather3A : vector<16xf32>
        %swap3A_96 = arith.index_cast %add3A_72 : i32 to index
        %swap3A_97 = arith.constant 48 : index
        %swap3A_98 = tpu.vector_load %arg10[%swap3A_96, %swap3A_97] {strides = array<i32>} : memref<200x128xf32, #tpu.memory_space<vmem>>, vector<16xf32>,
        tpu.vector_store %arg10[%swap3A_96, %swap3A_97], %mul3A_95 {strides = array<i32>} : memref<200x128xf32, #tpu.memory_space<vmem>>, vector<16xf32>,
        %get3A_99 = arith.index_cast %add3A_72 : i32 to index
        %get3A_100 = arith.constant 64 : index
        %get3A_101 = tpu.vector_load %arg10[%get3A_99, %get3A_100] {strides = array<i32>} : memref<200x128xf32, #tpu.memory_space<vmem>>, vector<16xf32>,
        %mul3A_102 = arith.mulf %get3A_101, %gather3A : vector<16xf32>
        %swap3A_103 = arith.index_cast %add3A_72 : i32 to index
        %swap3A_104 = arith.constant 64 : index
        %swap3A_105 = tpu.vector_load %arg10[%swap3A_103, %swap3A_104] {strides = array<i32>} : memref<200x128xf32, #tpu.memory_space<vmem>>, vector<16xf32>,
        tpu.vector_store %arg10[%swap3A_103, %swap3A_104], %mul3A_102 {strides = array<i32>} : memref<200x128xf32, #tpu.memory_space<vmem>>, vector<16xf32>,
        %get3A_106 = arith.index_cast %add3A_72 : i32 to index
        %get3A_107 = arith.constant 80 : index
        %get3A_108 = tpu.vector_load %arg10[%get3A_106, %get3A_107] {strides = array<i32>} : memref<200x128xf32, #tpu.memory_space<vmem>>, vector<16xf32>,
        %mul3A_109 = arith.mulf %get3A_108, %gather3A : vector<16xf32>
        %swap3A_110 = arith.index_cast %add3A_72 : i32 to index
        %swap3A_111 = arith.constant 80 : index
        %swap3A_112 = tpu.vector_load %arg10[%swap3A_110, %swap3A_111] {strides = array<i32>} : memref<200x128xf32, #tpu.memory_space<vmem>>, vector<16xf32>,
        tpu.vector_store %arg10[%swap3A_110, %swap3A_111], %mul3A_109 {strides = array<i32>} : memref<200x128xf32, #tpu.memory_space<vmem>>, vector<16xf32>,
        %get3A_113 = arith.index_cast %add3A_72 : i32 to index
        %get3A_114 = arith.constant 96 : index
        %get3A_115 = tpu.vector_load %arg10[%get3A_113, %get3A_114] {strides = array<i32>} : memref<200x128xf32, #tpu.memory_space<vmem>>, vector<16xf32>,
        %mul3A_116 = arith.mulf %get3A_115, %gather3A : vector<16xf32>
        %swap3A_117 = arith.index_cast %add3A_72 : i32 to index
        %swap3A_118 = arith.constant 96 : index
        %swap3A_119 = tpu.vector_load %arg10[%swap3A_117, %swap3A_118] {strides = array<i32>} : memref<200x128xf32, #tpu.memory_space<vmem>>, vector<16xf32>,
        tpu.vector_store %arg10[%swap3A_117, %swap3A_118], %mul3A_116 {strides = array<i32>} : memref<200x128xf32, #tpu.memory_space<vmem>>, vector<16xf32>,
        %get3A_120 = arith.index_cast %add3A_72 : i32 to index
        %get3A_121 = arith.constant 112 : index
        %get3A_122 = tpu.vector_load %arg10[%get3A_120, %get3A_121] {strides = array<i32>} : memref<200x128xf32, #tpu.memory_space<vmem>>, vector<16xf32>,
        %mul3A_123 = arith.mulf %get3A_122, %gather3A : vector<16xf32>
        %swap3A_124 = arith.index_cast %add3A_72 : i32 to index
        %swap3A_125 = arith.constant 112 : index
        %swap3A_126 = tpu.vector_load %arg10[%swap3A_124, %swap3A_125] {strides = array<i32>} : memref<200x128xf32, #tpu.memory_space<vmem>>, vector<16xf32>,
        tpu.vector_store %arg10[%swap3A_124, %swap3A_125], %mul3A_123 {strides = array<i32>} : memref<200x128xf32, #tpu.memory_space<vmem>>, vector<16xf32>,
      }
      %scan3A_67 = arith.constant 200 : i32
      "tpu.region"() ({
        %run_scoped3A = tpu.sem_alloc : memref<!tpu.dma_semaphore, #tpu.memory_space<semaphore_mem>>
        %dma_start3A_68 = arith.constant 0 : i32
        %dma_start3A_69 = arith.constant 0 : i32
        %dma_start3A_70 = tpu.memref_slice %arg12[%dma_start3A_68, %dma_start3A_69] : memref<10240x128xf32, #tpu.memory_space<vmem_shared>> -> memref<10240x128xf32, #tpu.memory_space<vmem_shared>>
        tpu.enqueue_indirect_dma source(%arg10 : memref<200x128xf32, #tpu.memory_space<vmem>>) target(%dma_start3A_70 : memref<10240x128xf32, #tpu.memory_space<vmem_shared>>) offsets(%arg8 : memref<200xi32, #tpu.memory_space<vmem>>) semaphore(%run_scoped3A : memref<!tpu.dma_semaphore, #tpu.memory_space<semaphore_mem>>) {add = true}
        %dma_wait3A_71 = arith.constant 0 : i32
        %dma_wait3A_72 = arith.constant 0 : i32
        %dma_wait3A_73 = tpu.memref_slice %arg12[%dma_wait3A_71, %dma_wait3A_72] : memref<10240x128xf32, #tpu.memory_space<vmem_shared>> -> memref<10240x128xf32, #tpu.memory_space<vmem_shared>>
        tpu.wait_indirect_dma semaphore(%run_scoped3A : memref<!tpu.dma_semaphore, #tpu.memory_space<semaphore_mem>>) src(%arg10 : memref<200x128xf32, #tpu.memory_space<vmem>>) dst(%dma_wait3A_73 : memref<10240x128xf32, #tpu.memory_space<vmem_shared>>)
        tpu.yield
      }) : () -> ()
    }
    %scan3A_29 = arith.constant 50 : i32
    %barrier3A_30 = arith.constant 0 : index
    tpu.barrier barrier_id(%barrier3A_30)
    %mul3A_31 = arith.constant 640 : i32
    %mul3A_32 = arith.muli %arg1, %mul3A_31 : i32
    %add3A_33 = arith.constant 0 : i32
    %add3A_34 = arith.addi %mul3A_32, %add3A_33 : i32
    "tpu.region"() ({
      %run_scoped3A = tpu.sem_alloc : memref<!tpu.dma_semaphore, #tpu.memory_space<semaphore_mem>>
      %dma_start3A = arith.constant 0 : i32
      %dma_start3A_51 = tpu.memref_slice %arg6[%arg0, %add3A_34, %dma_start3A] : memref<2x10240x128xf32, #tpu.memory_space<hbm>> -> memref<1x128x128xf32, #tpu.memory_space<hbm>>
      %dma_start3A_52 = tpu.memref_squeeze %dma_start3A_51 : memref<1x128x128xf32, #tpu.memory_space<hbm>> -> memref<128x128xf32, #tpu.memory_space<hbm>>
      %dma_start3A_53 = arith.constant 0 : i32
      %dma_start3A_54 = tpu.memref_slice %arg12[%add3A_34, %dma_start3A_53] : memref<10240x128xf32, #tpu.memory_space<vmem_shared>> -> memref<128x128xf32, #tpu.memory_space<vmem_shared>>
      tpu.enqueue_dma source(%dma_start3A_54 : memref<128x128xf32, #tpu.memory_space<vmem_shared>>) target(%dma_start3A_52 : memref<128x128xf32, #tpu.memory_space<hbm>>) target_semaphore(%run_scoped3A : memref<!tpu.dma_semaphore, #tpu.memory_space<semaphore_mem>>)
      %dma_wait3A = arith.constant 0 : i32
      %dma_wait3A_55 = tpu.memref_slice %arg6[%arg0, %add3A_34, %dma_wait3A] : memref<2x10240x128xf32, #tpu.memory_space<hbm>> -> memref<1x128x128xf32, #tpu.memory_space<hbm>>
      %dma_wait3A_56 = tpu.memref_squeeze %dma_wait3A_55 : memref<1x128x128xf32, #tpu.memory_space<hbm>> -> memref<128x128xf32, #tpu.memory_space<hbm>>
      %dma_wait3A_57 = arith.constant 0 : i32
      %dma_wait3A_58 = tpu.memref_slice %arg12[%add3A_34, %dma_wait3A_57] : memref<10240x128xf32, #tpu.memory_space<vmem_shared>> -> memref<128x128xf32, #tpu.memory_space<vmem_shared>>
      tpu.wait_dma2 semaphore(%run_scoped3A : memref<!tpu.dma_semaphore, #tpu.memory_space<semaphore_mem>>) src(%dma_wait3A_58 : memref<128x128xf32, #tpu.memory_space<vmem_shared>>) dst(%dma_wait3A_56 : memref<128x128xf32, #tpu.memory_space<hbm>>)
      tpu.yield
    }) : () -> ()
    %mul3A_35 = arith.constant 640 : i32
    %mul3A_36 = arith.muli %arg1, %mul3A_35 : i32
    %add3A_37 = arith.constant 128 : i32
    %add3A_38 = arith.addi %mul3A_36, %add3A_37 : i32
    "tpu.region"() ({
      %run_scoped3A = tpu.sem_alloc : memref<!tpu.dma_semaphore, #tpu.memory_space<semaphore_mem>>
      %dma_start3A = arith.constant 0 : i32
      %dma_start3A_51 = tpu.memref_slice %arg6[%arg0, %add3A_38, %dma_start3A] : memref<2x10240x128xf32, #tpu.memory_space<hbm>> -> memref<1x128x128xf32, #tpu.memory_space<hbm>>
      %dma_start3A_52 = tpu.memref_squeeze %dma_start3A_51 : memref<1x128x128xf32, #tpu.memory_space<hbm>> -> memref<128x128xf32, #tpu.memory_space<hbm>>
      %dma_start3A_53 = arith.constant 0 : i32
      %dma_start3A_54 = tpu.memref_slice %arg12[%add3A_38, %dma_start3A_53] : memref<10240x128xf32, #tpu.memory_space<vmem_shared>> -> memref<128x128xf32, #tpu.memory_space<vmem_shared>>
      tpu.enqueue_dma source(%dma_start3A_54 : memref<128x128xf32, #tpu.memory_space<vmem_shared>>) target(%dma_start3A_52 : memref<128x128xf32, #tpu.memory_space<hbm>>) target_semaphore(%run_scoped3A : memref<!tpu.dma_semaphore, #tpu.memory_space<semaphore_mem>>)
      %dma_wait3A = arith.constant 0 : i32
      %dma_wait3A_55 = tpu.memref_slice %arg6[%arg0, %add3A_38, %dma_wait3A] : memref<2x10240x128xf32, #tpu.memory_space<hbm>> -> memref<1x128x128xf32, #tpu.memory_space<hbm>>
      %dma_wait3A_56 = tpu.memref_squeeze %dma_wait3A_55 : memref<1x128x128xf32, #tpu.memory_space<hbm>> -> memref<128x128xf32, #tpu.memory_space<hbm>>
      %dma_wait3A_57 = arith.constant 0 : i32
      %dma_wait3A_58 = tpu.memref_slice %arg12[%add3A_38, %dma_wait3A_57] : memref<10240x128xf32, #tpu.memory_space<vmem_shared>> -> memref<128x128xf32, #tpu.memory_space<vmem_shared>>
      tpu.wait_dma2 semaphore(%run_scoped3A : memref<!tpu.dma_semaphore, #tpu.memory_space<semaphore_mem>>) src(%dma_wait3A_58 : memref<128x128xf32, #tpu.memory_space<vmem_shared>>) dst(%dma_wait3A_56 : memref<128x128xf32, #tpu.memory_space<hbm>>)
      tpu.yield
    }) : () -> ()
    %mul3A_39 = arith.constant 640 : i32
    %mul3A_40 = arith.muli %arg1, %mul3A_39 : i32
    %add3A_41 = arith.constant 256 : i32
    %add3A_42 = arith.addi %mul3A_40, %add3A_41 : i32
    "tpu.region"() ({
      %run_scoped3A = tpu.sem_alloc : memref<!tpu.dma_semaphore, #tpu.memory_space<semaphore_mem>>
      %dma_start3A = arith.constant 0 : i32
      %dma_start3A_51 = tpu.memref_slice %arg6[%arg0, %add3A_42, %dma_start3A] : memref<2x10240x128xf32, #tpu.memory_space<hbm>> -> memref<1x128x128xf32, #tpu.memory_space<hbm>>
      %dma_start3A_52 = tpu.memref_squeeze %dma_start3A_51 : memref<1x128x128xf32, #tpu.memory_space<hbm>> -> memref<128x128xf32, #tpu.memory_space<hbm>>
      %dma_start3A_53 = arith.constant 0 : i32
      %dma_start3A_54 = tpu.memref_slice %arg12[%add3A_42, %dma_start3A_53] : memref<10240x128xf32, #tpu.memory_space<vmem_shared>> -> memref<128x128xf32, #tpu.memory_space<vmem_shared>>
      tpu.enqueue_dma source(%dma_start3A_54 : memref<128x128xf32, #tpu.memory_space<vmem_shared>>) target(%dma_start3A_52 : memref<128x128xf32, #tpu.memory_space<hbm>>) target_semaphore(%run_scoped3A : memref<!tpu.dma_semaphore, #tpu.memory_space<semaphore_mem>>)
      %dma_wait3A = arith.constant 0 : i32
      %dma_wait3A_55 = tpu.memref_slice %arg6[%arg0, %add3A_42, %dma_wait3A] : memref<2x10240x128xf32, #tpu.memory_space<hbm>> -> memref<1x128x128xf32, #tpu.memory_space<hbm>>
      %dma_wait3A_56 = tpu.memref_squeeze %dma_wait3A_55 : memref<1x128x128xf32, #tpu.memory_space<hbm>> -> memref<128x128xf32, #tpu.memory_space<hbm>>
      %dma_wait3A_57 = arith.constant 0 : i32
      %dma_wait3A_58 = tpu.memref_slice %arg12[%add3A_42, %dma_wait3A_57] : memref<10240x128xf32, #tpu.memory_space<vmem_shared>> -> memref<128x128xf32, #tpu.memory_space<vmem_shared>>
      tpu.wait_dma2 semaphore(%run_scoped3A : memref<!tpu.dma_semaphore, #tpu.memory_space<semaphore_mem>>) src(%dma_wait3A_58 : memref<128x128xf32, #tpu.memory_space<vmem_shared>>) dst(%dma_wait3A_56 : memref<128x128xf32, #tpu.memory_space<hbm>>)
      tpu.yield
    }) : () -> ()
    %mul3A_43 = arith.constant 640 : i32
    %mul3A_44 = arith.muli %arg1, %mul3A_43 : i32
    %add3A_45 = arith.constant 384 : i32
    %add3A_46 = arith.addi %mul3A_44, %add3A_45 : i32
    "tpu.region"() ({
      %run_scoped3A = tpu.sem_alloc : memref<!tpu.dma_semaphore, #tpu.memory_space<semaphore_mem>>
      %dma_start3A = arith.constant 0 : i32
      %dma_start3A_51 = tpu.memref_slice %arg6[%arg0, %add3A_46, %dma_start3A] : memref<2x10240x128xf32, #tpu.memory_space<hbm>> -> memref<1x128x128xf32, #tpu.memory_space<hbm>>
      %dma_start3A_52 = tpu.memref_squeeze %dma_start3A_51 : memref<1x128x128xf32, #tpu.memory_space<hbm>> -> memref<128x128xf32, #tpu.memory_space<hbm>>
      %dma_start3A_53 = arith.constant 0 : i32
      %dma_start3A_54 = tpu.memref_slice %arg12[%add3A_46, %dma_start3A_53] : memref<10240x128xf32, #tpu.memory_space<vmem_shared>> -> memref<128x128xf32, #tpu.memory_space<vmem_shared>>
      tpu.enqueue_dma source(%dma_start3A_54 : memref<128x128xf32, #tpu.memory_space<vmem_shared>>) target(%dma_start3A_52 : memref<128x128xf32, #tpu.memory_space<hbm>>) target_semaphore(%run_scoped3A : memref<!tpu.dma_semaphore, #tpu.memory_space<semaphore_mem>>)
      %dma_wait3A = arith.constant 0 : i32
      %dma_wait3A_55 = tpu.memref_slice %arg6[%arg0, %add3A_46, %dma_wait3A] : memref<2x10240x128xf32, #tpu.memory_space<hbm>> -> memref<1x128x128xf32, #tpu.memory_space<hbm>>
      %dma_wait3A_56 = tpu.memref_squeeze %dma_wait3A_55 : memref<1x128x128xf32, #tpu.memory_space<hbm>> -> memref<128x128xf32, #tpu.memory_space<hbm>>
      %dma_wait3A_57 = arith.constant 0 : i32
      %dma_wait3A_58 = tpu.memref_slice %arg12[%add3A_46, %dma_wait3A_57] : memref<10240x128xf32, #tpu.memory_space<vmem_shared>> -> memref<128x128xf32, #tpu.memory_space<vmem_shared>>
      tpu.wait_dma2 semaphore(%run_scoped3A : memref<!tpu.dma_semaphore, #tpu.memory_space<semaphore_mem>>) src(%dma_wait3A_58 : memref<128x128xf32, #tpu.memory_space<vmem_shared>>) dst(%dma_wait3A_56 : memref<128x128xf32, #tpu.memory_space<hbm>>)
      tpu.yield
    }) : () -> ()
    %mul3A_47 = arith.constant 640 : i32
    %mul3A_48 = arith.muli %arg1, %mul3A_47 : i32
    %add3A_49 = arith.constant 512 : i32
    %add3A_50 = arith.addi %mul3A_48, %add3A_49 : i32
    "tpu.region"() ({
      %run_scoped3A = tpu.sem_alloc : memref<!tpu.dma_semaphore, #tpu.memory_space<semaphore_mem>>
      %dma_start3A = arith.constant 0 : i32
      %dma_start3A_51 = tpu.memref_slice %arg6[%arg0, %add3A_50, %dma_start3A] : memref<2x10240x128xf32, #tpu.memory_space<hbm>> -> memref<1x128x128xf32, #tpu.memory_space<hbm>>
      %dma_start3A_52 = tpu.memref_squeeze %dma_start3A_51 : memref<1x128x128xf32, #tpu.memory_space<hbm>> -> memref<128x128xf32, #tpu.memory_space<hbm>>
      %dma_start3A_53 = arith.constant 0 : i32
      %dma_start3A_54 = tpu.memref_slice %arg12[%add3A_50, %dma_start3A_53] : memref<10240x128xf32, #tpu.memory_space<vmem_shared>> -> memref<128x128xf32, #tpu.memory_space<vmem_shared>>
      tpu.enqueue_dma source(%dma_start3A_54 : memref<128x128xf32, #tpu.memory_space<vmem_shared>>) target(%dma_start3A_52 : memref<128x128xf32, #tpu.memory_space<hbm>>) target_semaphore(%run_scoped3A : memref<!tpu.dma_semaphore, #tpu.memory_space<semaphore_mem>>)
      %dma_wait3A = arith.constant 0 : i32
      %dma_wait3A_55 = tpu.memref_slice %arg6[%arg0, %add3A_50, %dma_wait3A] : memref<2x10240x128xf32, #tpu.memory_space<hbm>> -> memref<1x128x128xf32, #tpu.memory_space<hbm>>
      %dma_wait3A_56 = tpu.memref_squeeze %dma_wait3A_55 : memref<1x128x128xf32, #tpu.memory_space<hbm>> -> memref<128x128xf32, #tpu.memory_space<hbm>>
      %dma_wait3A_57 = arith.constant 0 : i32
      %dma_wait3A_58 = tpu.memref_slice %arg12[%add3A_50, %dma_wait3A_57] : memref<10240x128xf32, #tpu.memory_space<vmem_shared>> -> memref<128x128xf32, #tpu.memory_space<vmem_shared>>
      tpu.wait_dma2 semaphore(%run_scoped3A : memref<!tpu.dma_semaphore, #tpu.memory_space<semaphore_mem>>) src(%dma_wait3A_58 : memref<128x128xf32, #tpu.memory_space<vmem_shared>>) dst(%dma_wait3A_56 : memref<128x128xf32, #tpu.memory_space<hbm>>)
      tpu.yield
    }) : () -> ()
    return
  }
}

module attributes {stable_mosaic.version = 14 : i64} {
  func.func @_dinv_body(%arg0: memref<2x10240xf32, #tpu.memory_space<vmem>>, %arg1: memref<1x10240xf32, #tpu.memory_space<vmem>>) attributes {dimension_semantics = [], scalar_prefetch = 0 : i64, scratch_operands = 0 : i64, tpu.core_type = #tpu.core_type<tc>} {
    %get3A = arith.constant 0 : index
    %get3A_0 = arith.constant 0 : index
    %get3A_1 = vector.load %arg0[%get3A, %get3A_0] : memref<2x10240xf32, #tpu.memory_space<vmem>>, vector<1x10240xf32>
    %get3A_2 = arith.constant 1 : index
    %get3A_3 = arith.constant 0 : index
    %get3A_4 = vector.load %arg0[%get3A_2, %get3A_3] : memref<2x10240xf32, #tpu.memory_space<vmem>>, vector<1x10240xf32>
    %add3A = arith.addf %get3A_1, %get3A_4 : vector<1x10240xf32>
    %gt3A = arith.constant 0.000000e+00 : f32
    %gt3A_5 = vector.broadcast %gt3A : f32 to vector<1x10240xf32>
    %gt3A_6 = arith.cmpf ogt, %add3A, %gt3A_5 : vector<1x10240xf32>
    %gt3A_7 = arith.constant 0.000000e+00 : f32
    %gt3A_8 = vector.broadcast %gt3A_7 : f32 to vector<1x10240xf32>
    %gt3A_9 = arith.cmpf ogt, %add3A, %gt3A_8 : vector<1x10240xf32>
    %jit3A = arith.constant 1.000000e+00 : f32
    %broadcast_in_dim3A = vector.broadcast %jit3A : f32 to vector<1x10240xf32>
    %select_n3A = arith.select %gt3A_9, %add3A, %broadcast_in_dim3A : vector<1x10240xi1>, vector<1x10240xf32>
    %rsqrt3A = math.rsqrt %select_n3A : vector<1x10240xf32>
    %jit3A_10 = arith.constant 0.000000e+00 : f32
    %broadcast_in_dim3A_11 = vector.broadcast %jit3A_10 : f32 to vector<1x10240xf32>
    %select_n3A_12 = arith.select %gt3A_6, %rsqrt3A, %broadcast_in_dim3A_11 : vector<1x10240xi1>, vector<1x10240xf32>
    %swap3A = arith.constant 0 : index
    %swap3A_13 = arith.constant 0 : index
    %swap3A_14 = vector.load %arg1[%swap3A, %swap3A_13] : memref<1x10240xf32, #tpu.memory_space<vmem>>, vector<1x10240xf32>
    tpu.vector_store %arg1[%swap3A, %swap3A_13], %select_n3A_12 {strides = array<i32>} : memref<1x10240xf32, #tpu.memory_space<vmem>>, vector<1x10240xf32>,
    return
  }
}

module attributes {stable_mosaic.version = 14 : i64} {
  func.func @_mm_scale_body(%arg0: memref<10000x128xf32, #tpu.memory_space<vmem>>, %arg1: memref<128x128xf32, #tpu.memory_space<vmem>>, %arg2: memref<10000x1xf32, #tpu.memory_space<vmem>>, %arg3: memref<10000x128xf32, #tpu.memory_space<vmem>>) attributes {dimension_semantics = [], scalar_prefetch = 0 : i64, scratch_operands = 0 : i64, tpu.core_type = #tpu.core_type<tc>} {
    %get3A = arith.constant 0 : index
    %get3A_0 = arith.constant 0 : index
    %get3A_1 = vector.load %arg0[%get3A, %get3A_0] : memref<10000x128xf32, #tpu.memory_space<vmem>>, vector<10000x128xf32>
    %get3A_2 = arith.constant 0 : index
    %get3A_3 = arith.constant 0 : index
    %get3A_4 = vector.load %arg1[%get3A_2, %get3A_3] : memref<128x128xf32, #tpu.memory_space<vmem>>, vector<128x128xf32>
    %dot_general3A = arith.constant dense<0.000000e+00> : vector<10000x128xf32>
    %dot_general3A_5 = tpu.matmul %get3A_1, %get3A_4, %dot_general3A {dimension_numbers = #tpu.dot_dimension_numbers<[1], [0], [0], [1], [0, 0, 1, 1], [], []>, transpose_lhs_hint = false} : vector<10000x128xf32>, vector<128x128xf32>, vector<10000x128xf32> -> vector<10000x128xf32>
    %get3A_6 = arith.constant 0 : index
    %get3A_7 = arith.constant 0 : index
    %get3A_8 = vector.load %arg2[%get3A_6, %get3A_7] : memref<10000x1xf32, #tpu.memory_space<vmem>>, vector<10000x1xf32>
    %mul3A = vector.broadcast %get3A_8 : vector<10000x1xf32> to vector<10000x128xf32>
    %mul3A_9 = arith.mulf %dot_general3A_5, %mul3A : vector<10000x128xf32>
    %swap3A = arith.constant 0 : index
    %swap3A_10 = arith.constant 0 : index
    %swap3A_11 = vector.load %arg3[%swap3A, %swap3A_10] : memref<10000x128xf32, #tpu.memory_space<vmem>>, vector<10000x128xf32>
    tpu.vector_store %arg3[%swap3A, %swap3A_10], %mul3A_9 {strides = array<i32>} : memref<10000x128xf32, #tpu.memory_space<vmem>>, vector<10000x128xf32>,
    return
  }
}

module attributes {stable_mosaic.version = 14 : i64} {
  func.func @_comb1_body(%arg0: memref<10000x128xf32, #tpu.memory_space<vmem>>, %arg1: memref<10000x128xf32, #tpu.memory_space<vmem>>, %arg2: memref<10000x1xf32, #tpu.memory_space<vmem>>, %arg3: memref<1x128xf32, #tpu.memory_space<vmem>>, %arg4: memref<128x128xf32, #tpu.memory_space<vmem>>, %arg5: memref<10000x128xf32, #tpu.memory_space<vmem>>) attributes {dimension_semantics = [], scalar_prefetch = 0 : i64, scratch_operands = 0 : i64, tpu.core_type = #tpu.core_type<tc>} {
    %get3A = arith.constant 0 : index
    %get3A_0 = arith.constant 0 : index
    %get3A_1 = vector.load %arg2[%get3A, %get3A_0] : memref<10000x1xf32, #tpu.memory_space<vmem>>, vector<10000x1xf32>
    %get3A_2 = arith.constant 0 : index
    %get3A_3 = arith.constant 0 : index
    %get3A_4 = vector.load %arg0[%get3A_2, %get3A_3] : memref<10000x128xf32, #tpu.memory_space<vmem>>, vector<10000x128xf32>
    %get3A_5 = arith.constant 0 : index
    %get3A_6 = arith.constant 0 : index
    %get3A_7 = vector.load %arg1[%get3A_5, %get3A_6] : memref<10000x128xf32, #tpu.memory_space<vmem>>, vector<10000x128xf32>
    %add3A = arith.addf %get3A_4, %get3A_7 : vector<10000x128xf32>
    %mul3A = vector.broadcast %get3A_1 : vector<10000x1xf32> to vector<10000x128xf32>
    %mul3A_8 = arith.mulf %mul3A, %add3A : vector<10000x128xf32>
    %get3A_9 = arith.constant 0 : index
    %get3A_10 = arith.constant 0 : index
    %get3A_11 = vector.load %arg3[%get3A_9, %get3A_10] : memref<1x128xf32, #tpu.memory_space<vmem>>, vector<1x128xf32>
    %add3A_12 = vector.broadcast %get3A_11 : vector<1x128xf32> to vector<10000x128xf32>
    %add3A_13 = arith.addf %mul3A_8, %add3A_12 : vector<10000x128xf32>
    %max3A = arith.constant 0.000000e+00 : f32
    %max3A_14 = vector.broadcast %max3A : f32 to vector<10000x128xf32>
    %max3A_15 = arith.maximumf %add3A_13, %max3A_14 : vector<10000x128xf32>
    %get3A_16 = arith.constant 0 : index
    %get3A_17 = arith.constant 0 : index
    %get3A_18 = vector.load %arg4[%get3A_16, %get3A_17] : memref<128x128xf32, #tpu.memory_space<vmem>>, vector<128x128xf32>
    %dot_general3A = arith.constant dense<0.000000e+00> : vector<10000x128xf32>
    %dot_general3A_19 = tpu.matmul %max3A_15, %get3A_18, %dot_general3A {dimension_numbers = #tpu.dot_dimension_numbers<[1], [0], [0], [1], [0, 0, 1, 1], [], []>, transpose_lhs_hint = false} : vector<10000x128xf32>, vector<128x128xf32>, vector<10000x128xf32> -> vector<10000x128xf32>
    %get3A_20 = arith.constant 0 : index
    %get3A_21 = arith.constant 0 : index
    %get3A_22 = vector.load %arg2[%get3A_20, %get3A_21] : memref<10000x1xf32, #tpu.memory_space<vmem>>, vector<10000x1xf32>
    %mul3A_23 = vector.broadcast %get3A_22 : vector<10000x1xf32> to vector<10000x128xf32>
    %mul3A_24 = arith.mulf %dot_general3A_19, %mul3A_23 : vector<10000x128xf32>
    %swap3A = arith.constant 0 : index
    %swap3A_25 = arith.constant 0 : index
    %swap3A_26 = vector.load %arg5[%swap3A, %swap3A_25] : memref<10000x128xf32, #tpu.memory_space<vmem>>, vector<10000x128xf32>
    tpu.vector_store %arg5[%swap3A, %swap3A_25], %mul3A_24 {strides = array<i32>} : memref<10000x128xf32, #tpu.memory_space<vmem>>, vector<10000x128xf32>,
    return
  }
}

module attributes {stable_mosaic.version = 14 : i64} {
  func.func @_comb2_body(%arg0: memref<10000x128xf32, #tpu.memory_space<vmem>>, %arg1: memref<10000x128xf32, #tpu.memory_space<vmem>>, %arg2: memref<10000x1xf32, #tpu.memory_space<vmem>>, %arg3: memref<1x128xf32, #tpu.memory_space<vmem>>, %arg4: memref<128x256xf32, #tpu.memory_space<vmem>>, %arg5: memref<128x256xf32, #tpu.memory_space<vmem>>, %arg6: memref<1x256xf32, #tpu.memory_space<vmem>>, %arg7: memref<1x256xf32, #tpu.memory_space<vmem>>, %arg8: memref<10000x256xf32, #tpu.memory_space<vmem>>, %arg9: memref<10000x256xf32, #tpu.memory_space<vmem>>) attributes {dimension_semantics = [], scalar_prefetch = 0 : i64, scratch_operands = 0 : i64, tpu.core_type = #tpu.core_type<tc>} {
    %get3A = arith.constant 0 : index
    %get3A_0 = arith.constant 0 : index
    %get3A_1 = vector.load %arg2[%get3A, %get3A_0] : memref<10000x1xf32, #tpu.memory_space<vmem>>, vector<10000x1xf32>
    %get3A_2 = arith.constant 0 : index
    %get3A_3 = arith.constant 0 : index
    %get3A_4 = vector.load %arg0[%get3A_2, %get3A_3] : memref<10000x128xf32, #tpu.memory_space<vmem>>, vector<10000x128xf32>
    %get3A_5 = arith.constant 0 : index
    %get3A_6 = arith.constant 0 : index
    %get3A_7 = vector.load %arg1[%get3A_5, %get3A_6] : memref<10000x128xf32, #tpu.memory_space<vmem>>, vector<10000x128xf32>
    %add3A = arith.addf %get3A_4, %get3A_7 : vector<10000x128xf32>
    %mul3A = vector.broadcast %get3A_1 : vector<10000x1xf32> to vector<10000x128xf32>
    %mul3A_8 = arith.mulf %mul3A, %add3A : vector<10000x128xf32>
    %get3A_9 = arith.constant 0 : index
    %get3A_10 = arith.constant 0 : index
    %get3A_11 = vector.load %arg3[%get3A_9, %get3A_10] : memref<1x128xf32, #tpu.memory_space<vmem>>, vector<1x128xf32>
    %add3A_12 = vector.broadcast %get3A_11 : vector<1x128xf32> to vector<10000x128xf32>
    %add3A_13 = arith.addf %mul3A_8, %add3A_12 : vector<10000x128xf32>
    %max3A = arith.constant 0.000000e+00 : f32
    %max3A_14 = vector.broadcast %max3A : f32 to vector<10000x128xf32>
    %max3A_15 = arith.maximumf %add3A_13, %max3A_14 : vector<10000x128xf32>
    %get3A_16 = arith.constant 0 : index
    %get3A_17 = arith.constant 0 : index
    %get3A_18 = vector.load %arg4[%get3A_16, %get3A_17] : memref<128x256xf32, #tpu.memory_space<vmem>>, vector<128x256xf32>
    %dot_general3A = arith.constant dense<0.000000e+00> : vector<10000x256xf32>
    %dot_general3A_19 = tpu.matmul %max3A_15, %get3A_18, %dot_general3A {dimension_numbers = #tpu.dot_dimension_numbers<[1], [0], [0], [1], [0, 0, 1, 1], [], []>, transpose_lhs_hint = false} : vector<10000x128xf32>, vector<128x256xf32>, vector<10000x256xf32> -> vector<10000x256xf32>
    %get3A_20 = arith.constant 0 : index
    %get3A_21 = arith.constant 0 : index
    %get3A_22 = vector.load %arg6[%get3A_20, %get3A_21] : memref<1x256xf32, #tpu.memory_space<vmem>>, vector<1x256xf32>
    %add3A_23 = vector.broadcast %get3A_22 : vector<1x256xf32> to vector<10000x256xf32>
    %add3A_24 = arith.addf %dot_general3A_19, %add3A_23 : vector<10000x256xf32>
    %swap3A = arith.constant 0 : index
    %swap3A_25 = arith.constant 0 : index
    %swap3A_26 = vector.load %arg8[%swap3A, %swap3A_25] : memref<10000x256xf32, #tpu.memory_space<vmem>>, vector<10000x256xf32>
    tpu.vector_store %arg8[%swap3A, %swap3A_25], %add3A_24 {strides = array<i32>} : memref<10000x256xf32, #tpu.memory_space<vmem>>, vector<10000x256xf32>,
    %get3A_27 = arith.constant 0 : index
    %get3A_28 = arith.constant 0 : index
    %get3A_29 = vector.load %arg5[%get3A_27, %get3A_28] : memref<128x256xf32, #tpu.memory_space<vmem>>, vector<128x256xf32>
    %dot_general3A_30 = arith.constant dense<0.000000e+00> : vector<10000x256xf32>
    %dot_general3A_31 = tpu.matmul %max3A_15, %get3A_29, %dot_general3A_30 {dimension_numbers = #tpu.dot_dimension_numbers<[1], [0], [0], [1], [0, 0, 1, 1], [], []>, transpose_lhs_hint = false} : vector<10000x128xf32>, vector<128x256xf32>, vector<10000x256xf32> -> vector<10000x256xf32>
    %get3A_32 = arith.constant 0 : index
    %get3A_33 = arith.constant 0 : index
    %get3A_34 = vector.load %arg7[%get3A_32, %get3A_33] : memref<1x256xf32, #tpu.memory_space<vmem>>, vector<1x256xf32>
    %add3A_35 = vector.broadcast %get3A_34 : vector<1x256xf32> to vector<10000x256xf32>
    %add3A_36 = arith.addf %dot_general3A_31, %add3A_35 : vector<10000x256xf32>
    %swap3A_37 = arith.constant 0 : index
    %swap3A_38 = arith.constant 0 : index
    %swap3A_39 = vector.load %arg9[%swap3A_37, %swap3A_38] : memref<10000x256xf32, #tpu.memory_space<vmem>>, vector<10000x256xf32>
    tpu.vector_store %arg9[%swap3A_37, %swap3A_38], %add3A_36 {strides = array<i32>} : memref<10000x256xf32, #tpu.memory_space<vmem>>, vector<10000x256xf32>,
    return
  }
}

module attributes {stable_mosaic.version = 14 : i64} {
  func.func @_lstm_body(%arg0: memref<10000x512xf32, #tpu.memory_space<vmem>>, %arg1: memref<128x512xf32, #tpu.memory_space<vmem>>, %arg2: memref<10000x128xf32, #tpu.memory_space<vmem>>) attributes {dimension_semantics = [], scalar_prefetch = 0 : i64, scratch_operands = 0 : i64, tpu.core_type = #tpu.core_type<tc>} {
    %get3A = arith.constant 0 : index
    %get3A_0 = arith.constant 0 : index
    %get3A_1 = vector.load %arg1[%get3A, %get3A_0] : memref<128x512xf32, #tpu.memory_space<vmem>>, vector<128x512xf32>
    %broadcast_in_dim3A = arith.constant 0.000000e+00 : f32
    %broadcast_in_dim3A_2 = vector.broadcast %broadcast_in_dim3A : f32 to vector<1x128xf32>
    %broadcast_in_dim3A_3 = arith.constant 0.000000e+00 : f32
    %broadcast_in_dim3A_4 = vector.broadcast %broadcast_in_dim3A_3 : f32 to vector<1x128xf32>
    %scan3A = arith.constant 0 : i32
    %scan3A_5 = arith.constant 10000 : i32
    %scan3A_6 = arith.addi %scan3A, %scan3A_5 : i32
    %scan3A_7 = arith.constant 1 : i32
    %scan3A_8:2 = scf.for %scan3A_10 = %scan3A to %scan3A_6 step %scan3A_7 iter_args(%scan3A_11 = %broadcast_in_dim3A_2, %scan3A_12 = %broadcast_in_dim3A_4) -> (vector<1x128xf32>, vector<1x128xf32>)  : i32 {
      %reshape3A = vector.shape_cast %scan3A_11 : vector<1x128xf32> to vector<128x1xf32>
      %mul3A = vector.broadcast %reshape3A : vector<128x1xf32> to vector<128x512xf32>
      %mul3A_13 = arith.mulf %mul3A, %get3A_1 : vector<128x512xf32>
      %reduce_sum3A = arith.constant dense<0.000000e+00> : vector<512xf32>
      %reduce_sum3A_14 = vector.multi_reduction <add>, %mul3A_13, %reduce_sum3A [0] : vector<128x512xf32> to vector<512xf32>
      %broadcast_in_dim3A_15 = vector.shape_cast %reduce_sum3A_14 : vector<512xf32> to vector<1x512xf32>
      %get3A_16 = arith.index_cast %scan3A_10 : i32 to index
      %get3A_17 = arith.constant 0 : index
      %get3A_18 = vector.load %arg0[%get3A_16, %get3A_17] : memref<10000x512xf32, #tpu.memory_space<vmem>>, vector<1x512xf32>
      %add3A = arith.addf %broadcast_in_dim3A_15, %get3A_18 : vector<1x512xf32>
      %slice3A = vector.extract_strided_slice %add3A {offsets = [0, 0], sizes = [1, 128], strides = [1, 1]} : vector<1x512xf32> to vector<1x128xf32>
      %logistic3A = arith.negf %slice3A : vector<1x128xf32>
      %logistic3A_19 = math.exp %logistic3A : vector<1x128xf32>
      %logistic3A_20 = arith.constant 1.000000e+00 : f32
      %logistic3A_21 = vector.broadcast %logistic3A_20 : f32 to vector<1x128xf32>
      %logistic3A_22 = arith.addf %logistic3A_21, %logistic3A_19 : vector<1x128xf32>
      %logistic3A_23 = arith.divf %logistic3A_21, %logistic3A_22 : vector<1x128xf32>
      %slice3A_24 = vector.extract_strided_slice %add3A {offsets = [0, 128], sizes = [1, 128], strides = [1, 1]} : vector<1x512xf32> to vector<1x128xf32>
      %logistic3A_25 = arith.negf %slice3A_24 : vector<1x128xf32>
      %logistic3A_26 = math.exp %logistic3A_25 : vector<1x128xf32>
      %logistic3A_27 = arith.constant 1.000000e+00 : f32
      %logistic3A_28 = vector.broadcast %logistic3A_27 : f32 to vector<1x128xf32>
      %logistic3A_29 = arith.addf %logistic3A_28, %logistic3A_26 : vector<1x128xf32>
      %logistic3A_30 = arith.divf %logistic3A_28, %logistic3A_29 : vector<1x128xf32>
      %slice3A_31 = vector.extract_strided_slice %add3A {offsets = [0, 256], sizes = [1, 128], strides = [1, 1]} : vector<1x512xf32> to vector<1x128xf32>
      %tanh3A = math.tanh %slice3A_31 : vector<1x128xf32>
      %slice3A_32 = vector.extract_strided_slice %add3A {offsets = [0, 384], sizes = [1, 128], strides = [1, 1]} : vector<1x512xf32> to vector<1x128xf32>
      %logistic3A_33 = arith.negf %slice3A_32 : vector<1x128xf32>
      %logistic3A_34 = math.exp %logistic3A_33 : vector<1x128xf32>
      %logistic3A_35 = arith.constant 1.000000e+00 : f32
      %logistic3A_36 = vector.broadcast %logistic3A_35 : f32 to vector<1x128xf32>
      %logistic3A_37 = arith.addf %logistic3A_36, %logistic3A_34 : vector<1x128xf32>
      %logistic3A_38 = arith.divf %logistic3A_36, %logistic3A_37 : vector<1x128xf32>
      %mul3A_39 = arith.mulf %logistic3A_30, %scan3A_12 : vector<1x128xf32>
      %mul3A_40 = arith.mulf %logistic3A_23, %tanh3A : vector<1x128xf32>
      %add3A_41 = arith.addf %mul3A_39, %mul3A_40 : vector<1x128xf32>
      %tanh3A_42 = math.tanh %add3A_41 : vector<1x128xf32>
      %mul3A_43 = arith.mulf %logistic3A_38, %tanh3A_42 : vector<1x128xf32>
      %slice3A_44 = vector.extract_strided_slice %mul3A_43 {offsets = [0, 0], sizes = [1, 64], strides = [1, 1]} : vector<1x128xf32> to vector<1x64xf32>
      %swap3A = arith.index_cast %scan3A_10 : i32 to index
      %swap3A_45 = arith.constant 0 : index
      %swap3A_46 = vector.load %arg2[%swap3A, %swap3A_45] : memref<10000x128xf32, #tpu.memory_space<vmem>>, vector<1x64xf32>
      tpu.vector_store %arg2[%swap3A, %swap3A_45], %slice3A_44 {strides = array<i32>} : memref<10000x128xf32, #tpu.memory_space<vmem>>, vector<1x64xf32>,
      %slice3A_47 = vector.extract_strided_slice %mul3A_43 {offsets = [0, 64], sizes = [1, 64], strides = [1, 1]} : vector<1x128xf32> to vector<1x64xf32>
      %sub3A = arith.constant 9999 : i32
      %sub3A_48 = arith.subi %sub3A, %scan3A_10 : i32
      %swap3A_49 = arith.index_cast %sub3A_48 : i32 to index
      %swap3A_50 = arith.constant 64 : index
      %swap3A_51 = vector.load %arg2[%swap3A_49, %swap3A_50] : memref<10000x128xf32, #tpu.memory_space<vmem>>, vector<1x64xf32>
      tpu.vector_store %arg2[%swap3A_49, %swap3A_50], %slice3A_47 {strides = array<i32>} : memref<10000x128xf32, #tpu.memory_space<vmem>>, vector<1x64xf32>,
      scf.yield %mul3A_43, %add3A_41 : vector<1x128xf32>, vector<1x128xf32>
    }
    %scan3A_9 = arith.constant 10000 : i32
    return
  }
}

module attributes {stable_mosaic.version = 14 : i64} {
  func.func @_head_body(%arg0: memref<10000x128xf32, #tpu.memory_space<vmem>>, %arg1: memref<128x1xf32, #tpu.memory_space<vmem>>, %arg2: memref<1x1xf32, #tpu.memory_space<vmem>>, %arg3: memref<10000x1xf32, #tpu.memory_space<vmem>>) attributes {dimension_semantics = [], scalar_prefetch = 0 : i64, scratch_operands = 0 : i64, tpu.core_type = #tpu.core_type<tc>} {
    %get3A = arith.constant 0 : index
    %get3A_0 = arith.constant 0 : index
    %get3A_1 = vector.load %arg0[%get3A, %get3A_0] : memref<10000x128xf32, #tpu.memory_space<vmem>>, vector<10000x128xf32>
    %get3A_2 = arith.constant 0 : index
    %get3A_3 = arith.constant 0 : index
    %get3A_4 = vector.load %arg1[%get3A_2, %get3A_3] : memref<128x1xf32, #tpu.memory_space<vmem>>, vector<128x1xf32>
    %dot_general3A = arith.constant dense<0.000000e+00> : vector<10000x1xf32>
    %dot_general3A_5 = tpu.matmul %get3A_1, %get3A_4, %dot_general3A {dimension_numbers = #tpu.dot_dimension_numbers<[1], [0], [0], [1], [0, 0, 1, 1], [], []>, transpose_lhs_hint = false} : vector<10000x128xf32>, vector<128x1xf32>, vector<10000x1xf32> -> vector<10000x1xf32>
    %get3A_6 = arith.constant 0 : index
    %get3A_7 = arith.constant 0 : index
    %get3A_8 = vector.load %arg2[%get3A_6, %get3A_7] : memref<1x1xf32, #tpu.memory_space<vmem>>, vector<1x1xf32>
    %add3A = vector.broadcast %get3A_8 : vector<1x1xf32> to vector<10000x1xf32>
    %add3A_9 = arith.addf %dot_general3A_5, %add3A : vector<10000x1xf32>
    %logistic3A = arith.negf %add3A_9 : vector<10000x1xf32>
    %logistic3A_10 = math.exp %logistic3A : vector<10000x1xf32>
    %logistic3A_11 = arith.constant 1.000000e+00 : f32
    %logistic3A_12 = vector.broadcast %logistic3A_11 : f32 to vector<10000x1xf32>
    %logistic3A_13 = arith.addf %logistic3A_12, %logistic3A_10 : vector<10000x1xf32>
    %logistic3A_14 = arith.divf %logistic3A_12, %logistic3A_13 : vector<10000x1xf32>
    %swap3A = arith.constant 0 : index
    %swap3A_15 = arith.constant 0 : index
    %swap3A_16 = vector.load %arg3[%swap3A, %swap3A_15] : memref<10000x1xf32, #tpu.memory_space<vmem>>, vector<10000x1xf32>
    tpu.vector_store %arg3[%swap3A, %swap3A_15], %logistic3A_14 {strides = array<i32>} : memref<10000x1xf32, #tpu.memory_space<vmem>>, vector<10000x1xf32>,
    return
  }
}

</mosaic_0001>

<sc_bundles>
// kernel: kernel.11.cloned.1.call-start
scs
__scs_entry_jumppad:
0x0: {  	(pc) =	sbr.rel $0x88, $3  }
0x1: {  	(tag) =	ssettag $0x0;
	lr =	simm.s32 $0x1  }
0x2: {  	[smem:$0x3F90] =	sst lr;
	_ =	strace $0xD0000000  }
0x3: {  	_ = 	snop  }
0x4: {  	_ = 	snop  }
0x5: {  	_ = 	snop  }
0x6: {  	_ = 	snop  }
0x7: {  	_ = 	snop  }
__scs_overlays_trampoline_lowered:
0x8: {  	[smem:$0x3F9F] =	sst s0  }
0x9: {  	[smem:$0x3FA0] =	sst s1  }
0xa: {  	[smem:$0x3FA1] =	sst s2  }
0xb: {  	[smem:$0x3FA2] =	sst s3  }
0xc: {  	[smem:$0x3FA3] =	sst s4  }
0xd: {  	[smem:$0x3FA4] =	sst s5  }
0xe: {  	[smem:$0x3FA5] =	sst s6  }
0xf: {  	[smem:$0x3FA6] =	sst s7  }
0x10: {  	[smem:$0x3FA7] =	sst s8  }
0x11: {  	[smem:$0x3FA8] =	sst s9;
	s0 =	simm.s32 @!p0 $0x0  }
0x12: {  	s1 =	sld [smem:$0x3F8E];
	s0 =	simm.s32 @p0 $0x1  }
0x13: {  	[smem:$0x3FA9] =	sst s0;
	s0 =	simm.s32 @!p1 $0x0  }
0x14: {  	s2 =	sld [smem:$0x3F8D];
	s0 =	simm.s32 @p1 $0x1  }
0x15: {  	[smem:$0x3FAA] =	sst s0;
	s0 =	simm.s32 @!p2 $0x0  }
0x16: {  	s3 =	sld [smem:$0x3FDB];
	s0 =	simm.s32 @p2 $0x1  }
0x17: {  	s4 =	simm.s32 $0x1BF5;
	[smem:$0x3FAC] =	sst s0  }
0x18: {  	s0 =	sld [smem:$0x3F8F];
	_ =	swait.ge [sflag:s4], $0x0  }
0x19: {  	s7 =	sld [smem:$0x3F90]  }
0x1a: {  	s8 =	sadd.s32 $0xFFFFE003, lr  }
0x1b: {  	s9 =	sadd.s32 $0xFFFFFEF7, lr;
	s5 =	simm.s32 $0xFFFFFFFF;
	p2 =	slt.u32 s8, $0xFFFFF086  }
0x1c: {  	p1 =	slt.u32 s9, $0xF7A;
	s5 =	simm.s32 @!p2 $0x0  }
0x1d: {  	s5 =	simm.s32 @p1 $0x1;
	p0 =	seq.s32 s7, s2  }
0x1e: {  	s7 =	smul.u32 @!p0 $0xF7A, s2;
	p2 =	seq.s32 @!p0 s5, $0x0  }
0x1f: {  	s9 =	smul.u32 $0xF7A, s1;
	s8 =	simm.s32 @!p0 $0x1BF5;
	p2 =	por !p2, p0  }
0x20: {  	[sflag:s8] =	ssyncset.s32 @!p0 $0xFFFFF086;
	s6 =	sadd.s32 @!p0 s3, s7;
	s7 =	simm.s32 @!p0 $0x108  }
0x21: {  	s3 =	sadd.s32 s3, s9;
	s6 =	sadd.s32 @!p0 $0x88, s6;
	s7 =	simm.s32 @p2 $0x1082  }
0x22: {  	[simem:s7], [sflag:s8] =	dma.local @!p0 [hbm:s6], $0xF7A  }
0x23: {  	s9 =	sor.u32 $0xD0000000, s2;
	s6 =	simm.s32 $0x108;
	_ =	swait.ge @!p0 [sflag:s8], $0x0  }
0x24: {  	s3 =	sadd.s32 $0x88, s3;
	s6 =	simm.s32 @!p1 $0x1082;
	[sflag:s4] =	ssyncset.s32 $0xFFFFF086  }
0x25: {  	[simem:s6], [sflag:s4] =	dma.local [hbm:s3], $0xF7A  }
0x26: {  	[smem:$0x3F90] =	sst s1;
	(tag) =	ssettag s2;
	_ =	strace s9  }
0x27: {  	s1 =	sld [smem:$0x3FA0]  }
0x28: {  	s2 =	sld [smem:$0x3FA1]  }
0x29: {  	s4 =	sld [smem:$0x3FA3]  }
0x2a: {  	p0 =	seq.s32 s5, $0x0;
	s5 =	sld [smem:$0x3FA4]  }
0x2b: {  	s6 =	sld [smem:$0x3FA5]  }
0x2c: {  	s7 =	sld [smem:$0x3FA6]  }
0x2d: {  	s3 =	simm.s32 $0x108;
	s8 =	sld [smem:$0x3FA7]  }
0x2e: {  	s3 =	simm.s32 @!p0 $0x1082;
	s9 =	sld [smem:$0x3FA8]  }
0x2f: {  	lr =	sadd.s32 s0, s3;
	s0 =	sld [smem:$0x3F9F]  }
0x30: {  	s3 =	sld [smem:$0x3FA2]  }
0x31: {  	[smem:$0x3FAB] =	sst s10  }
0x32: {  	s10 =	sld [smem:$0x3FA9];
	_ =	sdelay $0x3  }
0x33: {  	p0 =	seq.s32 s10, $0x1;
	s10 =	sld [smem:$0x3FAB];
	_ =	sdelay $0x3  }
0x34: {  	[smem:$0x3FAB] =	sst s10  }
0x35: {  	s10 =	sld [smem:$0x3FAA];
	_ =	sdelay $0x3  }
0x36: {  	p1 =	seq.s32 s10, $0x1;
	s10 =	sld [smem:$0x3FAB];
	_ =	sdelay $0x3  }
0x37: {  	[smem:$0x3FAB] =	sst s10  }
0x38: {  	s10 =	sld [smem:$0x3FAC]  }
0x39: {  	_ = 	snop;
	(pc) =	sbr.ind lr, $3  }
0x3a: {  	_ = 	snop  }
0x3b: {  	_ = 	snop  }
0x3c: {  	p2 =	seq.s32 s10, $0x1;
	s10 =	sld [smem:$0x3FAB]  }
0x3d: {  	_ =	shalt  }
0x3e: {  	_ =	shalt  }
0x3f: {  	_ =	shalt  }
0x40: {  	_ =	shalt  }
0x41: {  	_ =	shalt  }
0x42: {  	_ =	shalt  }
0x43: {  	_ =	shalt  }
0x44: {  	_ =	shalt  }
0x45: {  	_ =	shalt  }
0x46: {  	_ =	shalt  }
0x47: {  	_ =	shalt  }
0x48: {  	_ =	shalt  }
0x49: {  	_ =	shalt  }
0x4a: {  	_ =	shalt  }
0x4b: {  	_ =	shalt  }
0x4c: {  	_ =	shalt  }
0x4d: {  	_ =	shalt  }
0x4e: {  	_ =	shalt  }
0x4f: {  	_ =	shalt  }
0x50: {  	_ =	shalt  }
0x51: {  	_ =	shalt  }
0x52: {  	_ =	shalt  }
0x53: {  	_ =	shalt  }
0x54: {  	_ =	shalt  }
0x55: {  	_ =	shalt  }
0x56: {  	_ =	shalt  }
0x57: {  	_ =	shalt  }
0x58: {  	_ =	shalt  }
0x59: {  	_ =	shalt  }
0x5a: {  	_ =	shalt  }
0x5b: {  	_ =	shalt  }
0x5c: {  	_ =	shalt  }
0x5d: {  	_ =	shalt  }
0x5e: {  	_ =	shalt  }
0x5f: {  	_ =	shalt  }
0x60: {  	_ =	shalt  }
0x61: {  	_ =	shalt  }
0x62: {  	_ =	shalt  }
0x63: {  	_ =	shalt  }
0x64: {  	_ =	shalt  }
0x65: {  	_ =	shalt  }
0x66: {  	_ =	shalt  }
0x67: {  	_ =	shalt  }
0x68: {  	_ =	shalt  }
0x69: {  	_ =	shalt  }
0x6a: {  	_ =	shalt  }
0x6b: {  	_ =	shalt  }
0x6c: {  	_ =	shalt  }
0x6d: {  	_ =	shalt  }
0x6e: {  	_ =	shalt  }
0x6f: {  	_ =	shalt  }
0x70: {  	_ =	shalt  }
0x71: {  	_ =	shalt  }
0x72: {  	_ =	shalt  }
0x73: {  	_ =	shalt  }
0x74: {  	_ =	shalt  }
0x75: {  	_ =	shalt  }
0x76: {  	_ =	shalt  }
0x77: {  	_ =	shalt  }
0x78: {  	_ =	shalt  }
0x79: {  	_ =	shalt  }
0x7a: {  	_ =	shalt  }
0x7b: {  	_ =	shalt  }
0x7c: {  	_ =	shalt  }
0x7d: {  	_ =	shalt  }
0x7e: {  	_ =	shalt  }
0x7f: {  	_ =	shalt  }
0x80: {  	_ =	shalt  }
0x81: {  	_ =	shalt  }
0x82: {  	_ =	shalt  }
0x83: {  	_ =	shalt  }
0x84: {  	_ =	shalt  }
0x85: {  	_ =	shalt  }
0x86: {  	_ =	shalt  }
0x87: {  	_ =	shalt  }
.Lfunc_end0:
.L_simem_size_0:
called_computation_lowered:
.L_overlay_start_0:
0x88: {  	s2 =	sld [smem:$0x3FD9]  }
0x89: {  	s3 =	sld [smem:$0x3FFE];
	_ =	sdelay $0x1  }
0x8a: {  	s1 =	srdreg.scid  }
0x8b: {  	s0 =	sand.u32 $0x1, s1  }
0x8c: {  	s17 =	sshll.u32 s0, $0xA;
	s2 =	sadd.s32 s3, s2  }
0x8d: {  	s2 =	sadd.s32 s2, s17  }
0x8e: {  	[smem:$0x3FB7] =	sst s2  }
0x8f: {  	_ = 	snop  }
0x90: {  	s2 =	sld [smem:$0x3FC7];
	(tm) =	ssettm $0x1  }
0x91: {  	s18 =	sld [smem:$0x3FFB];
	_ =	sdelay $0x3  }
0x92: {  	_ =	strace s18  }
0x93: {  	s3 =	sld [smem:$0x3FFC];
	_ =	sdelay $0x3  }
0x94: {  	_ =	strace s3  }
0x95: {  	s3 =	sld [smem:$0x3FFD];
	_ =	sdelay $0x3  }
0x96: {  	_ =	strace s3  }
0x97: {  	_ =	strace $0x8FFFFFFF  }
0x98: {  	s19 =	sld [smem:$0x3FDB];
	_ =	sdelay $0x1  }
0x99: {  	s4 =	simm.s32 $_scs_section_size  }
0x9a: {  	s5 =	simm.s32 $_size__tile_overlayer_lowered;
	s6 =	simm.s32 $_tile_overlayer_lowered  }
0x9b: {  	s22 =	simm.s32 $0x1BFF;
	s21 =	sshll.u32 s6, $0x1;
	s3 =	sadd.s32 s4, s19  }
0x9c: {  	s7 =	simm.s32 $0x0;
	s20 =	sshll.u32 s5, $0x1;
	s5 =	sadd.s32 s21, s3  }
0x9d: {  	[timem:s7], [sflag:s22] =	dma.local [hbm:s5], s20  }
0x9e: {  	_ =	swait.ge [sflag:s22], s20  }
0x9f: {  	s4 =	ssub.s32 $0x0, s20;
	[sflag:s22] =	ssyncset.done $0x0  }
0xa0: {  	[sflag:s22] =	ssyncadd.s32 s4;
	_ =	sdelay $0x1  }
0xa1: {  	s23 =	simm.s32 $0x1B8B  }
0xa2: {  	_ =	swait.ge [sflag:s23], $0x1  }
0xa3: {  	[sflag:s23] =	ssyncset.done $0x0  }
0xa4: {  	s25 =	simm.s32 $0x1B8E;
	s24 =	sld [smem:$0x3FFE];
	[sflag:s23] =	ssyncadd.s32 $0xFFFFFFFF  }
0xa5: {  	s26 =	simm.s32 $execute0_lowered;
	[smem:$0x3FD2] =	sst s25  }
0xa6: {  	s5 =	sshll.u32 s26, $0x1;
	_ =	strace $0x80000046;
	[dreg:$0x1] =	wrdreg $0xFFFFFFFF  }
0xa7: {  	s28 =	simm.s32 $_size_execute0_lowered;
	s3 =	sadd.s32 s3, s5;
	[dreg:$0x0] =	wrdreg $0x0  }
0xa8: {  	s5 =	sshll.u32 s28, $0x1;
	[dreg:$0x2] =	wrdreg s3  }
0xa9: {  	[dreg:$0x3] =	wrdreg s5  }
0xaa: {  	[dreg:$0x4] =	wrdreg $0xC0  }
0xab: {  	_ =	task [dreg:s7], $0x5FFFF  }
0xac: {  	[dreg:$0x1] =	wrdreg $0xFFFFFFFF  }
0xad: {  	[dreg:$0x0] =	wrdreg $0x60  }
0xae: {  	[dreg:$0x2] =	wrdreg s24  }
0xaf: {  	[dreg:$0x3] =	wrdreg s2  }
0xb0: {  	[dreg:$0x4] =	wrdreg $0x3D000  }
0xb1: {  	[dreg:$0x5] =	wrdreg $0x9  }
0xb2: {  	_ =	task.clear_ibuf [dreg:s7], $0x6FFFF;
	_ =	strace $0x90000046  }
0xb3: {  	s29 =	simm.s32 $0x9;
	_ =	strace $0x80000048  }
0xb4: {  	_ =	swait.ge [sflag:s29], $0x1  }
0xb5: {  	[sflag:s29] =	ssyncadd.s32 $0xFFFFFFFF  }
0xb6: {  	_ =	strace $0x90000048  }
0xb7: {  	_ =	sfence  }
0xb8: {  	s30 =	sld [smem:$0x0];
	_ =	sdelay $0x2  }
0xb9: {  	s31 =	sshll.u32 s1, $0xD;
	s1 =	sshrl.u32 s1, $0x2  }
0xba: {  	s3 =	sand.u32 $0x4000, s31;
	s1 =	sadd.s32 s1, s30  }
0xbb: {  	s0 =	sor.u32 s3, s0;
	s1 =	sshll.u32 s1, $0x11  }
0xbc: {  	s0 =	sor.u32 s1, s0  }
0xbd: {  	s0 =	sadd.s32 $0x8F2B, s0  }
0xbe: {  	[sflag:s0] =	ssyncadd.remote.s32 $0x1  }
0xbf: {  	_ =	sfence.sel $0xFFFF  }
0xc0: {  	[dreg:$0x0] =	wrdreg $0xFFFFFFFF;
	(pc) =	sbr.abs _section_cstart, $3  }
0xc1: {  	[dreg:$0x1] =	wrdreg $0xFFFFFFFF  }
0xc2: {  	_ =	task.clear_ibuf [dreg:s7], $0x2FFFF;
	_ =	strace $0x9FFFFFFF  }
0xc3: {  	(tm) =	ssettm $0x7FFFFFFF  }
tec
execute0_lowered:
.L_overlay_start_1:
0x0: {  	(tag) =	ssettag $0x1  }
0x1: {  	s0 =	rddreg [dreg:$0x0]  }
0x2: {  	s1 =	rddreg [dreg:$0x1]  }
0x3: {  	s2 =	rddreg [dreg:$0x2];
	s3 =	simm.s32 $0x0;
	s4 =	srdreg.scid  }
0x4: {  	s11 =	stileid.u32;
	s28 =	simm.s32 $0x1000;
	s29 =	simm.s32 $0x80  }
0x5: {  	s30 =	simm.s32 $0x400;
	s31 =	simm.s32 $0x3800;
	[smem:$0x7FF] =	sst s3  }
0x6: {  	s5 =	sand.u32 $0x1, s4;
	s6 =	smul.u32 $0x500, s11;
	s4 =	sadd.s32 $0xE200, s0  }
0x7: {  	s20 =	sshrl.u32 s11, $0x3;
	s10 =	smul.u32 $0x5000, s11;
	s22 =	sshll.u32 s11, $0x7  }
0x8: {  	_ =	strace $0x80000047;
	s7 =	sshll.u32 s5, $0x7;
	s8 =	ssub.s32 $0x2, s5  }
0x9: {  	s5 =	sshll.u32 s5, $0x4;
	s24 =	sand.u32 $0x380, s22;
	s6 =	sor.u32 s7, s6  }
0xa: {  	s7 =	smul.u32 $0x50000, s20;
	s9 =	sshrl.u32 s8, $0x1;
	s21 =	sor.u32 s11, s5  }
0xb: {  	s23 =	sshrl.u32 s10, $0x2;
	s6 =	sshrl.u32 s6, $0x3;
	s8 =	ssub.s32 s8, s9  }
0xc: {  	s5 =	sadd.s32 s23, s2;
	s0 =	sadd.s32 s6, s0;
	s7 =	sshrl.u32 s7, $0x2  }
0xd: {  	s6 =	smul.u32 $0x2710, s21;
	s26 =	sadd.s32 $0x80, s5;
	s9 =	sadd.s32 $0x100, s5  }
0xe: {  	s10 =	sadd.s32 $0x180, s5;
	s11 =	sadd.s32 $0x200, s5;
	s12 =	sadd.s32 $0x280, s5  }
0xf: {  	s13 =	sadd.s32 $0x300, s5;
	s14 =	sadd.s32 $0x380, s5;
	s15 =	sadd.s32 $0x14000, s5  }
0x10: {  	s16 =	sadd.s32 $0x14080, s5;
	s17 =	sadd.s32 $0x14100, s5;
	s18 =	sadd.s32 $0x14180, s5  }
0x11: {  	s19 =	sadd.s32 $0x14200, s5;
	s20 =	sadd.s32 $0x14280, s5;
	s21 =	sadd.s32 $0x14300, s5  }
0x12: {  	s22 =	sadd.s32 $0x14380, s5;
	s7 =	sadd.s32 s7, s2;
	[dreg:$0x5] =	wrdreg s26  }
0x13: {  	s23 =	sadd.s32 $0x18000, s0;
	s26 =	simm.s32 $0x800;
	s25 =	sadd.s32 s24, s7  }
0x14: {  	v0 =	vimm.f32 $0.0e+00;
	s24 =	smax.u32 s8, $0x1;
	[dreg:$0x4] =	wrdreg s25;
	s25 =	simm.s32 $0x1  }
.LBB2_1:
0x15: {  	s0 =	simm.s32 $0x40;
	s2 =	simm.s32 $0x0  }
.LBB2_2:
0x16: {  	p0 =	sne.s32 s0, $0x9FC0;
	[tilespmem:s2+$0x1000] =	vst v0;
	s2 =	smov.u32 s0;
	s0 =	sadd.s32 $0x40, s0  }
.Ltmp0:
0x17: {  	(pc) =	sbr.rel @p0 .LBB2_2-.Ltmp0, $2  }
0x18: {  	_ =	sdelay $0x2  }
0x19: {  	s2 =	sshra.s32 s2, $0x2  }
0x1a: {  	[tilespmem:s2+$0x1000] =	vst v0;
	s0 =	simm.s32 $0x0;
	s2 =	simm.s32 $0x0  }
.LBB2_4:
0x1b: {  	s7 =	smul.u32 $0x7D0, s2;
	_ =	sdelay $0x1  }
0x1c: {  	s7 =	sadd.s32 s6, s7  }
0x1d: {  	s7 =	sshrl.u32 s7, $0x3  }
0x1e: {  	s8 =	sadd.s32 s4, s7  }
0x1f: {  	[tilespmem:s0], [sflag:$0x1] =	stream.linear.gather [hbm4b:s8+s0], $0x7D0, $0x38;
	[tilespmem:$0x6500] =	vst v63  }
0x20: {  	_ =	swait.ge [sflag:s25], $0x7D0  }
0x21: {  	[sflag:s25] =	ssyncset.done $0x0  }
0x22: {  	s7 =	sadd.s32 s1, s7;
	[sflag:s25] =	ssyncadd.s32 $0xFFFFF830  }
0x23: {  	[tilespmem:s26], [sflag:$0x1] =	stream.linear.gather [hbm4b:s7+s0], $0x7D0, $0x38;
	[tilespmem:$0x6500] =	vst v63  }
0x24: {  	_ =	swait.ge [sflag:s25], $0x7D0  }
0x25: {  	[sflag:s25] =	ssyncset.done $0x0  }
0x26: {  	s8 =	simm.s32 $0x0;
	s7 =	simm.s32 $0x40;
	[sflag:s25] =	ssyncadd.s32 $0xFFFFF830  }
.LBB2_5:
0x27: {  	p0 =	sne.s32 s7, $0x1F00;
	v1 =	vld [tilespmem:s8+$0x0];
	_ =	sdelay $0x2  }
0x28: {  	v2 =	vld [tilespmem:s8+$0x800]  }
.Ltmp1:
0x29: {  	(pc) =	sbr.rel @p0 .LBB2_5-.Ltmp1, $2  }
0x2a: {  	_ =	sdelay $0x2  }
0x2b: {  	s8 =	sshra.s32 s7, $0x2;
	s7 =	sadd.s32 $0x40, s7;
	[tilespmem:v1+s28+$0x0] =	vst.idx.add.f32.msk $0xffff, v2  }
0x2c: {  	v1 =	vld [tilespmem:s8+$0x0];
	_ =	sdelay $0x1  }
0x2d: {  	s2 =	sadd.s32 $0x1, s2  }
0x2e: {  	v2 =	vld [tilespmem:s8+$0x800];
	p0 =	sne.s32 s2, $0x5  }
.Ltmp2:
0x2f: {  	_ = 	snop;
	(pc) =	sbr.rel @p0 .LBB2_4-.Ltmp2, $2  }
0x30: {  	_ =	sdelay $0x2  }
0x31: {  	[tilespmem:v1+s28+$0x0] =	vst.idx.add.f32.msk $0xffff, v2  }
0x32: {  	s0 =	rddreg [dreg:$0x4]  }
0x33: {  	[spmem:s0] =	stream.strided.scatter [tilespmem:s28], [sflag:$0x1], $0x2800, s30, s29, $0x38;
	[tilespmem:$0x6500] =	vst v63  }
0x34: {  	_ =	swait.ge [sflag:s25], $0x2800  }
0x35: {  	[sflag:s25] =	ssyncset.done $0x0  }
0x36: {  	[sflag:s25] =	ssyncadd.s32 $0xFFFFD800  }
0x37: {  	[bflag:$0x0] =	sbarrier.arrive $0xFFFF  }
0x38: {  	[tilespmem:$0x3A80] =	vst v0  }
0x39: {  	[tilespmem:$0x3A90] =	vst v0  }
0x3a: {  	[tilespmem:$0x3AA0] =	vst v0  }
0x3b: {  	[tilespmem:$0x3AB0] =	vst v0  }
0x3c: {  	[tilespmem:$0x3AC0] =	vst v0  }
0x3d: {  	[tilespmem:$0x3AD0] =	vst v0  }
0x3e: {  	[tilespmem:$0x3AE0] =	vst v0  }
0x3f: {  	[tilespmem:$0x3AF0] =	vst v0  }
0x40: {  	[tilespmem:$0x3B00] =	vst v0  }
0x41: {  	[tilespmem:$0x3B10] =	vst v0  }
0x42: {  	[tilespmem:$0x3B20] =	vst v0  }
0x43: {  	[tilespmem:$0x3B30] =	vst v0  }
0x44: {  	[tilespmem:$0x3B40] =	vst v0  }
0x45: {  	[tilespmem:$0x3B50] =	vst v0  }
0x46: {  	[tilespmem:$0x3B60] =	vst v0  }
0x47: {  	[tilespmem:$0x3B70] =	vst v0  }
0x48: {  	[tilespmem:$0x3B80] =	vst v0  }
0x49: {  	[tilespmem:$0x3B90] =	vst v0  }
0x4a: {  	[tilespmem:$0x3BA0] =	vst v0  }
0x4b: {  	[tilespmem:$0x3BB0] =	vst v0  }
0x4c: {  	[tilespmem:$0x3BC0] =	vst v0  }
0x4d: {  	[tilespmem:$0x3BD0] =	vst v0  }
0x4e: {  	[tilespmem:$0x3BE0] =	vst v0  }
0x4f: {  	[tilespmem:$0x3BF0] =	vst v0  }
0x50: {  	[tilespmem:$0x3C00] =	vst v0  }
0x51: {  	[tilespmem:$0x3C10] =	vst v0  }
0x52: {  	[tilespmem:$0x3C20] =	vst v0  }
0x53: {  	[tilespmem:$0x3C30] =	vst v0  }
0x54: {  	[tilespmem:$0x3C40] =	vst v0  }
0x55: {  	[tilespmem:$0x3C50] =	vst v0  }
0x56: {  	[tilespmem:$0x3C60] =	vst v0  }
0x57: {  	[tilespmem:$0x3C70] =	vst v0  }
0x58: {  	[tilespmem:$0x3C80] =	vst v0  }
0x59: {  	[tilespmem:$0x3C90] =	vst v0  }
0x5a: {  	[tilespmem:$0x3CA0] =	vst v0  }
0x5b: {  	[tilespmem:$0x3CB0] =	vst v0  }
0x5c: {  	[tilespmem:$0x3CC0] =	vst v0  }
0x5d: {  	[tilespmem:$0x3CD0] =	vst v0  }
0x5e: {  	[tilespmem:$0x3CE0] =	vst v0  }
0x5f: {  	[tilespmem:$0x3CF0] =	vst v0  }
0x60: {  	[tilespmem:s31], [sflag:$0x1] =	stream.strided.gather [spmem:s5], $0x280, s30, s29, $0x38;
	[tilespmem:$0x6500] =	vst v63  }
0x61: {  	_ =	swait.ge [sflag:s25], $0x280  }
0x62: {  	[sflag:s25] =	ssyncset.done $0x0  }
0x63: {  	s0 =	simm.s32 $0x0;
	[sflag:s25] =	ssyncadd.s32 $0xFFFFFD80  }
0x64: {  	s2 =	simm.s32 $0x40;
	v1 =	vld [tilespmem:s0+$0x3800]  }
.LBB2_8:
0x65: {  	p0 =	sne.s32 s2, $0x9C0;
	v2 =	vld [tilespmem:s0+$0x3A80];
	_ =	sdelay $0x2  }
.Ltmp3:
0x66: {  	(pc) =	sbr.rel @p0 .LBB2_8-.Ltmp3, $4  }
0x67: {  	_ = 	snop  }
0x68: {  	v2 =	vadd.f32 v1, v2  }
0x69: {  	s7 =	sshra.s32 s2, $0x2  }
0x6a: {  	s2 =	sadd.s32 $0x40, s2;
	v1 =	vld [tilespmem:s7+$0x3800];
	[tilespmem:s0+$0x3A80] =	vst v2;
	s0 =	smov.u32 s7  }
0x6b: {  	v2 =	vld [tilespmem:s0+$0x3A80];
	_ =	sdelay $0x4  }
0x6c: {  	v1 =	vadd.f32 v1, v2;
	_ =	sdelay $0x1  }
0x6d: {  	s8 =	rddreg [dreg:$0x5];
	[tilespmem:s0+$0x3A80] =	vst v1  }
0x6e: {  	[tilespmem:s31], [sflag:$0x1] =	stream.strided.gather [spmem:s8], $0x280, s30, s29, $0x38;
	[tilespmem:$0x6500] =	vst v63  }
0x6f: {  	_ =	swait.ge [sflag:s25], $0x280  }
0x70: {  	[sflag:s25] =	ssyncset.done $0x0  }
0x71: {  	s0 =	simm.s32 $0x0;
	[sflag:s25] =	ssyncadd.s32 $0xFFFFFD80  }
0x72: {  	s2 =	simm.s32 $0x40;
	v1 =	vld [tilespmem:s0+$0x3800]  }
.LBB2_10:
0x73: {  	p0 =	sne.s32 s2, $0x9C0;
	v2 =	vld [tilespmem:s0+$0x3A80];
	_ =	sdelay $0x2  }
.Ltmp4:
0x74: {  	(pc) =	sbr.rel @p0 .LBB2_10-.Ltmp4, $4  }
0x75: {  	_ = 	snop  }
0x76: {  	v2 =	vadd.f32 v1, v2  }
0x77: {  	s7 =	sshra.s32 s2, $0x2  }
0x78: {  	s2 =	sadd.s32 $0x40, s2;
	v1 =	vld [tilespmem:s7+$0x3800];
	[tilespmem:s0+$0x3A80] =	vst v2;
	s0 =	smov.u32 s7  }
0x79: {  	v2 =	vld [tilespmem:s0+$0x3A80];
	_ =	sdelay $0x4  }
0x7a: {  	v1 =	vadd.f32 v1, v2;
	_ =	sdelay $0x1  }
0x7b: {  	[tilespmem:s0+$0x3A80] =	vst v1  }
0x7c: {  	[tilespmem:s31], [sflag:$0x1] =	stream.strided.gather [spmem:s9], $0x280, s30, s29, $0x38;
	[tilespmem:$0x6500] =	vst v63  }
0x7d: {  	_ =	swait.ge [sflag:s25], $0x280  }
0x7e: {  	[sflag:s25] =	ssyncset.done $0x0  }
0x7f: {  	s0 =	simm.s32 $0x0;
	[sflag:s25] =	ssyncadd.s32 $0xFFFFFD80  }
0x80: {  	s2 =	simm.s32 $0x40;
	v1 =	vld [tilespmem:s0+$0x3800]  }
.LBB2_12:
0x81: {  	p0 =	sne.s32 s2, $0x9C0;
	v2 =	vld [tilespmem:s0+$0x3A80];
	_ =	sdelay $0x2  }
.Ltmp5:
0x82: {  	(pc) =	sbr.rel @p0 .LBB2_12-.Ltmp5, $4  }
0x83: {  	_ = 	snop  }
0x84: {  	v2 =	vadd.f32 v1, v2  }
0x85: {  	s7 =	sshra.s32 s2, $0x2  }
0x86: {  	s2 =	sadd.s32 $0x40, s2;
	v1 =	vld [tilespmem:s7+$0x3800];
	[tilespmem:s0+$0x3A80] =	vst v2;
	s0 =	smov.u32 s7  }
0x87: {  	v2 =	vld [tilespmem:s0+$0x3A80];
	_ =	sdelay $0x4  }
0x88: {  	v1 =	vadd.f32 v1, v2;
	_ =	sdelay $0x1  }
0x89: {  	[tilespmem:s0+$0x3A80] =	vst v1  }
0x8a: {  	[tilespmem:s31], [sflag:$0x1] =	stream.strided.gather [spmem:s10], $0x280, s30, s29, $0x38;
	[tilespmem:$0x6500] =	vst v63  }
0x8b: {  	_ =	swait.ge [sflag:s25], $0x280  }
0x8c: {  	[sflag:s25] =	ssyncset.done $0x0  }
0x8d: {  	s0 =	simm.s32 $0x0;
	[sflag:s25] =	ssyncadd.s32 $0xFFFFFD80  }
0x8e: {  	s2 =	simm.s32 $0x40;
	v1 =	vld [tilespmem:s0+$0x3800]  }
.LBB2_14:
0x8f: {  	p0 =	sne.s32 s2, $0x9C0;
	v2 =	vld [tilespmem:s0+$0x3A80];
	_ =	sdelay $0x2  }
.Ltmp6:
0x90: {  	(pc) =	sbr.rel @p0 .LBB2_14-.Ltmp6, $4  }
0x91: {  	_ = 	snop  }
0x92: {  	v2 =	vadd.f32 v1, v2  }
0x93: {  	s7 =	sshra.s32 s2, $0x2  }
0x94: {  	s2 =	sadd.s32 $0x40, s2;
	v1 =	vld [tilespmem:s7+$0x3800];
	[tilespmem:s0+$0x3A80] =	vst v2;
	s0 =	smov.u32 s7  }
0x95: {  	v2 =	vld [tilespmem:s0+$0x3A80];
	_ =	sdelay $0x4  }
0x96: {  	v1 =	vadd.f32 v1, v2;
	_ =	sdelay $0x1  }
0x97: {  	[tilespmem:s0+$0x3A80] =	vst v1  }
0x98: {  	[tilespmem:s31], [sflag:$0x1] =	stream.strided.gather [spmem:s11], $0x280, s30, s29, $0x38;
	[tilespmem:$0x6500] =	vst v63  }
0x99: {  	_ =	swait.ge [sflag:s25], $0x280  }
0x9a: {  	[sflag:s25] =	ssyncset.done $0x0  }
0x9b: {  	s0 =	simm.s32 $0x0;
	[sflag:s25] =	ssyncadd.s32 $0xFFFFFD80  }
0x9c: {  	s2 =	simm.s32 $0x40;
	v1 =	vld [tilespmem:s0+$0x3800]  }
.LBB2_16:
0x9d: {  	p0 =	sne.s32 s2, $0x9C0;
	v2 =	vld [tilespmem:s0+$0x3A80];
	_ =	sdelay $0x2  }
.Ltmp7:
0x9e: {  	(pc) =	sbr.rel @p0 .LBB2_16-.Ltmp7, $4  }
0x9f: {  	_ = 	snop  }
0xa0: {  	v2 =	vadd.f32 v1, v2  }
0xa1: {  	s7 =	sshra.s32 s2, $0x2  }
0xa2: {  	s2 =	sadd.s32 $0x40, s2;
	v1 =	vld [tilespmem:s7+$0x3800];
	[tilespmem:s0+$0x3A80] =	vst v2;
	s0 =	smov.u32 s7  }
0xa3: {  	v2 =	vld [tilespmem:s0+$0x3A80];
	_ =	sdelay $0x4  }
0xa4: {  	v1 =	vadd.f32 v1, v2;
	_ =	sdelay $0x1  }
0xa5: {  	[tilespmem:s0+$0x3A80] =	vst v1  }
0xa6: {  	[tilespmem:s31], [sflag:$0x1] =	stream.strided.gather [spmem:s12], $0x280, s30, s29, $0x38;
	[tilespmem:$0x6500] =	vst v63  }
0xa7: {  	_ =	swait.ge [sflag:s25], $0x280  }
0xa8: {  	[sflag:s25] =	ssyncset.done $0x0  }
0xa9: {  	s0 =	simm.s32 $0x0;
	[sflag:s25] =	ssyncadd.s32 $0xFFFFFD80  }
0xaa: {  	s2 =	simm.s32 $0x40;
	v1 =	vld [tilespmem:s0+$0x3800]  }
.LBB2_18:
0xab: {  	p0 =	sne.s32 s2, $0x9C0;
	v2 =	vld [tilespmem:s0+$0x3A80];
	_ =	sdelay $0x2  }
.Ltmp8:
0xac: {  	(pc) =	sbr.rel @p0 .LBB2_18-.Ltmp8, $4  }
0xad: {  	_ = 	snop  }
0xae: {  	v2 =	vadd.f32 v1, v2  }
0xaf: {  	s7 =	sshra.s32 s2, $0x2  }
0xb0: {  	s2 =	sadd.s32 $0x40, s2;
	v1 =	vld [tilespmem:s7+$0x3800];
	[tilespmem:s0+$0x3A80] =	vst v2;
	s0 =	smov.u32 s7  }
0xb1: {  	v2 =	vld [tilespmem:s0+$0x3A80];
	_ =	sdelay $0x4  }
0xb2: {  	v1 =	vadd.f32 v1, v2;
	_ =	sdelay $0x1  }
0xb3: {  	[tilespmem:s0+$0x3A80] =	vst v1  }
0xb4: {  	[tilespmem:s31], [sflag:$0x1] =	stream.strided.gather [spmem:s13], $0x280, s30, s29, $0x38;
	[tilespmem:$0x6500] =	vst v63  }
0xb5: {  	_ =	swait.ge [sflag:s25], $0x280  }
0xb6: {  	[sflag:s25] =	ssyncset.done $0x0  }
0xb7: {  	s0 =	simm.s32 $0x0;
	[sflag:s25] =	ssyncadd.s32 $0xFFFFFD80  }
0xb8: {  	s2 =	simm.s32 $0x40;
	v1 =	vld [tilespmem:s0+$0x3800]  }
.LBB2_20:
0xb9: {  	p0 =	sne.s32 s2, $0x9C0;
	v2 =	vld [tilespmem:s0+$0x3A80];
	_ =	sdelay $0x2  }
.Ltmp9:
0xba: {  	(pc) =	sbr.rel @p0 .LBB2_20-.Ltmp9, $4  }
0xbb: {  	_ = 	snop  }
0xbc: {  	v2 =	vadd.f32 v1, v2  }
0xbd: {  	s7 =	sshra.s32 s2, $0x2  }
0xbe: {  	s2 =	sadd.s32 $0x40, s2;
	v1 =	vld [tilespmem:s7+$0x3800];
	[tilespmem:s0+$0x3A80] =	vst v2;
	s0 =	smov.u32 s7  }
0xbf: {  	v2 =	vld [tilespmem:s0+$0x3A80];
	_ =	sdelay $0x4  }
0xc0: {  	v1 =	vadd.f32 v1, v2;
	_ =	sdelay $0x1  }
0xc1: {  	[tilespmem:s0+$0x3A80] =	vst v1  }
0xc2: {  	[tilespmem:s31], [sflag:$0x1] =	stream.strided.gather [spmem:s14], $0x280, s30, s29, $0x38;
	[tilespmem:$0x6500] =	vst v63  }
0xc3: {  	_ =	swait.ge [sflag:s25], $0x280  }
0xc4: {  	[sflag:s25] =	ssyncset.done $0x0  }
0xc5: {  	s0 =	simm.s32 $0x0;
	[sflag:s25] =	ssyncadd.s32 $0xFFFFFD80  }
0xc6: {  	s2 =	simm.s32 $0x40;
	v1 =	vld [tilespmem:s0+$0x3800]  }
.LBB2_22:
0xc7: {  	p0 =	sne.s32 s2, $0x9C0;
	v2 =	vld [tilespmem:s0+$0x3A80];
	_ =	sdelay $0x2  }
.Ltmp10:
0xc8: {  	(pc) =	sbr.rel @p0 .LBB2_22-.Ltmp10, $4  }
0xc9: {  	_ = 	snop  }
0xca: {  	v2 =	vadd.f32 v1, v2  }
0xcb: {  	s7 =	sshra.s32 s2, $0x2  }
0xcc: {  	s2 =	sadd.s32 $0x40, s2;
	v1 =	vld [tilespmem:s7+$0x3800];
	[tilespmem:s0+$0x3A80] =	vst v2;
	s0 =	smov.u32 s7  }
0xcd: {  	v2 =	vld [tilespmem:s0+$0x3A80];
	_ =	sdelay $0x4  }
0xce: {  	v1 =	vadd.f32 v1, v2;
	_ =	sdelay $0x1  }
0xcf: {  	[tilespmem:s0+$0x3A80] =	vst v1  }
0xd0: {  	[tilespmem:s31], [sflag:$0x1] =	stream.strided.gather [spmem:s15], $0x280, s30, s29, $0x38;
	[tilespmem:$0x6500] =	vst v63  }
0xd1: {  	_ =	swait.ge [sflag:s25], $0x280  }
0xd2: {  	[sflag:s25] =	ssyncset.done $0x0  }
0xd3: {  	s0 =	simm.s32 $0x0;
	[sflag:s25] =	ssyncadd.s32 $0xFFFFFD80  }
0xd4: {  	s2 =	simm.s32 $0x40;
	v1 =	vld [tilespmem:s0+$0x3800]  }
.LBB2_24:
0xd5: {  	p0 =	sne.s32 s2, $0x9C0;
	v2 =	vld [tilespmem:s0+$0x3A80];
	_ =	sdelay $0x2  }
.Ltmp11:
0xd6: {  	(pc) =	sbr.rel @p0 .LBB2_24-.Ltmp11, $4  }
0xd7: {  	_ = 	snop  }
0xd8: {  	v2 =	vadd.f32 v1, v2  }
0xd9: {  	s7 =	sshra.s32 s2, $0x2  }
0xda: {  	s2 =	sadd.s32 $0x40, s2;
	v1 =	vld [tilespmem:s7+$0x3800];
	[tilespmem:s0+$0x3A80] =	vst v2;
	s0 =	smov.u32 s7  }
0xdb: {  	v2 =	vld [tilespmem:s0+$0x3A80];
	_ =	sdelay $0x4  }
0xdc: {  	v1 =	vadd.f32 v1, v2;
	_ =	sdelay $0x1  }
0xdd: {  	[tilespmem:s0+$0x3A80] =	vst v1  }
0xde: {  	[tilespmem:s31], [sflag:$0x1] =	stream.strided.gather [spmem:s16], $0x280, s30, s29, $0x38;
	[tilespmem:$0x6500] =	vst v63  }
0xdf: {  	_ =	swait.ge [sflag:s25], $0x280  }
0xe0: {  	[sflag:s25] =	ssyncset.done $0x0  }
0xe1: {  	s0 =	simm.s32 $0x0;
	[sflag:s25] =	ssyncadd.s32 $0xFFFFFD80  }
0xe2: {  	s2 =	simm.s32 $0x40;
	v1 =	vld [tilespmem:s0+$0x3800]  }
.LBB2_26:
0xe3: {  	p0 =	sne.s32 s2, $0x9C0;
	v2 =	vld [tilespmem:s0+$0x3A80];
	_ =	sdelay $0x2  }
.Ltmp12:
0xe4: {  	(pc) =	sbr.rel @p0 .LBB2_26-.Ltmp12, $4  }
0xe5: {  	_ = 	snop  }
0xe6: {  	v2 =	vadd.f32 v1, v2  }
0xe7: {  	s7 =	sshra.s32 s2, $0x2  }
0xe8: {  	s2 =	sadd.s32 $0x40, s2;
	v1 =	vld [tilespmem:s7+$0x3800];
	[tilespmem:s0+$0x3A80] =	vst v2;
	s0 =	smov.u32 s7  }
0xe9: {  	v2 =	vld [tilespmem:s0+$0x3A80];
	_ =	sdelay $0x4  }
0xea: {  	v1 =	vadd.f32 v1, v2;
	_ =	sdelay $0x1  }
0xeb: {  	[tilespmem:s0+$0x3A80] =	vst v1  }
0xec: {  	[tilespmem:s31], [sflag:$0x1] =	stream.strided.gather [spmem:s17], $0x280, s30, s29, $0x38;
	[tilespmem:$0x6500] =	vst v63  }
0xed: {  	_ =	swait.ge [sflag:s25], $0x280  }
0xee: {  	[sflag:s25] =	ssyncset.done $0x0  }
0xef: {  	s0 =	simm.s32 $0x0;
	[sflag:s25] =	ssyncadd.s32 $0xFFFFFD80  }
0xf0: {  	s2 =	simm.s32 $0x40;
	v1 =	vld [tilespmem:s0+$0x3800]  }
.LBB2_28:
0xf1: {  	p0 =	sne.s32 s2, $0x9C0;
	v2 =	vld [tilespmem:s0+$0x3A80];
	_ =	sdelay $0x2  }
.Ltmp13:
0xf2: {  	(pc) =	sbr.rel @p0 .LBB2_28-.Ltmp13, $4  }
0xf3: {  	_ = 	snop  }
0xf4: {  	v2 =	vadd.f32 v1, v2  }
0xf5: {  	s7 =	sshra.s32 s2, $0x2  }
0xf6: {  	s2 =	sadd.s32 $0x40, s2;
	v1 =	vld [tilespmem:s7+$0x3800];
	[tilespmem:s0+$0x3A80] =	vst v2;
	s0 =	smov.u32 s7  }
0xf7: {  	v2 =	vld [tilespmem:s0+$0x3A80];
	_ =	sdelay $0x4  }
0xf8: {  	v1 =	vadd.f32 v1, v2;
	_ =	sdelay $0x1  }
0xf9: {  	[tilespmem:s0+$0x3A80] =	vst v1  }
0xfa: {  	[tilespmem:s31], [sflag:$0x1] =	stream.strided.gather [spmem:s18], $0x280, s30, s29, $0x38;
	[tilespmem:$0x6500] =	vst v63  }
0xfb: {  	_ =	swait.ge [sflag:s25], $0x280  }
0xfc: {  	[sflag:s25] =	ssyncset.done $0x0  }
0xfd: {  	s0 =	simm.s32 $0x0;
	[sflag:s25] =	ssyncadd.s32 $0xFFFFFD80  }
0xfe: {  	s2 =	simm.s32 $0x40;
	v1 =	vld [tilespmem:s0+$0x3800]  }
.LBB2_30:
0xff: {  	p0 =	sne.s32 s2, $0x9C0;
	v2 =	vld [tilespmem:s0+$0x3A80];
	_ =	sdelay $0x2  }
.Ltmp14:
0x100: {  	(pc) =	sbr.rel @p0 .LBB2_30-.Ltmp14, $4  }
0x101: {  	_ = 	snop  }
0x102: {  	v2 =	vadd.f32 v1, v2  }
0x103: {  	s7 =	sshra.s32 s2, $0x2  }
0x104: {  	s2 =	sadd.s32 $0x40, s2;
	v1 =	vld [tilespmem:s7+$0x3800];
	[tilespmem:s0+$0x3A80] =	vst v2;
	s0 =	smov.u32 s7  }
0x105: {  	v2 =	vld [tilespmem:s0+$0x3A80];
	_ =	sdelay $0x4  }
0x106: {  	v1 =	vadd.f32 v1, v2;
	_ =	sdelay $0x1  }
0x107: {  	[tilespmem:s0+$0x3A80] =	vst v1  }
0x108: {  	[tilespmem:s31], [sflag:$0x1] =	stream.strided.gather [spmem:s19], $0x280, s30, s29, $0x38;
	[tilespmem:$0x6500] =	vst v63  }
0x109: {  	_ =	swait.ge [sflag:s25], $0x280  }
0x10a: {  	[sflag:s25] =	ssyncset.done $0x0  }
0x10b: {  	s0 =	simm.s32 $0x0;
	[sflag:s25] =	ssyncadd.s32 $0xFFFFFD80  }
0x10c: {  	s2 =	simm.s32 $0x40;
	v1 =	vld [tilespmem:s0+$0x3800]  }
.LBB2_32:
0x10d: {  	p0 =	sne.s32 s2, $0x9C0;
	v2 =	vld [tilespmem:s0+$0x3A80];
	_ =	sdelay $0x2  }
.Ltmp15:
0x10e: {  	(pc) =	sbr.rel @p0 .LBB2_32-.Ltmp15, $4  }
0x10f: {  	_ = 	snop  }
0x110: {  	v2 =	vadd.f32 v1, v2  }
0x111: {  	s7 =	sshra.s32 s2, $0x2  }
0x112: {  	s2 =	sadd.s32 $0x40, s2;
	v1 =	vld [tilespmem:s7+$0x3800];
	[tilespmem:s0+$0x3A80] =	vst v2;
	s0 =	smov.u32 s7  }
0x113: {  	v2 =	vld [tilespmem:s0+$0x3A80];
	_ =	sdelay $0x4  }
0x114: {  	v1 =	vadd.f32 v1, v2;
	_ =	sdelay $0x1  }
0x115: {  	[tilespmem:s0+$0x3A80] =	vst v1  }
0x116: {  	[tilespmem:s31], [sflag:$0x1] =	stream.strided.gather [spmem:s20], $0x280, s30, s29, $0x38;
	[tilespmem:$0x6500] =	vst v63  }
0x117: {  	_ =	swait.ge [sflag:s25], $0x280  }
0x118: {  	[sflag:s25] =	ssyncset.done $0x0  }
0x119: {  	s0 =	simm.s32 $0x0;
	[sflag:s25] =	ssyncadd.s32 $0xFFFFFD80  }
0x11a: {  	s2 =	simm.s32 $0x40;
	v1 =	vld [tilespmem:s0+$0x3800]  }
.LBB2_34:
0x11b: {  	p0 =	sne.s32 s2, $0x9C0;
	v2 =	vld [tilespmem:s0+$0x3A80];
	_ =	sdelay $0x2  }
.Ltmp16:
0x11c: {  	(pc) =	sbr.rel @p0 .LBB2_34-.Ltmp16, $4  }
0x11d: {  	_ = 	snop  }
0x11e: {  	v2 =	vadd.f32 v1, v2  }
0x11f: {  	s7 =	sshra.s32 s2, $0x2  }
0x120: {  	s2 =	sadd.s32 $0x40, s2;
	v1 =	vld [tilespmem:s7+$0x3800];
	[tilespmem:s0+$0x3A80] =	vst v2;
	s0 =	smov.u32 s7  }
0x121: {  	v2 =	vld [tilespmem:s0+$0x3A80];
	_ =	sdelay $0x4  }
0x122: {  	v1 =	vadd.f32 v1, v2;
	_ =	sdelay $0x1  }
0x123: {  	[tilespmem:s0+$0x3A80] =	vst v1  }
0x124: {  	[tilespmem:s31], [sflag:$0x1] =	stream.strided.gather [spmem:s21], $0x280, s30, s29, $0x38;
	[tilespmem:$0x6500] =	vst v63  }
0x125: {  	_ =	swait.ge [sflag:s25], $0x280  }
0x126: {  	[sflag:s25] =	ssyncset.done $0x0  }
0x127: {  	s0 =	simm.s32 $0x0;
	[sflag:s25] =	ssyncadd.s32 $0xFFFFFD80  }
0x128: {  	s2 =	simm.s32 $0x40;
	v1 =	vld [tilespmem:s0+$0x3800]  }
.LBB2_36:
0x129: {  	p0 =	sne.s32 s2, $0x9C0;
	v2 =	vld [tilespmem:s0+$0x3A80];
	_ =	sdelay $0x2  }
.Ltmp17:
0x12a: {  	(pc) =	sbr.rel @p0 .LBB2_36-.Ltmp17, $4  }
0x12b: {  	_ = 	snop  }
0x12c: {  	v2 =	vadd.f32 v1, v2  }
0x12d: {  	s7 =	sshra.s32 s2, $0x2  }
0x12e: {  	s2 =	sadd.s32 $0x40, s2;
	v1 =	vld [tilespmem:s7+$0x3800];
	[tilespmem:s0+$0x3A80] =	vst v2;
	s0 =	smov.u32 s7  }
0x12f: {  	v2 =	vld [tilespmem:s0+$0x3A80];
	_ =	sdelay $0x4  }
0x130: {  	v1 =	vadd.f32 v1, v2;
	_ =	sdelay $0x1  }
0x131: {  	[tilespmem:s0+$0x3A80] =	vst v1  }
0x132: {  	[tilespmem:s31], [sflag:$0x1] =	stream.strided.gather [spmem:s22], $0x280, s30, s29, $0x38;
	[tilespmem:$0x6500] =	vst v63  }
0x133: {  	_ =	swait.ge [sflag:s25], $0x280  }
0x134: {  	[sflag:s25] =	ssyncset.done $0x0  }
0x135: {  	s0 =	simm.s32 $0x0;
	[sflag:s25] =	ssyncadd.s32 $0xFFFFFD80  }
0x136: {  	s2 =	simm.s32 $0x40;
	v1 =	vld [tilespmem:s0+$0x3800]  }
.LBB2_38:
0x137: {  	p0 =	sne.s32 s2, $0x9C0;
	v2 =	vld [tilespmem:s0+$0x3A80];
	_ =	sdelay $0x2  }
.Ltmp18:
0x138: {  	(pc) =	sbr.rel @p0 .LBB2_38-.Ltmp18, $4  }
0x139: {  	_ = 	snop  }
0x13a: {  	v2 =	vadd.f32 v1, v2  }
0x13b: {  	s7 =	sshra.s32 s2, $0x2  }
0x13c: {  	s2 =	sadd.s32 $0x40, s2;
	v1 =	vld [tilespmem:s7+$0x3800];
	[tilespmem:s0+$0x3A80] =	vst v2;
	s0 =	smov.u32 s7  }
0x13d: {  	v2 =	vld [tilespmem:s0+$0x3A80];
	_ =	sdelay $0x4  }
0x13e: {  	s3 =	sadd.s32 $0x1, s3;
	v1 =	vadd.f32 v1, v2  }
0x13f: {  	p0 =	sne.s32 s3, s24  }
.Ltmp19:
0x140: {  	s8 =	simm.s32 $0x100;
	s2 =	simm.s32 $0x3A80;
	[tilespmem:s0+$0x3A80] =	vst v1;
	(pc) =	sbr.rel @p0 .LBB2_1-.Ltmp19, $4  }
0x141: {  	[hbm4b:s23+s29] =	stream.strided.scatter [tilespmem:s2], [sflag:$0x1], $0x280, s8, s29, $0x38;
	[tilespmem:$0x6500] =	vst v63  }
0x142: {  	_ =	swait.ge [sflag:s25], $0x280  }
0x143: {  	[sflag:s25] =	ssyncset.done $0x0  }
0x144: {  	[sflag:s25] =	ssyncadd.s32 $0xFFFFFD80  }
0x145: {  	_ =	sfence.sel $0x180000  }
0x146: {  	[bflag:$0x0] =	sbarrier.arrive $0xFFFF  }
0x147: {  	_ =	strace $0x90000047  }
0x148: {  	s0 =	stileid.u32;
	[bflag:$0x2] =	sbarrier.arrive $0xFFFF  }
0x149: {  	p0 =	sne.s32 s0, $0x0;
	s0 =	rddreg [dreg:$0x3]  }
0x14a: {  	s0 =	sadd.s32 @!p0 $0x100000, s0  }
0x14b: {  	[sflag:s0] =	ssyncadd.tile.s32 @!p0 $0x1;
	_ =	shalt  }
.Lfunc_end2:
_tile_overlayer_lowered:
.L_overlay_start_2:
0x14c: {  	(tag) =	ssettag $0x2  }
0x14d: {  	s0 =	rddreg [dreg:$0x0];
	s2 =	stileid.u32  }
0x14e: {  	s1 =	rddreg [dreg:$0x1];
	p0 =	sne.s32 s2, $0x0  }
0x14f: {  	s3 =	rddreg [dreg:$0x2];
	[bflag:$0x3] =	sbarrier.arrive $0xFFFF;
	s2 =	simm.s32 @!p0 $0x1C01  }
0x150: {  	[timem:s3], [sflag:s2] =	dma.local @!p0 [hbm:s0], s1  }
0x151: {  	s0 =	simm.s32 @!p0 $0x1  }
0x152: {  	_ =	swait.ge @!p0 [sflag:s0], s1  }
0x153: {  	s1 =	ssub.s32 @!p0 $0x0, s1;
	[sflag:s0] =	ssyncset.done @!p0 $0x0  }
0x154: {  	[sflag:s0] =	ssyncadd.s32 @!p0 s1  }
0x155: {  	[bflag:$0x3] =	sbarrier.arrive $0xFFFF  }
0x156: {  	_ =	shalt  }

// kernel: kernel.14.cloned.1.call-start
scs
__scs_entry_jumppad:
0x0: {  	(pc) =	sbr.rel $0x88, $3  }
0x1: {  	(tag) =	ssettag $0x0;
	lr =	simm.s32 $0x1  }
0x2: {  	[smem:$0x3F90] =	sst lr;
	_ =	strace $0xD0000000  }
0x3: {  	_ = 	snop  }
0x4: {  	_ = 	snop  }
0x5: {  	_ = 	snop  }
0x6: {  	_ = 	snop  }
0x7: {  	_ = 	snop  }
__scs_overlays_trampoline_lowered:
0x8: {  	[smem:$0x3F9F] =	sst s0  }
0x9: {  	[smem:$0x3FA0] =	sst s1  }
0xa: {  	[smem:$0x3FA1] =	sst s2  }
0xb: {  	[smem:$0x3FA2] =	sst s3  }
0xc: {  	[smem:$0x3FA3] =	sst s4  }
0xd: {  	[smem:$0x3FA4] =	sst s5  }
0xe: {  	[smem:$0x3FA5] =	sst s6  }
0xf: {  	[smem:$0x3FA6] =	sst s7  }
0x10: {  	[smem:$0x3FA7] =	sst s8  }
0x11: {  	[smem:$0x3FA8] =	sst s9;
	s0 =	simm.s32 @!p0 $0x0  }
0x12: {  	s1 =	sld [smem:$0x3F8E];
	s0 =	simm.s32 @p0 $0x1  }
0x13: {  	[smem:$0x3FA9] =	sst s0;
	s0 =	simm.s32 @!p1 $0x0  }
0x14: {  	s2 =	sld [smem:$0x3F8D];
	s0 =	simm.s32 @p1 $0x1  }
0x15: {  	[smem:$0x3FAA] =	sst s0;
	s0 =	simm.s32 @!p2 $0x0  }
0x16: {  	s3 =	sld [smem:$0x3FDB];
	s0 =	simm.s32 @p2 $0x1  }
0x17: {  	s4 =	simm.s32 $0x1BF5;
	[smem:$0x3FAC] =	sst s0  }
0x18: {  	s0 =	sld [smem:$0x3F8F];
	_ =	swait.ge [sflag:s4], $0x0  }
0x19: {  	s7 =	sld [smem:$0x3F90]  }
0x1a: {  	s8 =	sadd.s32 $0xFFFFE003, lr  }
0x1b: {  	s9 =	sadd.s32 $0xFFFFFEF7, lr;
	s5 =	simm.s32 $0xFFFFFFFF;
	p2 =	slt.u32 s8, $0xFFFFF086  }
0x1c: {  	p1 =	slt.u32 s9, $0xF7A;
	s5 =	simm.s32 @!p2 $0x0  }
0x1d: {  	s5 =	simm.s32 @p1 $0x1;
	p0 =	seq.s32 s7, s2  }
0x1e: {  	s7 =	smul.u32 @!p0 $0xF7A, s2;
	p2 =	seq.s32 @!p0 s5, $0x0  }
0x1f: {  	s9 =	smul.u32 $0xF7A, s1;
	s8 =	simm.s32 @!p0 $0x1BF5;
	p2 =	por !p2, p0  }
0x20: {  	[sflag:s8] =	ssyncset.s32 @!p0 $0xFFFFF086;
	s6 =	sadd.s32 @!p0 s3, s7;
	s7 =	simm.s32 @!p0 $0x108  }
0x21: {  	s3 =	sadd.s32 s3, s9;
	s6 =	sadd.s32 @!p0 $0x88, s6;
	s7 =	simm.s32 @p2 $0x1082  }
0x22: {  	[simem:s7], [sflag:s8] =	dma.local @!p0 [hbm:s6], $0xF7A  }
0x23: {  	s9 =	sor.u32 $0xD0000000, s2;
	s6 =	simm.s32 $0x108;
	_ =	swait.ge @!p0 [sflag:s8], $0x0  }
0x24: {  	s3 =	sadd.s32 $0x88, s3;
	s6 =	simm.s32 @!p1 $0x1082;
	[sflag:s4] =	ssyncset.s32 $0xFFFFF086  }
0x25: {  	[simem:s6], [sflag:s4] =	dma.local [hbm:s3], $0xF7A  }
0x26: {  	[smem:$0x3F90] =	sst s1;
	(tag) =	ssettag s2;
	_ =	strace s9  }
0x27: {  	s1 =	sld [smem:$0x3FA0]  }
0x28: {  	s2 =	sld [smem:$0x3FA1]  }
0x29: {  	s4 =	sld [smem:$0x3FA3]  }
0x2a: {  	p0 =	seq.s32 s5, $0x0;
	s5 =	sld [smem:$0x3FA4]  }
0x2b: {  	s6 =	sld [smem:$0x3FA5]  }
0x2c: {  	s7 =	sld [smem:$0x3FA6]  }
0x2d: {  	s3 =	simm.s32 $0x108;
	s8 =	sld [smem:$0x3FA7]  }
0x2e: {  	s3 =	simm.s32 @!p0 $0x1082;
	s9 =	sld [smem:$0x3FA8]  }
0x2f: {  	lr =	sadd.s32 s0, s3;
	s0 =	sld [smem:$0x3F9F]  }
0x30: {  	s3 =	sld [smem:$0x3FA2]  }
0x31: {  	[smem:$0x3FAB] =	sst s10  }
0x32: {  	s10 =	sld [smem:$0x3FA9];
	_ =	sdelay $0x3  }
0x33: {  	p0 =	seq.s32 s10, $0x1;
	s10 =	sld [smem:$0x3FAB];
	_ =	sdelay $0x3  }
0x34: {  	[smem:$0x3FAB] =	sst s10  }
0x35: {  	s10 =	sld [smem:$0x3FAA];
	_ =	sdelay $0x3  }
0x36: {  	p1 =	seq.s32 s10, $0x1;
	s10 =	sld [smem:$0x3FAB];
	_ =	sdelay $0x3  }
0x37: {  	[smem:$0x3FAB] =	sst s10  }
0x38: {  	s10 =	sld [smem:$0x3FAC]  }
0x39: {  	_ = 	snop;
	(pc) =	sbr.ind lr, $3  }
0x3a: {  	_ = 	snop  }
0x3b: {  	_ = 	snop  }
0x3c: {  	p2 =	seq.s32 s10, $0x1;
	s10 =	sld [smem:$0x3FAB]  }
0x3d: {  	_ =	shalt  }
0x3e: {  	_ =	shalt  }
0x3f: {  	_ =	shalt  }
0x40: {  	_ =	shalt  }
0x41: {  	_ =	shalt  }
0x42: {  	_ =	shalt  }
0x43: {  	_ =	shalt  }
0x44: {  	_ =	shalt  }
0x45: {  	_ =	shalt  }
0x46: {  	_ =	shalt  }
0x47: {  	_ =	shalt  }
0x48: {  	_ =	shalt  }
0x49: {  	_ =	shalt  }
0x4a: {  	_ =	shalt  }
0x4b: {  	_ =	shalt  }
0x4c: {  	_ =	shalt  }
0x4d: {  	_ =	shalt  }
0x4e: {  	_ =	shalt  }
0x4f: {  	_ =	shalt  }
0x50: {  	_ =	shalt  }
0x51: {  	_ =	shalt  }
0x52: {  	_ =	shalt  }
0x53: {  	_ =	shalt  }
0x54: {  	_ =	shalt  }
0x55: {  	_ =	shalt  }
0x56: {  	_ =	shalt  }
0x57: {  	_ =	shalt  }
0x58: {  	_ =	shalt  }
0x59: {  	_ =	shalt  }
0x5a: {  	_ =	shalt  }
0x5b: {  	_ =	shalt  }
0x5c: {  	_ =	shalt  }
0x5d: {  	_ =	shalt  }
0x5e: {  	_ =	shalt  }
0x5f: {  	_ =	shalt  }
0x60: {  	_ =	shalt  }
0x61: {  	_ =	shalt  }
0x62: {  	_ =	shalt  }
0x63: {  	_ =	shalt  }
0x64: {  	_ =	shalt  }
0x65: {  	_ =	shalt  }
0x66: {  	_ =	shalt  }
0x67: {  	_ =	shalt  }
0x68: {  	_ =	shalt  }
0x69: {  	_ =	shalt  }
0x6a: {  	_ =	shalt  }
0x6b: {  	_ =	shalt  }
0x6c: {  	_ =	shalt  }
0x6d: {  	_ =	shalt  }
0x6e: {  	_ =	shalt  }
0x6f: {  	_ =	shalt  }
0x70: {  	_ =	shalt  }
0x71: {  	_ =	shalt  }
0x72: {  	_ =	shalt  }
0x73: {  	_ =	shalt  }
0x74: {  	_ =	shalt  }
0x75: {  	_ =	shalt  }
0x76: {  	_ =	shalt  }
0x77: {  	_ =	shalt  }
0x78: {  	_ =	shalt  }
0x79: {  	_ =	shalt  }
0x7a: {  	_ =	shalt  }
0x7b: {  	_ =	shalt  }
0x7c: {  	_ =	shalt  }
0x7d: {  	_ =	shalt  }
0x7e: {  	_ =	shalt  }
0x7f: {  	_ =	shalt  }
0x80: {  	_ =	shalt  }
0x81: {  	_ =	shalt  }
0x82: {  	_ =	shalt  }
0x83: {  	_ =	shalt  }
0x84: {  	_ =	shalt  }
0x85: {  	_ =	shalt  }
0x86: {  	_ =	shalt  }
0x87: {  	_ =	shalt  }
.Lfunc_end0:
.L_simem_size_0:
called_computation.1_lowered:
.L_overlay_start_0:
0x88: {  	s2 =	sld [smem:$0x3FD9]  }
0x89: {  	s3 =	sld [smem:$0x3FFE];
	_ =	sdelay $0x1  }
0x8a: {  	s1 =	srdreg.scid  }
0x8b: {  	s0 =	sand.u32 $0x1, s1  }
0x8c: {  	s17 =	sshll.u32 s0, $0xA;
	s2 =	sadd.s32 s3, s2  }
0x8d: {  	s2 =	sadd.s32 s2, s17  }
0x8e: {  	[smem:$0x3FB7] =	sst s2  }
0x8f: {  	_ = 	snop  }
0x90: {  	s2 =	sld [smem:$0x3FC7];
	(tm) =	ssettm $0x1  }
0x91: {  	s18 =	sld [smem:$0x3FFB];
	_ =	sdelay $0x3  }
0x92: {  	_ =	strace s18  }
0x93: {  	s3 =	sld [smem:$0x3FFC];
	_ =	sdelay $0x3  }
0x94: {  	_ =	strace s3  }
0x95: {  	s3 =	sld [smem:$0x3FFD];
	_ =	sdelay $0x3  }
0x96: {  	_ =	strace s3  }
0x97: {  	_ =	strace $0x8FFFFFFF  }
0x98: {  	s19 =	sld [smem:$0x3FDB];
	_ =	sdelay $0x1  }
0x99: {  	s4 =	simm.s32 $_scs_section_size  }
0x9a: {  	s5 =	simm.s32 $_size__tile_overlayer_lowered;
	s6 =	simm.s32 $_tile_overlayer_lowered  }
0x9b: {  	s22 =	simm.s32 $0x1BFF;
	s21 =	sshll.u32 s6, $0x1;
	s3 =	sadd.s32 s4, s19  }
0x9c: {  	s7 =	simm.s32 $0x0;
	s20 =	sshll.u32 s5, $0x1;
	s5 =	sadd.s32 s21, s3  }
0x9d: {  	[timem:s7], [sflag:s22] =	dma.local [hbm:s5], s20  }
0x9e: {  	_ =	swait.ge [sflag:s22], s20  }
0x9f: {  	s4 =	ssub.s32 $0x0, s20;
	[sflag:s22] =	ssyncset.done $0x0  }
0xa0: {  	[sflag:s22] =	ssyncadd.s32 s4;
	_ =	sdelay $0x1  }
0xa1: {  	s23 =	simm.s32 $0x1B8B  }
0xa2: {  	_ =	swait.ge [sflag:s23], $0x1  }
0xa3: {  	[sflag:s23] =	ssyncset.done $0x0  }
0xa4: {  	s25 =	simm.s32 $0x1B8E;
	s24 =	sld [smem:$0x3FFE];
	[sflag:s23] =	ssyncadd.s32 $0xFFFFFFFF  }
0xa5: {  	s26 =	simm.s32 $execute0_lowered;
	[smem:$0x3FD2] =	sst s25  }
0xa6: {  	s5 =	sshll.u32 s26, $0x1;
	_ =	strace $0x80000049;
	[dreg:$0x1] =	wrdreg $0xFFFFFFFF  }
0xa7: {  	s28 =	simm.s32 $_size_execute0_lowered;
	s3 =	sadd.s32 s3, s5;
	[dreg:$0x0] =	wrdreg $0x0  }
0xa8: {  	s5 =	sshll.u32 s28, $0x1;
	[dreg:$0x2] =	wrdreg s3  }
0xa9: {  	[dreg:$0x3] =	wrdreg s5  }
0xaa: {  	[dreg:$0x4] =	wrdreg $0xC0  }
0xab: {  	_ =	task [dreg:s7], $0x5FFFF  }
0xac: {  	[dreg:$0x1] =	wrdreg $0xFFFFFFFF  }
0xad: {  	[dreg:$0x0] =	wrdreg $0x60  }
0xae: {  	[dreg:$0x2] =	wrdreg s24  }
0xaf: {  	[dreg:$0x3] =	wrdreg s2  }
0xb0: {  	[dreg:$0x4] =	wrdreg $0xA7000  }
0xb1: {  	[dreg:$0x5] =	wrdreg $0x9  }
0xb2: {  	_ =	task.clear_ibuf [dreg:s7], $0x6FFFF;
	_ =	strace $0x90000049  }
0xb3: {  	s29 =	simm.s32 $0x9;
	_ =	strace $0x8000004B  }
0xb4: {  	_ =	swait.ge [sflag:s29], $0x1  }
0xb5: {  	[sflag:s29] =	ssyncadd.s32 $0xFFFFFFFF  }
0xb6: {  	_ =	strace $0x9000004B  }
0xb7: {  	_ =	sfence  }
0xb8: {  	s30 =	sld [smem:$0x0];
	_ =	sdelay $0x2  }
0xb9: {  	s31 =	sshll.u32 s1, $0xD;
	s1 =	sshrl.u32 s1, $0x2  }
0xba: {  	s3 =	sand.u32 $0x4000, s31;
	s1 =	sadd.s32 s1, s30  }
0xbb: {  	s0 =	sor.u32 s3, s0;
	s1 =	sshll.u32 s1, $0x11  }
0xbc: {  	s0 =	sor.u32 s1, s0  }
0xbd: {  	s0 =	sadd.s32 $0x8F2B, s0  }
0xbe: {  	[sflag:s0] =	ssyncadd.remote.s32 $0x1  }
0xbf: {  	_ =	sfence.sel $0xFFFF  }
0xc0: {  	[dreg:$0x0] =	wrdreg $0xFFFFFFFF;
	(pc) =	sbr.abs _section_cstart, $3  }
0xc1: {  	[dreg:$0x1] =	wrdreg $0xFFFFFFFF  }
0xc2: {  	_ =	task.clear_ibuf [dreg:s7], $0x2FFFF;
	_ =	strace $0x9FFFFFFF  }
0xc3: {  	(tm) =	ssettm $0x7FFFFFFF  }
tec
execute0_lowered:
.L_overlay_start_1:
0x0: {  	(tag) =	ssettag $0x1  }
0x1: {  	s0 =	rddreg [dreg:$0x0]  }
0x2: {  	s1 =	rddreg [dreg:$0x1]  }
0x3: {  	s2 =	rddreg [dreg:$0x2];
	s3 =	simm.s32 $0x0  }
0x4: {  	s6 =	srdreg.scid;
	s4 =	stileid.u32;
	s22 =	simm.s32 $0x100  }
0x5: {  	s23 =	simm.s32 $0x200;
	s24 =	simm.s32 $0xC8;
	s25 =	simm.s32 $0x300  }
0x6: {  	s26 =	simm.s32 $0x1;
	[smem:$0x7FF] =	sst s3;
	s5 =	sadd.s32 $0x18000, s0  }
0x7: {  	s9 =	sand.u32 $0x1, s6;
	s6 =	sadd.s32 $0x4400, s0;
	s10 =	smul.u32 $0x50000, s4  }
0x8: {  	s7 =	sadd.s32 $0xE200, s0;
	s0 =	sadd.s32 $0x3F200, s0;
	s13 =	smul.u32 $0x14000, s4  }
0x9: {  	_ =	strace $0x8000004A;
	s8 =	ssub.s32 $0x2, s9;
	s12 =	sshll.u32 s9, $0x4  }
0xa: {  	s17 =	smul.u32 $0x140000, s9;
	s11 =	sshrl.u32 s8, $0x1;
	s10 =	sshrl.u32 s10, $0x2  }
0xb: {  	s14 =	sor.u32 s4, s12;
	s15 =	sadd.s32 $0x4000, s13;
	s16 =	sadd.s32 $0x8000, s13  }
0xc: {  	s18 =	sadd.s32 $0xC000, s13;
	s20 =	sadd.s32 $0x10000, s13;
	s19 =	ssub.s32 s8, s11  }
0xd: {  	s8 =	sadd.s32 s10, s2;
	s9 =	sadd.s32 s15, s2;
	s10 =	sadd.s32 s16, s2  }
0xe: {  	s11 =	sadd.s32 s18, s2;
	s13 =	sadd.s32 s13, s17;
	s12 =	sadd.s32 s20, s2  }
0xf: {  	s15 =	sadd.s32 s17, s15;
	s16 =	sadd.s32 s17, s16;
	s18 =	sadd.s32 s17, s18  }
0x10: {  	s20 =	sadd.s32 s17, s20;
	s21 =	sshrl.u32 s13, $0x3;
	s13 =	smul.u32 $0x2710, s14  }
0x11: {  	s15 =	sshrl.u32 s15, $0x3;
	s16 =	sshrl.u32 s16, $0x3;
	s18 =	sshrl.u32 s18, $0x3  }
0x12: {  	s31 =	sshrl.u32 s20, $0x3;
	s19 =	smax.u32 s19, $0x1;
	s20 =	simm.s32 $0x6700  }
0x13: {  	s14 =	sadd.s32 s0, s21;
	s15 =	sadd.s32 s0, s15;
	s16 =	sadd.s32 s0, s16  }
0x14: {  	v0 =	vimm.f32 $0.0e+00;
	s17 =	sadd.s32 s0, s18;
	s18 =	sadd.s32 s0, s31;
	s21 =	simm.s32 $0x2  }
.LBB2_1:
0x15: {  	s0 =	simm.s32 $0x0;
	s28 =	simm.s32 $0x200  }
.LBB2_2:
0x16: {  	p0 =	sne.s32 s28, $0xFE00;
	[tilespmem:s0+$0x6770] =	vst v0  }
0x17: {  	[tilespmem:s0+$0x6700] =	vst v0  }
0x18: {  	[tilespmem:s0+$0x6710] =	vst v0  }
.Ltmp0:
0x19: {  	[tilespmem:s0+$0x6720] =	vst v0;
	(pc) =	sbr.rel @p0 .LBB2_2-.Ltmp0, $4  }
0x1a: {  	[tilespmem:s0+$0x6730] =	vst v0  }
0x1b: {  	[tilespmem:s0+$0x6740] =	vst v0  }
0x1c: {  	[tilespmem:s0+$0x6750] =	vst v0  }
0x1d: {  	[tilespmem:s0+$0x6760] =	vst v0;
	s0 =	sshra.s32 s28, $0x2;
	s28 =	sadd.s32 $0x200, s28  }
0x1e: {  	[tilespmem:s0+$0x6770] =	vst v0  }
0x1f: {  	[tilespmem:s0+$0x6700] =	vst v0  }
0x20: {  	[tilespmem:s0+$0x6710] =	vst v0  }
0x21: {  	[tilespmem:s0+$0x6720] =	vst v0  }
0x22: {  	[tilespmem:s0+$0x6730] =	vst v0  }
0x23: {  	[tilespmem:s0+$0x6740] =	vst v0  }
0x24: {  	[tilespmem:s0+$0x6750] =	vst v0  }
0x25: {  	[tilespmem:s0+$0x6760] =	vst v0  }
0x26: {  	[spmem:s8] =	stream.linear.scatter [tilespmem:s20], [sflag:$0x2], $0x4000, $0x38;
	[tilespmem:$0x1E700] =	vst v63  }
0x27: {  	_ =	swait.ge [sflag:s21], $0x4000  }
0x28: {  	[sflag:s21] =	ssyncset.done $0x0  }
0x29: {  	[sflag:s21] =	ssyncadd.s32 $0xFFFFC000  }
0x2a: {  	[spmem:s9] =	stream.linear.scatter [tilespmem:s20], [sflag:$0x2], $0x4000, $0x38;
	[tilespmem:$0x1E700] =	vst v63  }
0x2b: {  	_ =	swait.ge [sflag:s21], $0x4000  }
0x2c: {  	[sflag:s21] =	ssyncset.done $0x0  }
0x2d: {  	[sflag:s21] =	ssyncadd.s32 $0xFFFFC000  }
0x2e: {  	[spmem:s10] =	stream.linear.scatter [tilespmem:s20], [sflag:$0x2], $0x4000, $0x38;
	[tilespmem:$0x1E700] =	vst v63  }
0x2f: {  	_ =	swait.ge [sflag:s21], $0x4000  }
0x30: {  	[sflag:s21] =	ssyncset.done $0x0  }
0x31: {  	[sflag:s21] =	ssyncadd.s32 $0xFFFFC000  }
0x32: {  	[spmem:s11] =	stream.linear.scatter [tilespmem:s20], [sflag:$0x2], $0x4000, $0x38;
	[tilespmem:$0x1E700] =	vst v63  }
0x33: {  	_ =	swait.ge [sflag:s21], $0x4000  }
0x34: {  	[sflag:s21] =	ssyncset.done $0x0  }
0x35: {  	[sflag:s21] =	ssyncadd.s32 $0xFFFFC000  }
0x36: {  	[spmem:s12] =	stream.linear.scatter [tilespmem:s20], [sflag:$0x2], $0x4000, $0x38;
	[tilespmem:$0x1E700] =	vst v63  }
0x37: {  	_ =	swait.ge [sflag:s21], $0x4000  }
0x38: {  	[sflag:s21] =	ssyncset.done $0x0  }
0x39: {  	[sflag:s21] =	ssyncadd.s32 $0xFFFFC000  }
0x3a: {  	s28 =	simm.s32 $0x0;
	s29 =	simm.s32 $0x0;
	[bflag:$0x0] =	sbarrier.arrive $0xFFFF  }
.LBB2_4:
0x3b: {  	s0 =	smul.u32 $0xC8, s29;
	_ =	sdelay $0x1  }
0x3c: {  	s0 =	sadd.s32 s13, s0  }
0x3d: {  	s0 =	sshrl.u32 s0, $0x3  }
0x3e: {  	s30 =	sadd.s32 s6, s0  }
0x3f: {  	[tilespmem:s28], [sflag:$0x2] =	stream.linear.gather [hbm4b:s30+s28], $0xC8, $0x38;
	[tilespmem:$0x1E700] =	vst v63  }
0x40: {  	_ =	swait.ge [sflag:s21], $0xC8  }
0x41: {  	[sflag:s21] =	ssyncset.done $0x0  }
0x42: {  	s30 =	sadd.s32 s7, s0;
	[sflag:s21] =	ssyncadd.s32 $0xFFFFFF38  }
0x43: {  	[tilespmem:s22], [sflag:$0x2] =	stream.linear.gather [hbm4b:s30+s28], $0xC8, $0x38;
	[tilespmem:$0x1E700] =	vst v63  }
0x44: {  	_ =	swait.ge [sflag:s21], $0xC8  }
0x45: {  	[sflag:s21] =	ssyncset.done $0x0  }
0x46: {  	s0 =	sadd.s32 s1, s0;
	[sflag:s21] =	ssyncadd.s32 $0xFFFFFF38  }
0x47: {  	[tilespmem:s23], [sflag:$0x2] =	stream.linear.gather [hbm4b:s0+s28], $0xC8, $0x38;
	[tilespmem:$0x1E700] =	vst v63  }
0x48: {  	_ =	swait.ge [sflag:s21], $0xC8  }
0x49: {  	[sflag:s21] =	ssyncset.done $0x0  }
0x4a: {  	[sflag:s21] =	ssyncadd.s32 $0xFFFFFF38  }
0x4b: {  	[tilespmem:s25], [sflag:$0x1] =	stream.indirect.gather [hbm4b:s5+s24], $0x80, s28, s24, $0xb8;
	[tilespmem:$0x1E700] =	vst v63  }
0x4c: {  	_ =	swait.ge [sflag:s26], $0x6400  }
0x4d: {  	v1 =	vmov s28;
	[sflag:s26] =	ssyncset.done $0x0  }
0x4e: {  	s30 =	simm.s32 $0x340;
	[sflag:s26] =	ssyncadd.s32 $0xFFFF9C00  }
0x4f: {  	v5 =	vld [tilespmem:s30+$0x30]  }
0x50: {  	v8 =	vld [tilespmem:s30+$0x10]  }
0x51: {  	v6 =	vld [tilespmem:s30+$0xFFFFFFC0]  }
0x52: {  	v2 =	vld.idx.msk [tilespmem:v1+s23+$0x0], $0xffff  }
0x53: {  	v10 =	vld [tilespmem:s30+$0xFFFFFFE0]  }
0x54: {  	v1 =	vld [tilespmem:s30+$0xFFFFFFF0]  }
0x55: {  	v3 =	vld [tilespmem:s30+$0x20]  }
0x56: {  	v4 =	vld [tilespmem:s30+$0xFFFFFFD0]  }
0x57: {  	v9 =	vmul.f32 v5, v2;
	v5 =	vld [tilespmem:s30+$0x0]  }
0x58: {  	v7 =	vmul.f32 v6, v2  }
0x59: {  	s31 =	simm.s32 $0x1;
	s0 =	simm.s32 $0x340;
	v6 =	vmul.f32 v10, v2;
	v8 =	vmul.f32 v8, v2  }
.LBB2_5:
0x5a: {  	p0 =	sne.s32 s31, $0xC7  }
0x5b: {  	v4 =	vmul.f32 v4, v2;
	v3 =	vmul.f32 v3, v2;
	[tilespmem:s30+$0x30] =	vst v9;
	s0 =	sadd.s32 $0x80, s0;
	s4 =	smov.u32 s31;
	s31 =	sadd.s32 $0x1, s31  }
0x5c: {  	[tilespmem:s30+$0xFFFFFFC0] =	vst v7;
	v7 =	vmul.f32 v1, v2;
	v2 =	vmul.f32 v5, v2  }
0x5d: {  	[tilespmem:s30+$0x10] =	vst v8  }
0x5e: {  	v5 =	vmov s4;
	[tilespmem:s30+$0xFFFFFFE0] =	vst v6  }
0x5f: {  	v1 =	vld [tilespmem:s0+$0xFFFFFFF0];
	[tilespmem:s30+$0xFFFFFFF0] =	vst v7  }
0x60: {  	v6 =	vld [tilespmem:s0+$0x30];
	[tilespmem:s30+$0x0] =	vst v2  }
0x61: {  	v8 =	vld [tilespmem:s0+$0x10];
	[tilespmem:s30+$0x20] =	vst v3  }
0x62: {  	v7 =	vld [tilespmem:s0+$0xFFFFFFC0];
	[tilespmem:s30+$0xFFFFFFD0] =	vst v4;
	s30 =	smov.u32 s0  }
0x63: {  	v2 =	vld.idx.msk [tilespmem:v5+s23+$0x0], $0xffff  }
0x64: {  	v10 =	vld [tilespmem:s0+$0xFFFFFFE0]  }
0x65: {  	v3 =	vld [tilespmem:s0+$0x20]  }
.Ltmp1:
0x66: {  	v4 =	vld [tilespmem:s0+$0xFFFFFFD0];
	(pc) =	sbr.rel @p0 .LBB2_5-.Ltmp1, $3  }
0x67: {  	v5 =	vld [tilespmem:s0+$0x0];
	_ =	sdelay $0x1  }
0x68: {  	v7 =	vmul.f32 v7, v2;
	v9 =	vmul.f32 v6, v2  }
0x69: {  	v8 =	vmul.f32 v8, v2;
	v6 =	vmul.f32 v10, v2  }
0x6a: {  	[tilespmem:s30+$0x30] =	vst v9  }
0x6b: {  	[tilespmem:s30+$0xFFFFFFC0] =	vst v7  }
0x6c: {  	v1 =	vmul.f32 v1, v2;
	[tilespmem:s30+$0x10] =	vst v8  }
0x6d: {  	v3 =	vmul.f32 v3, v2;
	[tilespmem:s30+$0xFFFFFFE0] =	vst v6  }
0x6e: {  	v5 =	vmul.f32 v5, v2;
	[tilespmem:s30+$0xFFFFFFF0] =	vst v1  }
0x6f: {  	s29 =	sadd.s32 $0x1, s29;
	v1 =	vmul.f32 v4, v2;
	[tilespmem:s30+$0x20] =	vst v3  }
0x70: {  	p0 =	sne.s32 s29, $0x32;
	[tilespmem:s30+$0x0] =	vst v5  }
.Ltmp2:
0x71: {  	[tilespmem:s30+$0xFFFFFFD0] =	vst v1;
	(pc) =	sbr.rel @p0 .LBB2_4-.Ltmp2, $4  }
0x72: {  	[spmem:s2] =	stream.indirect.scatter.add.f32 [tilespmem:s25], [sflag:$0x2], $0x80, s22, s24, $0xb8;
	[tilespmem:$0x1E700] =	vst v63  }
0x73: {  	_ =	swait.ge [sflag:s21], $0x6400  }
0x74: {  	[sflag:s21] =	ssyncset.done $0x0  }
0x75: {  	[sflag:s21] =	ssyncadd.s32 $0xFFFF9C00  }
0x76: {  	s0 =	stileid.u32  }
0x77: {  	s0 =	sshll.u32 s0, $0x6  }
0x78: {  	[bflag:$0x0] =	sbarrier.arrive $0xFFFF;
	s4 =	sshrl.u32 s8, $0x3;
	s0 =	sor.u32 $0x1C02, s0  }
0x79: {  	[hbm:s14], [sflag:s0] =	dma.local [spmem:s4], $0x800  }
0x7a: {  	_ =	swait.ge [sflag:s21], $0x800  }
0x7b: {  	[sflag:s21] =	ssyncset.done $0x0  }
0x7c: {  	s28 =	sshrl.u32 s9, $0x3;
	[sflag:s21] =	ssyncadd.s32 $0xFFFFF800  }
0x7d: {  	[hbm:s15], [sflag:s0] =	dma.local [spmem:s28], $0x800  }
0x7e: {  	_ =	swait.ge [sflag:s21], $0x800  }
0x7f: {  	[sflag:s21] =	ssyncset.done $0x0  }
0x80: {  	s29 =	sshrl.u32 s10, $0x3;
	[sflag:s21] =	ssyncadd.s32 $0xFFFFF800  }
0x81: {  	[hbm:s16], [sflag:s0] =	dma.local [spmem:s29], $0x800  }
0x82: {  	_ =	swait.ge [sflag:s21], $0x800  }
0x83: {  	[sflag:s21] =	ssyncset.done $0x0  }
0x84: {  	s30 =	sshrl.u32 s11, $0x3;
	[sflag:s21] =	ssyncadd.s32 $0xFFFFF800  }
0x85: {  	[hbm:s17], [sflag:s0] =	dma.local [spmem:s30], $0x800  }
0x86: {  	s3 =	sadd.s32 $0x1, s3;
	_ =	swait.ge [sflag:s21], $0x800  }
0x87: {  	p0 =	sne.s32 s3, s19;
	[sflag:s21] =	ssyncset.done $0x0  }
.Ltmp3:
0x88: {  	s31 =	sshrl.u32 s12, $0x3;
	[sflag:s21] =	ssyncadd.s32 $0xFFFFF800;
	(pc) =	sbr.rel @p0 .LBB2_1-.Ltmp3, $4  }
0x89: {  	[hbm:s18], [sflag:s0] =	dma.local [spmem:s31], $0x800  }
0x8a: {  	_ =	swait.ge [sflag:s21], $0x800  }
0x8b: {  	[sflag:s21] =	ssyncset.done $0x0  }
0x8c: {  	[sflag:s21] =	ssyncadd.s32 $0xFFFFF800  }
0x8d: {  	_ =	sfence.sel $0x180000  }
0x8e: {  	[bflag:$0x0] =	sbarrier.arrive $0xFFFF  }
0x8f: {  	_ =	strace $0x9000004A  }
0x90: {  	s0 =	stileid.u32;
	[bflag:$0x2] =	sbarrier.arrive $0xFFFF  }
0x91: {  	p0 =	sne.s32 s0, $0x0;
	s0 =	rddreg [dreg:$0x3]  }
0x92: {  	s0 =	sadd.s32 @!p0 $0x100000, s0  }
0x93: {  	[sflag:s0] =	ssyncadd.tile.s32 @!p0 $0x1;
	_ =	shalt  }
.Lfunc_end2:
_tile_overlayer_lowered:
.L_overlay_start_2:
0x94: {  	(tag) =	ssettag $0x2  }
0x95: {  	s0 =	rddreg [dreg:$0x0];
	s2 =	stileid.u32  }
0x96: {  	s1 =	rddreg [dreg:$0x1];
	p0 =	sne.s32 s2, $0x0  }
0x97: {  	s3 =	rddreg [dreg:$0x2];
	[bflag:$0x3] =	sbarrier.arrive $0xFFFF;
	s2 =	simm.s32 @!p0 $0x1C02  }
0x98: {  	[timem:s3], [sflag:s2] =	dma.local @!p0 [hbm:s0], s1  }
0x99: {  	s0 =	simm.s32 @!p0 $0x2  }
0x9a: {  	_ =	swait.ge @!p0 [sflag:s0], s1  }
0x9b: {  	s1 =	ssub.s32 @!p0 $0x0, s1;
	[sflag:s0] =	ssyncset.done @!p0 $0x0  }
0x9c: {  	[sflag:s0] =	ssyncadd.s32 @!p0 s1  }
0x9d: {  	[bflag:$0x3] =	sbarrier.arrive $0xFFFF  }
0x9e: {  	_ =	shalt  }

// kernel: kernel.17.cloned.1.call-start
scs
__scs_entry_jumppad:
0x0: {  	(pc) =	sbr.rel $0x88, $3  }
0x1: {  	(tag) =	ssettag $0x0;
	lr =	simm.s32 $0x1  }
0x2: {  	[smem:$0x3F90] =	sst lr;
	_ =	strace $0xD0000000  }
0x3: {  	_ = 	snop  }
0x4: {  	_ = 	snop  }
0x5: {  	_ = 	snop  }
0x6: {  	_ = 	snop  }
0x7: {  	_ = 	snop  }
__scs_overlays_trampoline_lowered:
0x8: {  	[smem:$0x3F9F] =	sst s0  }
0x9: {  	[smem:$0x3FA0] =	sst s1  }
0xa: {  	[smem:$0x3FA1] =	sst s2  }
0xb: {  	[smem:$0x3FA2] =	sst s3  }
0xc: {  	[smem:$0x3FA3] =	sst s4  }
0xd: {  	[smem:$0x3FA4] =	sst s5  }
0xe: {  	[smem:$0x3FA5] =	sst s6  }
0xf: {  	[smem:$0x3FA6] =	sst s7  }
0x10: {  	[smem:$0x3FA7] =	sst s8  }
0x11: {  	[smem:$0x3FA8] =	sst s9;
	s0 =	simm.s32 @!p0 $0x0  }
0x12: {  	s1 =	sld [smem:$0x3F8E];
	s0 =	simm.s32 @p0 $0x1  }
0x13: {  	[smem:$0x3FA9] =	sst s0;
	s0 =	simm.s32 @!p1 $0x0  }
0x14: {  	s2 =	sld [smem:$0x3F8D];
	s0 =	simm.s32 @p1 $0x1  }
0x15: {  	[smem:$0x3FAA] =	sst s0;
	s0 =	simm.s32 @!p2 $0x0  }
0x16: {  	s3 =	sld [smem:$0x3FDB];
	s0 =	simm.s32 @p2 $0x1  }
0x17: {  	s4 =	simm.s32 $0x1BF5;
	[smem:$0x3FAC] =	sst s0  }
0x18: {  	s0 =	sld [smem:$0x3F8F];
	_ =	swait.ge [sflag:s4], $0x0  }
0x19: {  	s7 =	sld [smem:$0x3F90]  }
0x1a: {  	s8 =	sadd.s32 $0xFFFFE003, lr  }
0x1b: {  	s9 =	sadd.s32 $0xFFFFFEF7, lr;
	s5 =	simm.s32 $0xFFFFFFFF;
	p2 =	slt.u32 s8, $0xFFFFF086  }
0x1c: {  	p1 =	slt.u32 s9, $0xF7A;
	s5 =	simm.s32 @!p2 $0x0  }
0x1d: {  	s5 =	simm.s32 @p1 $0x1;
	p0 =	seq.s32 s7, s2  }
0x1e: {  	s7 =	smul.u32 @!p0 $0xF7A, s2;
	p2 =	seq.s32 @!p0 s5, $0x0  }
0x1f: {  	s9 =	smul.u32 $0xF7A, s1;
	s8 =	simm.s32 @!p0 $0x1BF5;
	p2 =	por !p2, p0  }
0x20: {  	[sflag:s8] =	ssyncset.s32 @!p0 $0xFFFFF086;
	s6 =	sadd.s32 @!p0 s3, s7;
	s7 =	simm.s32 @!p0 $0x108  }
0x21: {  	s3 =	sadd.s32 s3, s9;
	s6 =	sadd.s32 @!p0 $0x88, s6;
	s7 =	simm.s32 @p2 $0x1082  }
0x22: {  	[simem:s7], [sflag:s8] =	dma.local @!p0 [hbm:s6], $0xF7A  }
0x23: {  	s9 =	sor.u32 $0xD0000000, s2;
	s6 =	simm.s32 $0x108;
	_ =	swait.ge @!p0 [sflag:s8], $0x0  }
0x24: {  	s3 =	sadd.s32 $0x88, s3;
	s6 =	simm.s32 @!p1 $0x1082;
	[sflag:s4] =	ssyncset.s32 $0xFFFFF086  }
0x25: {  	[simem:s6], [sflag:s4] =	dma.local [hbm:s3], $0xF7A  }
0x26: {  	[smem:$0x3F90] =	sst s1;
	(tag) =	ssettag s2;
	_ =	strace s9  }
0x27: {  	s1 =	sld [smem:$0x3FA0]  }
0x28: {  	s2 =	sld [smem:$0x3FA1]  }
0x29: {  	s4 =	sld [smem:$0x3FA3]  }
0x2a: {  	p0 =	seq.s32 s5, $0x0;
	s5 =	sld [smem:$0x3FA4]  }
0x2b: {  	s6 =	sld [smem:$0x3FA5]  }
0x2c: {  	s7 =	sld [smem:$0x3FA6]  }
0x2d: {  	s3 =	simm.s32 $0x108;
	s8 =	sld [smem:$0x3FA7]  }
0x2e: {  	s3 =	simm.s32 @!p0 $0x1082;
	s9 =	sld [smem:$0x3FA8]  }
0x2f: {  	lr =	sadd.s32 s0, s3;
	s0 =	sld [smem:$0x3F9F]  }
0x30: {  	s3 =	sld [smem:$0x3FA2]  }
0x31: {  	[smem:$0x3FAB] =	sst s10  }
0x32: {  	s10 =	sld [smem:$0x3FA9];
	_ =	sdelay $0x3  }
0x33: {  	p0 =	seq.s32 s10, $0x1;
	s10 =	sld [smem:$0x3FAB];
	_ =	sdelay $0x3  }
0x34: {  	[smem:$0x3FAB] =	sst s10  }
0x35: {  	s10 =	sld [smem:$0x3FAA];
	_ =	sdelay $0x3  }
0x36: {  	p1 =	seq.s32 s10, $0x1;
	s10 =	sld [smem:$0x3FAB];
	_ =	sdelay $0x3  }
0x37: {  	[smem:$0x3FAB] =	sst s10  }
0x38: {  	s10 =	sld [smem:$0x3FAC]  }
0x39: {  	_ = 	snop;
	(pc) =	sbr.ind lr, $3  }
0x3a: {  	_ = 	snop  }
0x3b: {  	_ = 	snop  }
0x3c: {  	p2 =	seq.s32 s10, $0x1;
	s10 =	sld [smem:$0x3FAB]  }
0x3d: {  	_ =	shalt  }
0x3e: {  	_ =	shalt  }
0x3f: {  	_ =	shalt  }
0x40: {  	_ =	shalt  }
0x41: {  	_ =	shalt  }
0x42: {  	_ =	shalt  }
0x43: {  	_ =	shalt  }
0x44: {  	_ =	shalt  }
0x45: {  	_ =	shalt  }
0x46: {  	_ =	shalt  }
0x47: {  	_ =	shalt  }
0x48: {  	_ =	shalt  }
0x49: {  	_ =	shalt  }
0x4a: {  	_ =	shalt  }
0x4b: {  	_ =	shalt  }
0x4c: {  	_ =	shalt  }
0x4d: {  	_ =	shalt  }
0x4e: {  	_ =	shalt  }
0x4f: {  	_ =	shalt  }
0x50: {  	_ =	shalt  }
0x51: {  	_ =	shalt  }
0x52: {  	_ =	shalt  }
0x53: {  	_ =	shalt  }
0x54: {  	_ =	shalt  }
0x55: {  	_ =	shalt  }
0x56: {  	_ =	shalt  }
0x57: {  	_ =	shalt  }
0x58: {  	_ =	shalt  }
0x59: {  	_ =	shalt  }
0x5a: {  	_ =	shalt  }
0x5b: {  	_ =	shalt  }
0x5c: {  	_ =	shalt  }
0x5d: {  	_ =	shalt  }
0x5e: {  	_ =	shalt  }
0x5f: {  	_ =	shalt  }
0x60: {  	_ =	shalt  }
0x61: {  	_ =	shalt  }
0x62: {  	_ =	shalt  }
0x63: {  	_ =	shalt  }
0x64: {  	_ =	shalt  }
0x65: {  	_ =	shalt  }
0x66: {  	_ =	shalt  }
0x67: {  	_ =	shalt  }
0x68: {  	_ =	shalt  }
0x69: {  	_ =	shalt  }
0x6a: {  	_ =	shalt  }
0x6b: {  	_ =	shalt  }
0x6c: {  	_ =	shalt  }
0x6d: {  	_ =	shalt  }
0x6e: {  	_ =	shalt  }
0x6f: {  	_ =	shalt  }
0x70: {  	_ =	shalt  }
0x71: {  	_ =	shalt  }
0x72: {  	_ =	shalt  }
0x73: {  	_ =	shalt  }
0x74: {  	_ =	shalt  }
0x75: {  	_ =	shalt  }
0x76: {  	_ =	shalt  }
0x77: {  	_ =	shalt  }
0x78: {  	_ =	shalt  }
0x79: {  	_ =	shalt  }
0x7a: {  	_ =	shalt  }
0x7b: {  	_ =	shalt  }
0x7c: {  	_ =	shalt  }
0x7d: {  	_ =	shalt  }
0x7e: {  	_ =	shalt  }
0x7f: {  	_ =	shalt  }
0x80: {  	_ =	shalt  }
0x81: {  	_ =	shalt  }
0x82: {  	_ =	shalt  }
0x83: {  	_ =	shalt  }
0x84: {  	_ =	shalt  }
0x85: {  	_ =	shalt  }
0x86: {  	_ =	shalt  }
0x87: {  	_ =	shalt  }
.Lfunc_end0:
.L_simem_size_0:
called_computation.2_lowered:
.L_overlay_start_0:
0x88: {  	s2 =	sld [smem:$0x3FD9]  }
0x89: {  	s3 =	sld [smem:$0x3FFE];
	_ =	sdelay $0x1  }
0x8a: {  	s1 =	srdreg.scid  }
0x8b: {  	s0 =	sand.u32 $0x1, s1  }
0x8c: {  	s17 =	sshll.u32 s0, $0xA;
	s2 =	sadd.s32 s3, s2  }
0x8d: {  	s2 =	sadd.s32 s2, s17  }
0x8e: {  	[smem:$0x3FB7] =	sst s2  }
0x8f: {  	_ = 	snop  }
0x90: {  	s2 =	sld [smem:$0x3FC7];
	(tm) =	ssettm $0x1  }
0x91: {  	s18 =	sld [smem:$0x3FFB];
	_ =	sdelay $0x3  }
0x92: {  	_ =	strace s18  }
0x93: {  	s3 =	sld [smem:$0x3FFC];
	_ =	sdelay $0x3  }
0x94: {  	_ =	strace s3  }
0x95: {  	s3 =	sld [smem:$0x3FFD];
	_ =	sdelay $0x3  }
0x96: {  	_ =	strace s3  }
0x97: {  	_ =	strace $0x8FFFFFFF  }
0x98: {  	s19 =	sld [smem:$0x3FDB];
	_ =	sdelay $0x1  }
0x99: {  	s4 =	simm.s32 $_scs_section_size  }
0x9a: {  	s5 =	simm.s32 $_size__tile_overlayer_lowered;
	s6 =	simm.s32 $_tile_overlayer_lowered  }
0x9b: {  	s22 =	simm.s32 $0x1BFF;
	s21 =	sshll.u32 s6, $0x1;
	s3 =	sadd.s32 s4, s19  }
0x9c: {  	s7 =	simm.s32 $0x0;
	s20 =	sshll.u32 s5, $0x1;
	s5 =	sadd.s32 s21, s3  }
0x9d: {  	[timem:s7], [sflag:s22] =	dma.local [hbm:s5], s20  }
0x9e: {  	_ =	swait.ge [sflag:s22], s20  }
0x9f: {  	s4 =	ssub.s32 $0x0, s20;
	[sflag:s22] =	ssyncset.done $0x0  }
0xa0: {  	[sflag:s22] =	ssyncadd.s32 s4;
	_ =	sdelay $0x1  }
0xa1: {  	s23 =	simm.s32 $0x1B8B  }
0xa2: {  	_ =	swait.ge [sflag:s23], $0x1  }
0xa3: {  	[sflag:s23] =	ssyncset.done $0x0  }
0xa4: {  	s25 =	simm.s32 $0x1B8E;
	s24 =	sld [smem:$0x3FFE];
	[sflag:s23] =	ssyncadd.s32 $0xFFFFFFFF  }
0xa5: {  	s26 =	simm.s32 $execute0_lowered;
	[smem:$0x3FD2] =	sst s25  }
0xa6: {  	s5 =	sshll.u32 s26, $0x1;
	_ =	strace $0x8000004C;
	[dreg:$0x1] =	wrdreg $0xFFFFFFFF  }
0xa7: {  	s28 =	simm.s32 $_size_execute0_lowered;
	s3 =	sadd.s32 s3, s5;
	[dreg:$0x0] =	wrdreg $0x0  }
0xa8: {  	s5 =	sshll.u32 s28, $0x1;
	[dreg:$0x2] =	wrdreg s3  }
0xa9: {  	[dreg:$0x3] =	wrdreg s5  }
0xaa: {  	[dreg:$0x4] =	wrdreg $0xC0  }
0xab: {  	_ =	task [dreg:s7], $0x5FFFF  }
0xac: {  	[dreg:$0x1] =	wrdreg $0xFFFFFFFF  }
0xad: {  	[dreg:$0x0] =	wrdreg $0x60  }
0xae: {  	[dreg:$0x2] =	wrdreg s24  }
0xaf: {  	[dreg:$0x3] =	wrdreg s2  }
0xb0: {  	[dreg:$0x4] =	wrdreg $0xA7000  }
0xb1: {  	[dreg:$0x5] =	wrdreg $0x9  }
0xb2: {  	_ =	task.clear_ibuf [dreg:s7], $0x6FFFF;
	_ =	strace $0x9000004C  }
0xb3: {  	s29 =	simm.s32 $0x9;
	_ =	strace $0x8000004E  }
0xb4: {  	_ =	swait.ge [sflag:s29], $0x1  }
0xb5: {  	[sflag:s29] =	ssyncadd.s32 $0xFFFFFFFF  }
0xb6: {  	_ =	strace $0x9000004E  }
0xb7: {  	_ =	sfence  }
0xb8: {  	s30 =	sld [smem:$0x0];
	_ =	sdelay $0x2  }
0xb9: {  	s31 =	sshll.u32 s1, $0xD;
	s1 =	sshrl.u32 s1, $0x2  }
0xba: {  	s3 =	sand.u32 $0x4000, s31;
	s1 =	sadd.s32 s1, s30  }
0xbb: {  	s0 =	sor.u32 s3, s0;
	s1 =	sshll.u32 s1, $0x11  }
0xbc: {  	s0 =	sor.u32 s1, s0  }
0xbd: {  	s0 =	sadd.s32 $0x8F2B, s0  }
0xbe: {  	[sflag:s0] =	ssyncadd.remote.s32 $0x1  }
0xbf: {  	_ =	sfence.sel $0xFFFF  }
0xc0: {  	[dreg:$0x0] =	wrdreg $0xFFFFFFFF;
	(pc) =	sbr.abs _section_cstart, $3  }
0xc1: {  	[dreg:$0x1] =	wrdreg $0xFFFFFFFF  }
0xc2: {  	_ =	task.clear_ibuf [dreg:s7], $0x2FFFF;
	_ =	strace $0x9FFFFFFF  }
0xc3: {  	(tm) =	ssettm $0x7FFFFFFF  }
tec
execute0_lowered:
.L_overlay_start_1:
0x0: {  	(tag) =	ssettag $0x1  }
0x1: {  	s0 =	rddreg [dreg:$0x0]  }
0x2: {  	s1 =	rddreg [dreg:$0x1]  }
0x3: {  	s2 =	rddreg [dreg:$0x2];
	s3 =	simm.s32 $0x0  }
0x4: {  	s6 =	srdreg.scid;
	s4 =	stileid.u32;
	s22 =	simm.s32 $0x100  }
0x5: {  	s23 =	simm.s32 $0x200;
	s24 =	simm.s32 $0xC8;
	s25 =	simm.s32 $0x300  }
0x6: {  	s26 =	simm.s32 $0x1;
	[smem:$0x7FF] =	sst s3;
	s5 =	sadd.s32 $0x18000, s0  }
0x7: {  	s9 =	sand.u32 $0x1, s6;
	s6 =	sadd.s32 $0x4400, s0;
	s10 =	smul.u32 $0x50000, s4  }
0x8: {  	s7 =	sadd.s32 $0xE200, s0;
	s0 =	sadd.s32 $0x3F200, s0;
	s13 =	smul.u32 $0x14000, s4  }
0x9: {  	_ =	strace $0x8000004D;
	s8 =	ssub.s32 $0x2, s9;
	s12 =	sshll.u32 s9, $0x4  }
0xa: {  	s17 =	smul.u32 $0x140000, s9;
	s11 =	sshrl.u32 s8, $0x1;
	s10 =	sshrl.u32 s10, $0x2  }
0xb: {  	s14 =	sor.u32 s4, s12;
	s15 =	sadd.s32 $0x4000, s13;
	s16 =	sadd.s32 $0x8000, s13  }
0xc: {  	s18 =	sadd.s32 $0xC000, s13;
	s20 =	sadd.s32 $0x10000, s13;
	s19 =	ssub.s32 s8, s11  }
0xd: {  	s8 =	sadd.s32 s10, s2;
	s9 =	sadd.s32 s15, s2;
	s10 =	sadd.s32 s16, s2  }
0xe: {  	s11 =	sadd.s32 s18, s2;
	s13 =	sadd.s32 s13, s17;
	s12 =	sadd.s32 s20, s2  }
0xf: {  	s15 =	sadd.s32 s17, s15;
	s16 =	sadd.s32 s17, s16;
	s18 =	sadd.s32 s17, s18  }
0x10: {  	s20 =	sadd.s32 s17, s20;
	s21 =	sshrl.u32 s13, $0x3;
	s13 =	smul.u32 $0x2710, s14  }
0x11: {  	s15 =	sshrl.u32 s15, $0x3;
	s16 =	sshrl.u32 s16, $0x3;
	s18 =	sshrl.u32 s18, $0x3  }
0x12: {  	s31 =	sshrl.u32 s20, $0x3;
	s19 =	smax.u32 s19, $0x1;
	s20 =	simm.s32 $0x6700  }
0x13: {  	s14 =	sadd.s32 s0, s21;
	s15 =	sadd.s32 s0, s15;
	s16 =	sadd.s32 s0, s16  }
0x14: {  	v0 =	vimm.f32 $0.0e+00;
	s17 =	sadd.s32 s0, s18;
	s18 =	sadd.s32 s0, s31;
	s21 =	simm.s32 $0x2  }
.LBB2_1:
0x15: {  	s0 =	simm.s32 $0x0;
	s28 =	simm.s32 $0x200  }
.LBB2_2:
0x16: {  	p0 =	sne.s32 s28, $0xFE00;
	[tilespmem:s0+$0x6770] =	vst v0  }
0x17: {  	[tilespmem:s0+$0x6700] =	vst v0  }
0x18: {  	[tilespmem:s0+$0x6710] =	vst v0  }
.Ltmp0:
0x19: {  	[tilespmem:s0+$0x6720] =	vst v0;
	(pc) =	sbr.rel @p0 .LBB2_2-.Ltmp0, $4  }
0x1a: {  	[tilespmem:s0+$0x6730] =	vst v0  }
0x1b: {  	[tilespmem:s0+$0x6740] =	vst v0  }
0x1c: {  	[tilespmem:s0+$0x6750] =	vst v0  }
0x1d: {  	[tilespmem:s0+$0x6760] =	vst v0;
	s0 =	sshra.s32 s28, $0x2;
	s28 =	sadd.s32 $0x200, s28  }
0x1e: {  	[tilespmem:s0+$0x6770] =	vst v0  }
0x1f: {  	[tilespmem:s0+$0x6700] =	vst v0  }
0x20: {  	[tilespmem:s0+$0x6710] =	vst v0  }
0x21: {  	[tilespmem:s0+$0x6720] =	vst v0  }
0x22: {  	[tilespmem:s0+$0x6730] =	vst v0  }
0x23: {  	[tilespmem:s0+$0x6740] =	vst v0  }
0x24: {  	[tilespmem:s0+$0x6750] =	vst v0  }
0x25: {  	[tilespmem:s0+$0x6760] =	vst v0  }
0x26: {  	[spmem:s8] =	stream.linear.scatter [tilespmem:s20], [sflag:$0x2], $0x4000, $0x38;
	[tilespmem:$0x1E700] =	vst v63  }
0x27: {  	_ =	swait.ge [sflag:s21], $0x4000  }
0x28: {  	[sflag:s21] =	ssyncset.done $0x0  }
0x29: {  	[sflag:s21] =	ssyncadd.s32 $0xFFFFC000  }
0x2a: {  	[spmem:s9] =	stream.linear.scatter [tilespmem:s20], [sflag:$0x2], $0x4000, $0x38;
	[tilespmem:$0x1E700] =	vst v63  }
0x2b: {  	_ =	swait.ge [sflag:s21], $0x4000  }
0x2c: {  	[sflag:s21] =	ssyncset.done $0x0  }
0x2d: {  	[sflag:s21] =	ssyncadd.s32 $0xFFFFC000  }
0x2e: {  	[spmem:s10] =	stream.linear.scatter [tilespmem:s20], [sflag:$0x2], $0x4000, $0x38;
	[tilespmem:$0x1E700] =	vst v63  }
0x2f: {  	_ =	swait.ge [sflag:s21], $0x4000  }
0x30: {  	[sflag:s21] =	ssyncset.done $0x0  }
0x31: {  	[sflag:s21] =	ssyncadd.s32 $0xFFFFC000  }
0x32: {  	[spmem:s11] =	stream.linear.scatter [tilespmem:s20], [sflag:$0x2], $0x4000, $0x38;
	[tilespmem:$0x1E700] =	vst v63  }
0x33: {  	_ =	swait.ge [sflag:s21], $0x4000  }
0x34: {  	[sflag:s21] =	ssyncset.done $0x0  }
0x35: {  	[sflag:s21] =	ssyncadd.s32 $0xFFFFC000  }
0x36: {  	[spmem:s12] =	stream.linear.scatter [tilespmem:s20], [sflag:$0x2], $0x4000, $0x38;
	[tilespmem:$0x1E700] =	vst v63  }
0x37: {  	_ =	swait.ge [sflag:s21], $0x4000  }
0x38: {  	[sflag:s21] =	ssyncset.done $0x0  }
0x39: {  	[sflag:s21] =	ssyncadd.s32 $0xFFFFC000  }
0x3a: {  	s28 =	simm.s32 $0x0;
	s29 =	simm.s32 $0x0;
	[bflag:$0x0] =	sbarrier.arrive $0xFFFF  }
.LBB2_4:
0x3b: {  	s0 =	smul.u32 $0xC8, s29;
	_ =	sdelay $0x1  }
0x3c: {  	s0 =	sadd.s32 s13, s0  }
0x3d: {  	s0 =	sshrl.u32 s0, $0x3  }
0x3e: {  	s30 =	sadd.s32 s6, s0  }
0x3f: {  	[tilespmem:s28], [sflag:$0x2] =	stream.linear.gather [hbm4b:s30+s28], $0xC8, $0x38;
	[tilespmem:$0x1E700] =	vst v63  }
0x40: {  	_ =	swait.ge [sflag:s21], $0xC8  }
0x41: {  	[sflag:s21] =	ssyncset.done $0x0  }
0x42: {  	s30 =	sadd.s32 s7, s0;
	[sflag:s21] =	ssyncadd.s32 $0xFFFFFF38  }
0x43: {  	[tilespmem:s22], [sflag:$0x2] =	stream.linear.gather [hbm4b:s30+s28], $0xC8, $0x38;
	[tilespmem:$0x1E700] =	vst v63  }
0x44: {  	_ =	swait.ge [sflag:s21], $0xC8  }
0x45: {  	[sflag:s21] =	ssyncset.done $0x0  }
0x46: {  	s0 =	sadd.s32 s1, s0;
	[sflag:s21] =	ssyncadd.s32 $0xFFFFFF38  }
0x47: {  	[tilespmem:s23], [sflag:$0x2] =	stream.linear.gather [hbm4b:s0+s28], $0xC8, $0x38;
	[tilespmem:$0x1E700] =	vst v63  }
0x48: {  	_ =	swait.ge [sflag:s21], $0xC8  }
0x49: {  	[sflag:s21] =	ssyncset.done $0x0  }
0x4a: {  	[sflag:s21] =	ssyncadd.s32 $0xFFFFFF38  }
0x4b: {  	[tilespmem:s25], [sflag:$0x1] =	stream.indirect.gather [hbm4b:s5+s24], $0x80, s28, s24, $0xb8;
	[tilespmem:$0x1E700] =	vst v63  }
0x4c: {  	_ =	swait.ge [sflag:s26], $0x6400  }
0x4d: {  	v1 =	vmov s28;
	[sflag:s26] =	ssyncset.done $0x0  }
0x4e: {  	s30 =	simm.s32 $0x340;
	[sflag:s26] =	ssyncadd.s32 $0xFFFF9C00  }
0x4f: {  	v5 =	vld [tilespmem:s30+$0x30]  }
0x50: {  	v8 =	vld [tilespmem:s30+$0x10]  }
0x51: {  	v6 =	vld [tilespmem:s30+$0xFFFFFFC0]  }
0x52: {  	v2 =	vld.idx.msk [tilespmem:v1+s23+$0x0], $0xffff  }
0x53: {  	v10 =	vld [tilespmem:s30+$0xFFFFFFE0]  }
0x54: {  	v1 =	vld [tilespmem:s30+$0xFFFFFFF0]  }
0x55: {  	v3 =	vld [tilespmem:s30+$0x20]  }
0x56: {  	v4 =	vld [tilespmem:s30+$0xFFFFFFD0]  }
0x57: {  	v9 =	vmul.f32 v5, v2;
	v5 =	vld [tilespmem:s30+$0x0]  }
0x58: {  	v7 =	vmul.f32 v6, v2  }
0x59: {  	s31 =	simm.s32 $0x1;
	s0 =	simm.s32 $0x340;
	v6 =	vmul.f32 v10, v2;
	v8 =	vmul.f32 v8, v2  }
.LBB2_5:
0x5a: {  	p0 =	sne.s32 s31, $0xC7  }
0x5b: {  	v4 =	vmul.f32 v4, v2;
	v3 =	vmul.f32 v3, v2;
	[tilespmem:s30+$0x30] =	vst v9;
	s0 =	sadd.s32 $0x80, s0;
	s4 =	smov.u32 s31;
	s31 =	sadd.s32 $0x1, s31  }
0x5c: {  	[tilespmem:s30+$0xFFFFFFC0] =	vst v7;
	v7 =	vmul.f32 v1, v2;
	v2 =	vmul.f32 v5, v2  }
0x5d: {  	[tilespmem:s30+$0x10] =	vst v8  }
0x5e: {  	v5 =	vmov s4;
	[tilespmem:s30+$0xFFFFFFE0] =	vst v6  }
0x5f: {  	v1 =	vld [tilespmem:s0+$0xFFFFFFF0];
	[tilespmem:s30+$0xFFFFFFF0] =	vst v7  }
0x60: {  	v6 =	vld [tilespmem:s0+$0x30];
	[tilespmem:s30+$0x0] =	vst v2  }
0x61: {  	v8 =	vld [tilespmem:s0+$0x10];
	[tilespmem:s30+$0x20] =	vst v3  }
0x62: {  	v7 =	vld [tilespmem:s0+$0xFFFFFFC0];
	[tilespmem:s30+$0xFFFFFFD0] =	vst v4;
	s30 =	smov.u32 s0  }
0x63: {  	v2 =	vld.idx.msk [tilespmem:v5+s23+$0x0], $0xffff  }
0x64: {  	v10 =	vld [tilespmem:s0+$0xFFFFFFE0]  }
0x65: {  	v3 =	vld [tilespmem:s0+$0x20]  }
.Ltmp1:
0x66: {  	v4 =	vld [tilespmem:s0+$0xFFFFFFD0];
	(pc) =	sbr.rel @p0 .LBB2_5-.Ltmp1, $3  }
0x67: {  	v5 =	vld [tilespmem:s0+$0x0];
	_ =	sdelay $0x1  }
0x68: {  	v7 =	vmul.f32 v7, v2;
	v9 =	vmul.f32 v6, v2  }
0x69: {  	v8 =	vmul.f32 v8, v2;
	v6 =	vmul.f32 v10, v2  }
0x6a: {  	[tilespmem:s30+$0x30] =	vst v9  }
0x6b: {  	[tilespmem:s30+$0xFFFFFFC0] =	vst v7  }
0x6c: {  	v1 =	vmul.f32 v1, v2;
	[tilespmem:s30+$0x10] =	vst v8  }
0x6d: {  	v3 =	vmul.f32 v3, v2;
	[tilespmem:s30+$0xFFFFFFE0] =	vst v6  }
0x6e: {  	v5 =	vmul.f32 v5, v2;
	[tilespmem:s30+$0xFFFFFFF0] =	vst v1  }
0x6f: {  	s29 =	sadd.s32 $0x1, s29;
	v1 =	vmul.f32 v4, v2;
	[tilespmem:s30+$0x20] =	vst v3  }
0x70: {  	p0 =	sne.s32 s29, $0x32;
	[tilespmem:s30+$0x0] =	vst v5  }
.Ltmp2:
0x71: {  	[tilespmem:s30+$0xFFFFFFD0] =	vst v1;
	(pc) =	sbr.rel @p0 .LBB2_4-.Ltmp2, $4  }
0x72: {  	[spmem:s2] =	stream.indirect.scatter.add.f32 [tilespmem:s25], [sflag:$0x2], $0x80, s22, s24, $0xb8;
	[tilespmem:$0x1E700] =	vst v63  }
0x73: {  	_ =	swait.ge [sflag:s21], $0x6400  }
0x74: {  	[sflag:s21] =	ssyncset.done $0x0  }
0x75: {  	[sflag:s21] =	ssyncadd.s32 $0xFFFF9C00  }
0x76: {  	s0 =	stileid.u32  }
0x77: {  	s0 =	sshll.u32 s0, $0x6  }
0x78: {  	[bflag:$0x0] =	sbarrier.arrive $0xFFFF;
	s4 =	sshrl.u32 s8, $0x3;
	s0 =	sor.u32 $0x1C02, s0  }
0x79: {  	[hbm:s14], [sflag:s0] =	dma.local [spmem:s4], $0x800  }
0x7a: {  	_ =	swait.ge [sflag:s21], $0x800  }
0x7b: {  	[sflag:s21] =	ssyncset.done $0x0  }
0x7c: {  	s28 =	sshrl.u32 s9, $0x3;
	[sflag:s21] =	ssyncadd.s32 $0xFFFFF800  }
0x7d: {  	[hbm:s15], [sflag:s0] =	dma.local [spmem:s28], $0x800  }
0x7e: {  	_ =	swait.ge [sflag:s21], $0x800  }
0x7f: {  	[sflag:s21] =	ssyncset.done $0x0  }
0x80: {  	s29 =	sshrl.u32 s10, $0x3;
	[sflag:s21] =	ssyncadd.s32 $0xFFFFF800  }
0x81: {  	[hbm:s16], [sflag:s0] =	dma.local [spmem:s29], $0x800  }
0x82: {  	_ =	swait.ge [sflag:s21], $0x800  }
0x83: {  	[sflag:s21] =	ssyncset.done $0x0  }
0x84: {  	s30 =	sshrl.u32 s11, $0x3;
	[sflag:s21] =	ssyncadd.s32 $0xFFFFF800  }
0x85: {  	[hbm:s17], [sflag:s0] =	dma.local [spmem:s30], $0x800  }
0x86: {  	s3 =	sadd.s32 $0x1, s3;
	_ =	swait.ge [sflag:s21], $0x800  }
0x87: {  	p0 =	sne.s32 s3, s19;
	[sflag:s21] =	ssyncset.done $0x0  }
.Ltmp3:
0x88: {  	s31 =	sshrl.u32 s12, $0x3;
	[sflag:s21] =	ssyncadd.s32 $0xFFFFF800;
	(pc) =	sbr.rel @p0 .LBB2_1-.Ltmp3, $4  }
0x89: {  	[hbm:s18], [sflag:s0] =	dma.local [spmem:s31], $0x800  }
0x8a: {  	_ =	swait.ge [sflag:s21], $0x800  }
0x8b: {  	[sflag:s21] =	ssyncset.done $0x0  }
0x8c: {  	[sflag:s21] =	ssyncadd.s32 $0xFFFFF800  }
0x8d: {  	_ =	sfence.sel $0x180000  }
0x8e: {  	[bflag:$0x0] =	sbarrier.arrive $0xFFFF  }
0x8f: {  	_ =	strace $0x9000004D  }
0x90: {  	s0 =	stileid.u32;
	[bflag:$0x2] =	sbarrier.arrive $0xFFFF  }
0x91: {  	p0 =	sne.s32 s0, $0x0;
	s0 =	rddreg [dreg:$0x3]  }
0x92: {  	s0 =	sadd.s32 @!p0 $0x100000, s0  }
0x93: {  	[sflag:s0] =	ssyncadd.tile.s32 @!p0 $0x1;
	_ =	shalt  }
.Lfunc_end2:
_tile_overlayer_lowered:
.L_overlay_start_2:
0x94: {  	(tag) =	ssettag $0x2  }
0x95: {  	s0 =	rddreg [dreg:$0x0];
	s2 =	stileid.u32  }
0x96: {  	s1 =	rddreg [dreg:$0x1];
	p0 =	sne.s32 s2, $0x0  }
0x97: {  	s3 =	rddreg [dreg:$0x2];
	[bflag:$0x3] =	sbarrier.arrive $0xFFFF;
	s2 =	simm.s32 @!p0 $0x1C02  }
0x98: {  	[timem:s3], [sflag:s2] =	dma.local @!p0 [hbm:s0], s1  }
0x99: {  	s0 =	simm.s32 @!p0 $0x2  }
0x9a: {  	_ =	swait.ge @!p0 [sflag:s0], s1  }
0x9b: {  	s1 =	ssub.s32 @!p0 $0x0, s1;
	[sflag:s0] =	ssyncset.done @!p0 $0x0  }
0x9c: {  	[sflag:s0] =	ssyncadd.s32 @!p0 s1  }
0x9d: {  	[bflag:$0x3] =	sbarrier.arrive $0xFFFF  }
0x9e: {  	_ =	shalt  }

</sc_bundles>
